<compile_context>
chip_gen: v7x
topology: tpu7x:2x2x1
jax: 0.10.2.dev20260603
libtpu: 0.0.44.dev20260713+nightly
codegen_flags: <defaults>
</compile_context>

<pallas_src>
import functools

import jax
import jax.numpy as jnp
from jax import lax
from jax.experimental import pallas as pl
from jax.experimental.pallas import tpu as pltpu
from jax.experimental.pallas import tpu_sc as plsc

B = 16384
VOCAB = 100000
EMB = 64
NG = 19
NGR = 30
NC_CAT = 20
NCAT = NG + NGR + NC_CAT
CATP = 128
FD = 128
EPS = 1e-3

IDXW = 128
GRP = 16
BLK = 2048
SUBB = 512
NSUB = BLK // SUBB
NBLK = B // BLK


def _make_gather():
    info = plsc.get_sparse_core_info()
    num_cores, num_subcores = info.num_cores, info.num_subcores
    nw = num_cores * num_subcores
    bpw = B // nw
    chunks = bpw // IDXW
    ngrp = bpw // GRP

    mesh = plsc.VectorSubcoreMesh(core_axis_name="c", subcore_axis_name="s")

    @functools.partial(
        pl.kernel,
        out_type=(
            jax.ShapeDtypeStruct((B, EMB), jnp.float32),
            jax.ShapeDtypeStruct((nw, 8, bpw), jnp.int32),
        ),
        mesh=mesh,
        scratch_types=[
            pltpu.VMEM((bpw,), jnp.int32),
            pltpu.VMEM((bpw, EMB), jnp.float32),
            pltpu.VMEM((8, bpw), jnp.int32),
            pltpu.SemaphoreType.DMA,
            pltpu.SemaphoreType.DMA,
        ],
    )
    def gather(ids_hbm, emb_hbm, gmap, grmap, cmap,
               emb_out, cats_out,
               idx_v, rows_v, cats_v, sem, sem2):
        wid = lax.axis_index("s") * num_cores + lax.axis_index("c")
        base = wid * bpw

        pltpu.sync_copy(ids_hbm.at[pl.ds(base, bpw)], idx_v)

        map_cps = []
        for c in range(chunks):
            sl = pl.ds(c * IDXW, IDXW)
            map_cps.append(pltpu.async_copy(
                gmap.at[idx_v.at[sl]], cats_v.at[0, sl], sem))
            map_cps.append(pltpu.async_copy(
                grmap.at[idx_v.at[sl]], cats_v.at[1, sl], sem))
            map_cps.append(pltpu.async_copy(
                cmap.at[idx_v.at[sl]], cats_v.at[2, sl], sem))

        def body(g, carry):
            vec = idx_v[pl.ds(g * GRP, GRP)]
            grp_cps = []
            for jj in range(GRP):
                off = pl.multiple_of(vec[jj] * EMB, EMB)
                grp_cps.append(pltpu.async_copy(
                    emb_hbm.at[pl.ds(off, EMB)],
                    rows_v.at[g * GRP + jj], sem2))

            @pl.when(g > 2)
            def _():
                for cp in grp_cps:
                    cp.wait()

            return carry

        lax.fori_loop(0, ngrp, body, 0)

        for jj in range(3 * GRP):
            pltpu.make_async_copy(
                emb_hbm.at[pl.ds(0, EMB)],
                rows_v.at[jj % GRP], sem2).wait()
        for cp in map_cps:
            cp.wait()

        pltpu.sync_copy(rows_v, emb_out.at[pl.ds(base, bpw)])
        pltpu.sync_copy(cats_v, cats_out.at[wid])

    return gather


def _tc_body(cats_ref, emb_ref, we_ref, wc_ref,
             ge_ref, be_ref, me_ref, ve_ref,
             gc_ref, bc_ref, mc_ref, vc_ref, out_ref):
    g = jnp.concatenate([cats_ref[k, 0:1, :] for k in range(NSUB)], axis=1)
    gr = jnp.concatenate([cats_ref[k, 1:2, :] for k in range(NSUB)], axis=1)
    c = jnp.concatenate([cats_ref[k, 2:3, :] for k in range(NSUB)], axis=1)

    sub = lax.broadcasted_iota(jnp.int32, (CATP, BLK), 0)
    hot = (sub == g) | (sub == gr + NG) | (sub == c + (NG + NGR))

    s_cat = gc_ref[...] * lax.rsqrt(vc_ref[...] + EPS)
    t_cat = bc_ref[...] - mc_ref[...] * s_cat
    xcat_t = jnp.where(hot, s_cat + t_cat, t_cat)

    s_emb = ge_ref[...] * lax.rsqrt(ve_ref[...] + EPS)
    t_emb = be_ref[...] - me_ref[...] * s_emb
    xemb = emb_ref[...] * s_emb + t_emb

    acc = lax.dot_general(xemb, we_ref[...], (((1,), (0,)), ((), ())),
                          preferred_element_type=jnp.float32)
    acc = acc + lax.dot_general(xcat_t, wc_ref[...], (((0,), (0,)), ((), ())),
                                preferred_element_type=jnp.float32)
    out_ref[...] = acc


def _const2(i):
    return (0, 0)


_tc_call = pl.pallas_call(
    _tc_body,
    grid=(NBLK,),
    in_specs=[
        pl.BlockSpec((NSUB, 8, SUBB), lambda i: (i, 0, 0)),
        pl.BlockSpec((BLK, EMB), lambda i: (i, 0)),
        pl.BlockSpec((EMB, FD), _const2),
        pl.BlockSpec((CATP, FD), _const2),
        pl.BlockSpec((1, EMB), _const2),
        pl.BlockSpec((1, EMB), _const2),
        pl.BlockSpec((1, EMB), _const2),
        pl.BlockSpec((1, EMB), _const2),
        pl.BlockSpec((CATP, 1), _const2),
        pl.BlockSpec((CATP, 1), _const2),
        pl.BlockSpec((CATP, 1), _const2),
        pl.BlockSpec((CATP, 1), _const2),
    ],
    out_specs=pl.BlockSpec((BLK, FD), lambda i: (i, 0)),
    out_shape=jax.ShapeDtypeStruct((B, FD), jnp.float32),
)


def kernel(article_id, emb_table, group_map, graphical_map, colour_map,
           gamma, beta, moving_mean, moving_var, W):
    emb_rows, cats = _make_gather()(
        article_id, emb_table.reshape(-1), group_map, graphical_map,
        colour_map)

    pad = CATP - NCAT
    we = W[:EMB]
    wc = jnp.pad(W[EMB:], ((0, pad), (0, 0)))
    ge = gamma[:EMB].reshape(1, EMB)
    be = beta[:EMB].reshape(1, EMB)
    me = moving_mean[:EMB].reshape(1, EMB)
    ve = moving_var[:EMB].reshape(1, EMB)
    gc = jnp.pad(gamma[EMB:], (0, pad)).reshape(CATP, 1)
    bc = jnp.pad(beta[EMB:], (0, pad)).reshape(CATP, 1)
    mc = jnp.pad(moving_mean[EMB:], (0, pad)).reshape(CATP, 1)
    vc = jnp.pad(moving_var[EMB:], (0, pad), constant_values=1.0).reshape(CATP, 1)

    return _tc_call(cats, emb_rows, we, wc, ge, be, me, ve, gc, bc, mc, vc)

# --- scband reference (transcript-rebuilt; emitter-appended) ---
"""Pipeline reference for scband-article-model-81226421502396 (READ-ONLY COPY).

The authoritative reference and input builder live on the scoring server;
editing this copy changes nothing except your own understanding.
"""

import jax, jax.numpy as jnp
import numpy as np

B = 16384
VOCAB = 100000
EMB = 64
NG = 19
NGR = 30
NC = 20
FEAT = EMB + NG + NGR + NC  # 133
FD = 128
EPS = 1e-3  # keras BatchNormalization default epsilon


def setup_inputs(seed: int = 0) -> dict:
    key = jax.random.key(seed)
    ks = jax.random.split(key, 8)
    return {
        "article_id": jax.random.randint(ks[0], (B,), 0, VOCAB, dtype=jnp.int32),
        "emb_table": jax.random.normal(ks[1], (VOCAB + 1, EMB), dtype=jnp.float32) * 0.05,
        "group_map": jax.random.randint(ks[2], (VOCAB + 1,), 0, NG, dtype=jnp.int32),
        "graphical_map": jax.random.randint(ks[3], (VOCAB + 1,), 0, NGR, dtype=jnp.int32),
        "colour_map": jax.random.randint(ks[4], (VOCAB + 1,), 0, NC, dtype=jnp.int32),
        "gamma": jnp.ones((FEAT,), dtype=jnp.float32),
        "beta": jnp.zeros((FEAT,), dtype=jnp.float32),
        "moving_mean": jnp.zeros((FEAT,), dtype=jnp.float32),
        "moving_var": jnp.ones((FEAT,), dtype=jnp.float32),
        "W": jax.random.normal(ks[5], (FEAT, FD), dtype=jnp.float32) * 0.02,
    }


def reference(article_id, emb_table, group_map, graphical_map, colour_map,
              gamma, beta, moving_mean, moving_var, W):
    # Embedding lookup + Flatten (no-op for 1-D ids -> [B, EMB])
    x = jnp.take(emb_table, article_id, axis=0)
    # StaticHashTable lookups (article_id -> category id), then one-hot CategoryEncoding
    xgroup = jax.nn.one_hot(jnp.take(group_map, article_id, axis=0), NG, dtype=jnp.float32)
    xgraphical = jax.nn.one_hot(jnp.take(graphical_map, article_id, axis=0), NGR, dtype=jnp.float32)
    xcolour = jax.nn.one_hot(jnp.take(colour_map, article_id, axis=0), NC, dtype=jnp.float32)
    # Concatenate
    x = jnp.concatenate([x, xgroup, xgraphical, xcolour], axis=1)
    # BatchNormalization (inference mode: moving statistics)
    x = gamma * (x - moving_mean) * jax.lax.rsqrt(moving_var + EPS) + beta
    # Dense, linear activation, no bias
    return x @ W

if __name__ == "__main__":
    import jax
    _d = setup_inputs()
    print(jax.jit(kernel)(*tuple(_d.values())))

</pallas_src>

<mosaic_0001>
#map = affine_map<(d0, d1) -> (0)>
#map1 = affine_map<(d0, d1) -> (0, 0)>
#map2 = affine_map<(d0, d1) -> (0, 0, 0)>
module attributes {stable_mosaic.version = 14 : i64} {
  func.func @gather(%arg0: i32, %arg1: i32, %arg2: memref<16384xi32, #tpu.memory_space<hbm>>, %arg3: memref<6400064xf32, #tpu.memory_space<hbm>>, %arg4: memref<100001xi32, #tpu.memory_space<hbm>>, %arg5: memref<100001xi32, #tpu.memory_space<hbm>>, %arg6: memref<100001xi32, #tpu.memory_space<hbm>>, %arg7: memref<16384x64xf32, #tpu.memory_space<hbm>>, %arg8: memref<32x8x512xi32, #tpu.memory_space<hbm>>, %arg9: memref<512xi32, #tpu.memory_space<vmem>>, %arg10: memref<512x64xf32, #tpu.memory_space<vmem>>, %arg11: memref<8x512xi32, #tpu.memory_space<vmem>>, %arg12: memref<!tpu.dma_semaphore, #tpu.memory_space<semaphore_mem>>, %arg13: memref<!tpu.dma_semaphore, #tpu.memory_space<semaphore_mem>>) attributes {dimension_semantics = [#tpu.dimension_semantics<core_parallel>, #tpu.dimension_semantics<subcore_parallel>], iteration_bounds = array<i64: 2, 16>, scalar_prefetch = 0 : i64, scratch_operands = 5 : i64, tpu.core_type = #tpu.core_type<sc_vector_subcore>, window_params = [{transform_indices = #map}, {transform_indices = #map}, {transform_indices = #map}, {transform_indices = #map}, {transform_indices = #map}, {transform_indices = #map1}, {transform_indices = #map2}]} {
    %mul3A = arith.constant 2 : i32
    %mul3A_0 = arith.muli %arg1, %mul3A : i32
    %add3A = arith.addi %mul3A_0, %arg0 : i32
    %mul3A_1 = arith.constant 512 : i32
    %mul3A_2 = arith.muli %add3A, %mul3A_1 : i32
    "tpu.region"() ({
      %run_scoped3A = tpu.sem_alloc : memref<!tpu.dma_semaphore, #tpu.memory_space<semaphore_mem>>
      %dma_start3A_726 = tpu.memref_slice %arg2[%mul3A_2] : memref<16384xi32, #tpu.memory_space<hbm>> -> memref<512xi32, #tpu.memory_space<hbm>>
      %dma_start3A_727 = tpu.memref_slice %arg2[%mul3A_2] : memref<16384xi32, #tpu.memory_space<hbm>> -> memref<512xi32, #tpu.memory_space<hbm>>
      tpu.enqueue_dma source(%dma_start3A_727 : memref<512xi32, #tpu.memory_space<hbm>>) target(%arg9 : memref<512xi32, #tpu.memory_space<vmem>>) target_semaphore(%run_scoped3A : memref<!tpu.dma_semaphore, #tpu.memory_space<semaphore_mem>>)
      %dma_wait3A_728 = tpu.memref_slice %arg2[%mul3A_2] : memref<16384xi32, #tpu.memory_space<hbm>> -> memref<512xi32, #tpu.memory_space<hbm>>
      %dma_wait3A_729 = tpu.memref_slice %arg2[%mul3A_2] : memref<16384xi32, #tpu.memory_space<hbm>> -> memref<512xi32, #tpu.memory_space<hbm>>
      tpu.wait_dma2 semaphore(%run_scoped3A : memref<!tpu.dma_semaphore, #tpu.memory_space<semaphore_mem>>) src(%dma_wait3A_729 : memref<512xi32, #tpu.memory_space<hbm>>) dst(%arg9 : memref<512xi32, #tpu.memory_space<vmem>>)
      tpu.yield
    }) : () -> ()
    %dma_start3A = arith.constant 0 : i32
    %dma_start3A_3 = arith.constant 0 : i32
    %dma_start3A_4 = tpu.memref_slice %arg11[%dma_start3A, %dma_start3A_3] : memref<8x512xi32, #tpu.memory_space<vmem>> -> memref<1x128xi32, #tpu.memory_space<vmem>>
    %dma_start3A_5 = tpu.memref_squeeze %dma_start3A_4 : memref<1x128xi32, #tpu.memory_space<vmem>> -> memref<128xi32, #tpu.memory_space<vmem>>
    %dma_start3A_6 = arith.constant 0 : i32
    %dma_start3A_7 = tpu.memref_slice %arg9[%dma_start3A_6] : memref<512xi32, #tpu.memory_space<vmem>> -> memref<128xi32, #tpu.memory_space<vmem>>
    %dma_start3A_8 = arith.constant 0 : i32
    %dma_start3A_9 = tpu.memref_slice %arg4[%dma_start3A_8] : memref<100001xi32, #tpu.memory_space<hbm>> -> memref<100001xi32, #tpu.memory_space<hbm>>
    tpu.enqueue_indirect_dma source(%dma_start3A_9 : memref<100001xi32, #tpu.memory_space<hbm>>) target(%dma_start3A_5 : memref<128xi32, #tpu.memory_space<vmem>>) offsets(%dma_start3A_7 : memref<128xi32, #tpu.memory_space<vmem>>) semaphore(%arg12 : memref<!tpu.dma_semaphore, #tpu.memory_space<semaphore_mem>>)
    %dma_start3A_10 = arith.constant 1 : i32
    %dma_start3A_11 = arith.constant 0 : i32
    %dma_start3A_12 = tpu.memref_slice %arg11[%dma_start3A_10, %dma_start3A_11] : memref<8x512xi32, #tpu.memory_space<vmem>> -> memref<1x128xi32, #tpu.memory_space<vmem>>
    %dma_start3A_13 = tpu.memref_squeeze %dma_start3A_12 : memref<1x128xi32, #tpu.memory_space<vmem>> -> memref<128xi32, #tpu.memory_space<vmem>>
    %dma_start3A_14 = arith.constant 0 : i32
    %dma_start3A_15 = tpu.memref_slice %arg9[%dma_start3A_14] : memref<512xi32, #tpu.memory_space<vmem>> -> memref<128xi32, #tpu.memory_space<vmem>>
    %dma_start3A_16 = arith.constant 0 : i32
    %dma_start3A_17 = tpu.memref_slice %arg5[%dma_start3A_16] : memref<100001xi32, #tpu.memory_space<hbm>> -> memref<100001xi32, #tpu.memory_space<hbm>>
    tpu.enqueue_indirect_dma source(%dma_start3A_17 : memref<100001xi32, #tpu.memory_space<hbm>>) target(%dma_start3A_13 : memref<128xi32, #tpu.memory_space<vmem>>) offsets(%dma_start3A_15 : memref<128xi32, #tpu.memory_space<vmem>>) semaphore(%arg12 : memref<!tpu.dma_semaphore, #tpu.memory_space<semaphore_mem>>)
    %dma_start3A_18 = arith.constant 2 : i32
    %dma_start3A_19 = arith.constant 0 : i32
    %dma_start3A_20 = tpu.memref_slice %arg11[%dma_start3A_18, %dma_start3A_19] : memref<8x512xi32, #tpu.memory_space<vmem>> -> memref<1x128xi32, #tpu.memory_space<vmem>>
    %dma_start3A_21 = tpu.memref_squeeze %dma_start3A_20 : memref<1x128xi32, #tpu.memory_space<vmem>> -> memref<128xi32, #tpu.memory_space<vmem>>
    %dma_start3A_22 = arith.constant 0 : i32
    %dma_start3A_23 = tpu.memref_slice %arg9[%dma_start3A_22] : memref<512xi32, #tpu.memory_space<vmem>> -> memref<128xi32, #tpu.memory_space<vmem>>
    %dma_start3A_24 = arith.constant 0 : i32
    %dma_start3A_25 = tpu.memref_slice %arg6[%dma_start3A_24] : memref<100001xi32, #tpu.memory_space<hbm>> -> memref<100001xi32, #tpu.memory_space<hbm>>
    tpu.enqueue_indirect_dma source(%dma_start3A_25 : memref<100001xi32, #tpu.memory_space<hbm>>) target(%dma_start3A_21 : memref<128xi32, #tpu.memory_space<vmem>>) offsets(%dma_start3A_23 : memref<128xi32, #tpu.memory_space<vmem>>) semaphore(%arg12 : memref<!tpu.dma_semaphore, #tpu.memory_space<semaphore_mem>>)
    %dma_start3A_26 = arith.constant 0 : i32
    %dma_start3A_27 = arith.constant 128 : i32
    %dma_start3A_28 = tpu.memref_slice %arg11[%dma_start3A_26, %dma_start3A_27] : memref<8x512xi32, #tpu.memory_space<vmem>> -> memref<1x128xi32, #tpu.memory_space<vmem>>
    %dma_start3A_29 = tpu.memref_squeeze %dma_start3A_28 : memref<1x128xi32, #tpu.memory_space<vmem>> -> memref<128xi32, #tpu.memory_space<vmem>>
    %dma_start3A_30 = arith.constant 128 : i32
    %dma_start3A_31 = tpu.memref_slice %arg9[%dma_start3A_30] : memref<512xi32, #tpu.memory_space<vmem>> -> memref<128xi32, #tpu.memory_space<vmem>>
    %dma_start3A_32 = arith.constant 0 : i32
    %dma_start3A_33 = tpu.memref_slice %arg4[%dma_start3A_32] : memref<100001xi32, #tpu.memory_space<hbm>> -> memref<100001xi32, #tpu.memory_space<hbm>>
    tpu.enqueue_indirect_dma source(%dma_start3A_33 : memref<100001xi32, #tpu.memory_space<hbm>>) target(%dma_start3A_29 : memref<128xi32, #tpu.memory_space<vmem>>) offsets(%dma_start3A_31 : memref<128xi32, #tpu.memory_space<vmem>>) semaphore(%arg12 : memref<!tpu.dma_semaphore, #tpu.memory_space<semaphore_mem>>)
    %dma_start3A_34 = arith.constant 1 : i32
    %dma_start3A_35 = arith.constant 128 : i32
    %dma_start3A_36 = tpu.memref_slice %arg11[%dma_start3A_34, %dma_start3A_35] : memref<8x512xi32, #tpu.memory_space<vmem>> -> memref<1x128xi32, #tpu.memory_space<vmem>>
    %dma_start3A_37 = tpu.memref_squeeze %dma_start3A_36 : memref<1x128xi32, #tpu.memory_space<vmem>> -> memref<128xi32, #tpu.memory_space<vmem>>
    %dma_start3A_38 = arith.constant 128 : i32
    %dma_start3A_39 = tpu.memref_slice %arg9[%dma_start3A_38] : memref<512xi32, #tpu.memory_space<vmem>> -> memref<128xi32, #tpu.memory_space<vmem>>
    %dma_start3A_40 = arith.constant 0 : i32
    %dma_start3A_41 = tpu.memref_slice %arg5[%dma_start3A_40] : memref<100001xi32, #tpu.memory_space<hbm>> -> memref<100001xi32, #tpu.memory_space<hbm>>
    tpu.enqueue_indirect_dma source(%dma_start3A_41 : memref<100001xi32, #tpu.memory_space<hbm>>) target(%dma_start3A_37 : memref<128xi32, #tpu.memory_space<vmem>>) offsets(%dma_start3A_39 : memref<128xi32, #tpu.memory_space<vmem>>) semaphore(%arg12 : memref<!tpu.dma_semaphore, #tpu.memory_space<semaphore_mem>>)
    %dma_start3A_42 = arith.constant 2 : i32
    %dma_start3A_43 = arith.constant 128 : i32
    %dma_start3A_44 = tpu.memref_slice %arg11[%dma_start3A_42, %dma_start3A_43] : memref<8x512xi32, #tpu.memory_space<vmem>> -> memref<1x128xi32, #tpu.memory_space<vmem>>
    %dma_start3A_45 = tpu.memref_squeeze %dma_start3A_44 : memref<1x128xi32, #tpu.memory_space<vmem>> -> memref<128xi32, #tpu.memory_space<vmem>>
    %dma_start3A_46 = arith.constant 128 : i32
    %dma_start3A_47 = tpu.memref_slice %arg9[%dma_start3A_46] : memref<512xi32, #tpu.memory_space<vmem>> -> memref<128xi32, #tpu.memory_space<vmem>>
    %dma_start3A_48 = arith.constant 0 : i32
    %dma_start3A_49 = tpu.memref_slice %arg6[%dma_start3A_48] : memref<100001xi32, #tpu.memory_space<hbm>> -> memref<100001xi32, #tpu.memory_space<hbm>>
    tpu.enqueue_indirect_dma source(%dma_start3A_49 : memref<100001xi32, #tpu.memory_space<hbm>>) target(%dma_start3A_45 : memref<128xi32, #tpu.memory_space<vmem>>) offsets(%dma_start3A_47 : memref<128xi32, #tpu.memory_space<vmem>>) semaphore(%arg12 : memref<!tpu.dma_semaphore, #tpu.memory_space<semaphore_mem>>)
    %dma_start3A_50 = arith.constant 0 : i32
    %dma_start3A_51 = arith.constant 256 : i32
    %dma_start3A_52 = tpu.memref_slice %arg11[%dma_start3A_50, %dma_start3A_51] : memref<8x512xi32, #tpu.memory_space<vmem>> -> memref<1x128xi32, #tpu.memory_space<vmem>>
    %dma_start3A_53 = tpu.memref_squeeze %dma_start3A_52 : memref<1x128xi32, #tpu.memory_space<vmem>> -> memref<128xi32, #tpu.memory_space<vmem>>
    %dma_start3A_54 = arith.constant 256 : i32
    %dma_start3A_55 = tpu.memref_slice %arg9[%dma_start3A_54] : memref<512xi32, #tpu.memory_space<vmem>> -> memref<128xi32, #tpu.memory_space<vmem>>
    %dma_start3A_56 = arith.constant 0 : i32
    %dma_start3A_57 = tpu.memref_slice %arg4[%dma_start3A_56] : memref<100001xi32, #tpu.memory_space<hbm>> -> memref<100001xi32, #tpu.memory_space<hbm>>
    tpu.enqueue_indirect_dma source(%dma_start3A_57 : memref<100001xi32, #tpu.memory_space<hbm>>) target(%dma_start3A_53 : memref<128xi32, #tpu.memory_space<vmem>>) offsets(%dma_start3A_55 : memref<128xi32, #tpu.memory_space<vmem>>) semaphore(%arg12 : memref<!tpu.dma_semaphore, #tpu.memory_space<semaphore_mem>>)
    %dma_start3A_58 = arith.constant 1 : i32
    %dma_start3A_59 = arith.constant 256 : i32
    %dma_start3A_60 = tpu.memref_slice %arg11[%dma_start3A_58, %dma_start3A_59] : memref<8x512xi32, #tpu.memory_space<vmem>> -> memref<1x128xi32, #tpu.memory_space<vmem>>
    %dma_start3A_61 = tpu.memref_squeeze %dma_start3A_60 : memref<1x128xi32, #tpu.memory_space<vmem>> -> memref<128xi32, #tpu.memory_space<vmem>>
    %dma_start3A_62 = arith.constant 256 : i32
    %dma_start3A_63 = tpu.memref_slice %arg9[%dma_start3A_62] : memref<512xi32, #tpu.memory_space<vmem>> -> memref<128xi32, #tpu.memory_space<vmem>>
    %dma_start3A_64 = arith.constant 0 : i32
    %dma_start3A_65 = tpu.memref_slice %arg5[%dma_start3A_64] : memref<100001xi32, #tpu.memory_space<hbm>> -> memref<100001xi32, #tpu.memory_space<hbm>>
    tpu.enqueue_indirect_dma source(%dma_start3A_65 : memref<100001xi32, #tpu.memory_space<hbm>>) target(%dma_start3A_61 : memref<128xi32, #tpu.memory_space<vmem>>) offsets(%dma_start3A_63 : memref<128xi32, #tpu.memory_space<vmem>>) semaphore(%arg12 : memref<!tpu.dma_semaphore, #tpu.memory_space<semaphore_mem>>)
    %dma_start3A_66 = arith.constant 2 : i32
    %dma_start3A_67 = arith.constant 256 : i32
    %dma_start3A_68 = tpu.memref_slice %arg11[%dma_start3A_66, %dma_start3A_67] : memref<8x512xi32, #tpu.memory_space<vmem>> -> memref<1x128xi32, #tpu.memory_space<vmem>>
    %dma_start3A_69 = tpu.memref_squeeze %dma_start3A_68 : memref<1x128xi32, #tpu.memory_space<vmem>> -> memref<128xi32, #tpu.memory_space<vmem>>
    %dma_start3A_70 = arith.constant 256 : i32
    %dma_start3A_71 = tpu.memref_slice %arg9[%dma_start3A_70] : memref<512xi32, #tpu.memory_space<vmem>> -> memref<128xi32, #tpu.memory_space<vmem>>
    %dma_start3A_72 = arith.constant 0 : i32
    %dma_start3A_73 = tpu.memref_slice %arg6[%dma_start3A_72] : memref<100001xi32, #tpu.memory_space<hbm>> -> memref<100001xi32, #tpu.memory_space<hbm>>
    tpu.enqueue_indirect_dma source(%dma_start3A_73 : memref<100001xi32, #tpu.memory_space<hbm>>) target(%dma_start3A_69 : memref<128xi32, #tpu.memory_space<vmem>>) offsets(%dma_start3A_71 : memref<128xi32, #tpu.memory_space<vmem>>) semaphore(%arg12 : memref<!tpu.dma_semaphore, #tpu.memory_space<semaphore_mem>>)
    %dma_start3A_74 = arith.constant 0 : i32
    %dma_start3A_75 = arith.constant 384 : i32
    %dma_start3A_76 = tpu.memref_slice %arg11[%dma_start3A_74, %dma_start3A_75] : memref<8x512xi32, #tpu.memory_space<vmem>> -> memref<1x128xi32, #tpu.memory_space<vmem>>
    %dma_start3A_77 = tpu.memref_squeeze %dma_start3A_76 : memref<1x128xi32, #tpu.memory_space<vmem>> -> memref<128xi32, #tpu.memory_space<vmem>>
    %dma_start3A_78 = arith.constant 384 : i32
    %dma_start3A_79 = tpu.memref_slice %arg9[%dma_start3A_78] : memref<512xi32, #tpu.memory_space<vmem>> -> memref<128xi32, #tpu.memory_space<vmem>>
    %dma_start3A_80 = arith.constant 0 : i32
    %dma_start3A_81 = tpu.memref_slice %arg4[%dma_start3A_80] : memref<100001xi32, #tpu.memory_space<hbm>> -> memref<100001xi32, #tpu.memory_space<hbm>>
    tpu.enqueue_indirect_dma source(%dma_start3A_81 : memref<100001xi32, #tpu.memory_space<hbm>>) target(%dma_start3A_77 : memref<128xi32, #tpu.memory_space<vmem>>) offsets(%dma_start3A_79 : memref<128xi32, #tpu.memory_space<vmem>>) semaphore(%arg12 : memref<!tpu.dma_semaphore, #tpu.memory_space<semaphore_mem>>)
    %dma_start3A_82 = arith.constant 1 : i32
    %dma_start3A_83 = arith.constant 384 : i32
    %dma_start3A_84 = tpu.memref_slice %arg11[%dma_start3A_82, %dma_start3A_83] : memref<8x512xi32, #tpu.memory_space<vmem>> -> memref<1x128xi32, #tpu.memory_space<vmem>>
    %dma_start3A_85 = tpu.memref_squeeze %dma_start3A_84 : memref<1x128xi32, #tpu.memory_space<vmem>> -> memref<128xi32, #tpu.memory_space<vmem>>
    %dma_start3A_86 = arith.constant 384 : i32
    %dma_start3A_87 = tpu.memref_slice %arg9[%dma_start3A_86] : memref<512xi32, #tpu.memory_space<vmem>> -> memref<128xi32, #tpu.memory_space<vmem>>
    %dma_start3A_88 = arith.constant 0 : i32
    %dma_start3A_89 = tpu.memref_slice %arg5[%dma_start3A_88] : memref<100001xi32, #tpu.memory_space<hbm>> -> memref<100001xi32, #tpu.memory_space<hbm>>
    tpu.enqueue_indirect_dma source(%dma_start3A_89 : memref<100001xi32, #tpu.memory_space<hbm>>) target(%dma_start3A_85 : memref<128xi32, #tpu.memory_space<vmem>>) offsets(%dma_start3A_87 : memref<128xi32, #tpu.memory_space<vmem>>) semaphore(%arg12 : memref<!tpu.dma_semaphore, #tpu.memory_space<semaphore_mem>>)
    %dma_start3A_90 = arith.constant 2 : i32
    %dma_start3A_91 = arith.constant 384 : i32
    %dma_start3A_92 = tpu.memref_slice %arg11[%dma_start3A_90, %dma_start3A_91] : memref<8x512xi32, #tpu.memory_space<vmem>> -> memref<1x128xi32, #tpu.memory_space<vmem>>
    %dma_start3A_93 = tpu.memref_squeeze %dma_start3A_92 : memref<1x128xi32, #tpu.memory_space<vmem>> -> memref<128xi32, #tpu.memory_space<vmem>>
    %dma_start3A_94 = arith.constant 384 : i32
    %dma_start3A_95 = tpu.memref_slice %arg9[%dma_start3A_94] : memref<512xi32, #tpu.memory_space<vmem>> -> memref<128xi32, #tpu.memory_space<vmem>>
    %dma_start3A_96 = arith.constant 0 : i32
    %dma_start3A_97 = tpu.memref_slice %arg6[%dma_start3A_96] : memref<100001xi32, #tpu.memory_space<hbm>> -> memref<100001xi32, #tpu.memory_space<hbm>>
    tpu.enqueue_indirect_dma source(%dma_start3A_97 : memref<100001xi32, #tpu.memory_space<hbm>>) target(%dma_start3A_93 : memref<128xi32, #tpu.memory_space<vmem>>) offsets(%dma_start3A_95 : memref<128xi32, #tpu.memory_space<vmem>>) semaphore(%arg12 : memref<!tpu.dma_semaphore, #tpu.memory_space<semaphore_mem>>)
    %scan3A = arith.constant 0 : i32
    %scan3A_98 = arith.constant 0 : i32
    %scan3A_99 = arith.constant 32 : i32
    %scan3A_100 = arith.addi %scan3A_98, %scan3A_99 : i32
    %scan3A_101 = arith.constant 1 : i32
    scf.for %scan3A_726 = %scan3A_98 to %scan3A_100 step %scan3A_101  : i32 {
      %mul3A_727 = arith.constant 16 : i32
      %mul3A_728 = arith.muli %scan3A_726, %mul3A_727 : i32
      %get3A = arith.index_cast %mul3A_728 : i32 to index
      %get3A_729 = tpu.vector_load %arg9[%get3A] {strides = array<i32>} : memref<512xi32, #tpu.memory_space<vmem>>, vector<16xi32>,
      %get3A_730 = vector.shape_cast %get3A_729 : vector<16xi32> to vector<16xi32>
      %slice3A = vector.extract_strided_slice %get3A_730 {offsets = [0], sizes = [1], strides = [1]} : vector<16xi32> to vector<1xi32>
      %squeeze3A = vector.extract %slice3A[0] : i32 from vector<1xi32>
      %mul3A_731 = arith.constant 64 : i32
      %mul3A_732 = arith.muli %squeeze3A, %mul3A_731 : i32
      %multiple_of3A = tpu.assume_multiple %mul3A_732, 64 : i32
      %mul3A_733 = arith.constant 16 : i32
      %mul3A_734 = arith.muli %scan3A_726, %mul3A_733 : i32
      %add3A_735 = arith.constant 0 : i32
      %add3A_736 = arith.addi %mul3A_734, %add3A_735 : i32
      %dma_start3A_737 = arith.constant 0 : i32
      %dma_start3A_738 = tpu.memref_slice %arg10[%add3A_736, %dma_start3A_737] : memref<512x64xf32, #tpu.memory_space<vmem>> -> memref<1x64xf32, #tpu.memory_space<vmem>>
      %dma_start3A_739 = tpu.memref_squeeze %dma_start3A_738 : memref<1x64xf32, #tpu.memory_space<vmem>> -> memref<64xf32, #tpu.memory_space<vmem>>
      %dma_start3A_740 = tpu.memref_slice %arg3[%multiple_of3A] : memref<6400064xf32, #tpu.memory_space<hbm>> -> memref<64xf32, #tpu.memory_space<hbm>>
      %dma_start3A_741 = arith.constant 0 : i32
      %dma_start3A_742 = tpu.memref_slice %arg10[%add3A_736, %dma_start3A_741] : memref<512x64xf32, #tpu.memory_space<vmem>> -> memref<1x64xf32, #tpu.memory_space<vmem>>
      %dma_start3A_743 = tpu.memref_squeeze %dma_start3A_742 : memref<1x64xf32, #tpu.memory_space<vmem>> -> memref<64xf32, #tpu.memory_space<vmem>>
      %dma_start3A_744 = tpu.memref_slice %arg3[%multiple_of3A] : memref<6400064xf32, #tpu.memory_space<hbm>> -> memref<64xf32, #tpu.memory_space<hbm>>
      tpu.enqueue_dma source(%dma_start3A_744 : memref<64xf32, #tpu.memory_space<hbm>>) target(%dma_start3A_743 : memref<64xf32, #tpu.memory_space<vmem>>) target_semaphore(%arg13 : memref<!tpu.dma_semaphore, #tpu.memory_space<semaphore_mem>>)
      %slice3A_745 = vector.extract_strided_slice %get3A_730 {offsets = [1], sizes = [1], strides = [1]} : vector<16xi32> to vector<1xi32>
      %squeeze3A_746 = vector.extract %slice3A_745[0] : i32 from vector<1xi32>
      %mul3A_747 = arith.constant 64 : i32
      %mul3A_748 = arith.muli %squeeze3A_746, %mul3A_747 : i32
      %multiple_of3A_749 = tpu.assume_multiple %mul3A_748, 64 : i32
      %mul3A_750 = arith.constant 16 : i32
      %mul3A_751 = arith.muli %scan3A_726, %mul3A_750 : i32
      %add3A_752 = arith.constant 1 : i32
      %add3A_753 = arith.addi %mul3A_751, %add3A_752 : i32
      %dma_start3A_754 = arith.constant 0 : i32
      %dma_start3A_755 = tpu.memref_slice %arg10[%add3A_753, %dma_start3A_754] : memref<512x64xf32, #tpu.memory_space<vmem>> -> memref<1x64xf32, #tpu.memory_space<vmem>>
      %dma_start3A_756 = tpu.memref_squeeze %dma_start3A_755 : memref<1x64xf32, #tpu.memory_space<vmem>> -> memref<64xf32, #tpu.memory_space<vmem>>
      %dma_start3A_757 = tpu.memref_slice %arg3[%multiple_of3A_749] : memref<6400064xf32, #tpu.memory_space<hbm>> -> memref<64xf32, #tpu.memory_space<hbm>>
      %dma_start3A_758 = arith.constant 0 : i32
      %dma_start3A_759 = tpu.memref_slice %arg10[%add3A_753, %dma_start3A_758] : memref<512x64xf32, #tpu.memory_space<vmem>> -> memref<1x64xf32, #tpu.memory_space<vmem>>
      %dma_start3A_760 = tpu.memref_squeeze %dma_start3A_759 : memref<1x64xf32, #tpu.memory_space<vmem>> -> memref<64xf32, #tpu.memory_space<vmem>>
      %dma_start3A_761 = tpu.memref_slice %arg3[%multiple_of3A_749] : memref<6400064xf32, #tpu.memory_space<hbm>> -> memref<64xf32, #tpu.memory_space<hbm>>
      tpu.enqueue_dma source(%dma_start3A_761 : memref<64xf32, #tpu.memory_space<hbm>>) target(%dma_start3A_760 : memref<64xf32, #tpu.memory_space<vmem>>) target_semaphore(%arg13 : memref<!tpu.dma_semaphore, #tpu.memory_space<semaphore_mem>>)
      %slice3A_762 = vector.extract_strided_slice %get3A_730 {offsets = [2], sizes = [1], strides = [1]} : vector<16xi32> to vector<1xi32>
      %squeeze3A_763 = vector.extract %slice3A_762[0] : i32 from vector<1xi32>
      %mul3A_764 = arith.constant 64 : i32
      %mul3A_765 = arith.muli %squeeze3A_763, %mul3A_764 : i32
      %multiple_of3A_766 = tpu.assume_multiple %mul3A_765, 64 : i32
      %mul3A_767 = arith.constant 16 : i32
      %mul3A_768 = arith.muli %scan3A_726, %mul3A_767 : i32
      %add3A_769 = arith.constant 2 : i32
      %add3A_770 = arith.addi %mul3A_768, %add3A_769 : i32
      %dma_start3A_771 = arith.constant 0 : i32
      %dma_start3A_772 = tpu.memref_slice %arg10[%add3A_770, %dma_start3A_771] : memref<512x64xf32, #tpu.memory_space<vmem>> -> memref<1x64xf32, #tpu.memory_space<vmem>>
      %dma_start3A_773 = tpu.memref_squeeze %dma_start3A_772 : memref<1x64xf32, #tpu.memory_space<vmem>> -> memref<64xf32, #tpu.memory_space<vmem>>
      %dma_start3A_774 = tpu.memref_slice %arg3[%multiple_of3A_766] : memref<6400064xf32, #tpu.memory_space<hbm>> -> memref<64xf32, #tpu.memory_space<hbm>>
      %dma_start3A_775 = arith.constant 0 : i32
      %dma_start3A_776 = tpu.memref_slice %arg10[%add3A_770, %dma_start3A_775] : memref<512x64xf32, #tpu.memory_space<vmem>> -> memref<1x64xf32, #tpu.memory_space<vmem>>
      %dma_start3A_777 = tpu.memref_squeeze %dma_start3A_776 : memref<1x64xf32, #tpu.memory_space<vmem>> -> memref<64xf32, #tpu.memory_space<vmem>>
      %dma_start3A_778 = tpu.memref_slice %arg3[%multiple_of3A_766] : memref<6400064xf32, #tpu.memory_space<hbm>> -> memref<64xf32, #tpu.memory_space<hbm>>
      tpu.enqueue_dma source(%dma_start3A_778 : memref<64xf32, #tpu.memory_space<hbm>>) target(%dma_start3A_777 : memref<64xf32, #tpu.memory_space<vmem>>) target_semaphore(%arg13 : memref<!tpu.dma_semaphore, #tpu.memory_space<semaphore_mem>>)
      %slice3A_779 = vector.extract_strided_slice %get3A_730 {offsets = [3], sizes = [1], strides = [1]} : vector<16xi32> to vector<1xi32>
      %squeeze3A_780 = vector.extract %slice3A_779[0] : i32 from vector<1xi32>
      %mul3A_781 = arith.constant 64 : i32
      %mul3A_782 = arith.muli %squeeze3A_780, %mul3A_781 : i32
      %multiple_of3A_783 = tpu.assume_multiple %mul3A_782, 64 : i32
      %mul3A_784 = arith.constant 16 : i32
      %mul3A_785 = arith.muli %scan3A_726, %mul3A_784 : i32
      %add3A_786 = arith.constant 3 : i32
      %add3A_787 = arith.addi %mul3A_785, %add3A_786 : i32
      %dma_start3A_788 = arith.constant 0 : i32
      %dma_start3A_789 = tpu.memref_slice %arg10[%add3A_787, %dma_start3A_788] : memref<512x64xf32, #tpu.memory_space<vmem>> -> memref<1x64xf32, #tpu.memory_space<vmem>>
      %dma_start3A_790 = tpu.memref_squeeze %dma_start3A_789 : memref<1x64xf32, #tpu.memory_space<vmem>> -> memref<64xf32, #tpu.memory_space<vmem>>
      %dma_start3A_791 = tpu.memref_slice %arg3[%multiple_of3A_783] : memref<6400064xf32, #tpu.memory_space<hbm>> -> memref<64xf32, #tpu.memory_space<hbm>>
      %dma_start3A_792 = arith.constant 0 : i32
      %dma_start3A_793 = tpu.memref_slice %arg10[%add3A_787, %dma_start3A_792] : memref<512x64xf32, #tpu.memory_space<vmem>> -> memref<1x64xf32, #tpu.memory_space<vmem>>
      %dma_start3A_794 = tpu.memref_squeeze %dma_start3A_793 : memref<1x64xf32, #tpu.memory_space<vmem>> -> memref<64xf32, #tpu.memory_space<vmem>>
      %dma_start3A_795 = tpu.memref_slice %arg3[%multiple_of3A_783] : memref<6400064xf32, #tpu.memory_space<hbm>> -> memref<64xf32, #tpu.memory_space<hbm>>
      tpu.enqueue_dma source(%dma_start3A_795 : memref<64xf32, #tpu.memory_space<hbm>>) target(%dma_start3A_794 : memref<64xf32, #tpu.memory_space<vmem>>) target_semaphore(%arg13 : memref<!tpu.dma_semaphore, #tpu.memory_space<semaphore_mem>>)
      %slice3A_796 = vector.extract_strided_slice %get3A_730 {offsets = [4], sizes = [1], strides = [1]} : vector<16xi32> to vector<1xi32>
      %squeeze3A_797 = vector.extract %slice3A_796[0] : i32 from vector<1xi32>
      %mul3A_798 = arith.constant 64 : i32
      %mul3A_799 = arith.muli %squeeze3A_797, %mul3A_798 : i32
      %multiple_of3A_800 = tpu.assume_multiple %mul3A_799, 64 : i32
      %mul3A_801 = arith.constant 16 : i32
      %mul3A_802 = arith.muli %scan3A_726, %mul3A_801 : i32
      %add3A_803 = arith.constant 4 : i32
      %add3A_804 = arith.addi %mul3A_802, %add3A_803 : i32
      %dma_start3A_805 = arith.constant 0 : i32
      %dma_start3A_806 = tpu.memref_slice %arg10[%add3A_804, %dma_start3A_805] : memref<512x64xf32, #tpu.memory_space<vmem>> -> memref<1x64xf32, #tpu.memory_space<vmem>>
      %dma_start3A_807 = tpu.memref_squeeze %dma_start3A_806 : memref<1x64xf32, #tpu.memory_space<vmem>> -> memref<64xf32, #tpu.memory_space<vmem>>
      %dma_start3A_808 = tpu.memref_slice %arg3[%multiple_of3A_800] : memref<6400064xf32, #tpu.memory_space<hbm>> -> memref<64xf32, #tpu.memory_space<hbm>>
      %dma_start3A_809 = arith.constant 0 : i32
      %dma_start3A_810 = tpu.memref_slice %arg10[%add3A_804, %dma_start3A_809] : memref<512x64xf32, #tpu.memory_space<vmem>> -> memref<1x64xf32, #tpu.memory_space<vmem>>
      %dma_start3A_811 = tpu.memref_squeeze %dma_start3A_810 : memref<1x64xf32, #tpu.memory_space<vmem>> -> memref<64xf32, #tpu.memory_space<vmem>>
      %dma_start3A_812 = tpu.memref_slice %arg3[%multiple_of3A_800] : memref<6400064xf32, #tpu.memory_space<hbm>> -> memref<64xf32, #tpu.memory_space<hbm>>
      tpu.enqueue_dma source(%dma_start3A_812 : memref<64xf32, #tpu.memory_space<hbm>>) target(%dma_start3A_811 : memref<64xf32, #tpu.memory_space<vmem>>) target_semaphore(%arg13 : memref<!tpu.dma_semaphore, #tpu.memory_space<semaphore_mem>>)
      %slice3A_813 = vector.extract_strided_slice %get3A_730 {offsets = [5], sizes = [1], strides = [1]} : vector<16xi32> to vector<1xi32>
      %squeeze3A_814 = vector.extract %slice3A_813[0] : i32 from vector<1xi32>
      %mul3A_815 = arith.constant 64 : i32
      %mul3A_816 = arith.muli %squeeze3A_814, %mul3A_815 : i32
      %multiple_of3A_817 = tpu.assume_multiple %mul3A_816, 64 : i32
      %mul3A_818 = arith.constant 16 : i32
      %mul3A_819 = arith.muli %scan3A_726, %mul3A_818 : i32
      %add3A_820 = arith.constant 5 : i32
      %add3A_821 = arith.addi %mul3A_819, %add3A_820 : i32
      %dma_start3A_822 = arith.constant 0 : i32
      %dma_start3A_823 = tpu.memref_slice %arg10[%add3A_821, %dma_start3A_822] : memref<512x64xf32, #tpu.memory_space<vmem>> -> memref<1x64xf32, #tpu.memory_space<vmem>>
      %dma_start3A_824 = tpu.memref_squeeze %dma_start3A_823 : memref<1x64xf32, #tpu.memory_space<vmem>> -> memref<64xf32, #tpu.memory_space<vmem>>
      %dma_start3A_825 = tpu.memref_slice %arg3[%multiple_of3A_817] : memref<6400064xf32, #tpu.memory_space<hbm>> -> memref<64xf32, #tpu.memory_space<hbm>>
      %dma_start3A_826 = arith.constant 0 : i32
      %dma_start3A_827 = tpu.memref_slice %arg10[%add3A_821, %dma_start3A_826] : memref<512x64xf32, #tpu.memory_space<vmem>> -> memref<1x64xf32, #tpu.memory_space<vmem>>
      %dma_start3A_828 = tpu.memref_squeeze %dma_start3A_827 : memref<1x64xf32, #tpu.memory_space<vmem>> -> memref<64xf32, #tpu.memory_space<vmem>>
      %dma_start3A_829 = tpu.memref_slice %arg3[%multiple_of3A_817] : memref<6400064xf32, #tpu.memory_space<hbm>> -> memref<64xf32, #tpu.memory_space<hbm>>
      tpu.enqueue_dma source(%dma_start3A_829 : memref<64xf32, #tpu.memory_space<hbm>>) target(%dma_start3A_828 : memref<64xf32, #tpu.memory_space<vmem>>) target_semaphore(%arg13 : memref<!tpu.dma_semaphore, #tpu.memory_space<semaphore_mem>>)
      %slice3A_830 = vector.extract_strided_slice %get3A_730 {offsets = [6], sizes = [1], strides = [1]} : vector<16xi32> to vector<1xi32>
      %squeeze3A_831 = vector.extract %slice3A_830[0] : i32 from vector<1xi32>
      %mul3A_832 = arith.constant 64 : i32
      %mul3A_833 = arith.muli %squeeze3A_831, %mul3A_832 : i32
      %multiple_of3A_834 = tpu.assume_multiple %mul3A_833, 64 : i32
      %mul3A_835 = arith.constant 16 : i32
      %mul3A_836 = arith.muli %scan3A_726, %mul3A_835 : i32
      %add3A_837 = arith.constant 6 : i32
      %add3A_838 = arith.addi %mul3A_836, %add3A_837 : i32
      %dma_start3A_839 = arith.constant 0 : i32
      %dma_start3A_840 = tpu.memref_slice %arg10[%add3A_838, %dma_start3A_839] : memref<512x64xf32, #tpu.memory_space<vmem>> -> memref<1x64xf32, #tpu.memory_space<vmem>>
      %dma_start3A_841 = tpu.memref_squeeze %dma_start3A_840 : memref<1x64xf32, #tpu.memory_space<vmem>> -> memref<64xf32, #tpu.memory_space<vmem>>
      %dma_start3A_842 = tpu.memref_slice %arg3[%multiple_of3A_834] : memref<6400064xf32, #tpu.memory_space<hbm>> -> memref<64xf32, #tpu.memory_space<hbm>>
      %dma_start3A_843 = arith.constant 0 : i32
      %dma_start3A_844 = tpu.memref_slice %arg10[%add3A_838, %dma_start3A_843] : memref<512x64xf32, #tpu.memory_space<vmem>> -> memref<1x64xf32, #tpu.memory_space<vmem>>
      %dma_start3A_845 = tpu.memref_squeeze %dma_start3A_844 : memref<1x64xf32, #tpu.memory_space<vmem>> -> memref<64xf32, #tpu.memory_space<vmem>>
      %dma_start3A_846 = tpu.memref_slice %arg3[%multiple_of3A_834] : memref<6400064xf32, #tpu.memory_space<hbm>> -> memref<64xf32, #tpu.memory_space<hbm>>
      tpu.enqueue_dma source(%dma_start3A_846 : memref<64xf32, #tpu.memory_space<hbm>>) target(%dma_start3A_845 : memref<64xf32, #tpu.memory_space<vmem>>) target_semaphore(%arg13 : memref<!tpu.dma_semaphore, #tpu.memory_space<semaphore_mem>>)
      %slice3A_847 = vector.extract_strided_slice %get3A_730 {offsets = [7], sizes = [1], strides = [1]} : vector<16xi32> to vector<1xi32>
      %squeeze3A_848 = vector.extract %slice3A_847[0] : i32 from vector<1xi32>
      %mul3A_849 = arith.constant 64 : i32
      %mul3A_850 = arith.muli %squeeze3A_848, %mul3A_849 : i32
      %multiple_of3A_851 = tpu.assume_multiple %mul3A_850, 64 : i32
      %mul3A_852 = arith.constant 16 : i32
      %mul3A_853 = arith.muli %scan3A_726, %mul3A_852 : i32
      %add3A_854 = arith.constant 7 : i32
      %add3A_855 = arith.addi %mul3A_853, %add3A_854 : i32
      %dma_start3A_856 = arith.constant 0 : i32
      %dma_start3A_857 = tpu.memref_slice %arg10[%add3A_855, %dma_start3A_856] : memref<512x64xf32, #tpu.memory_space<vmem>> -> memref<1x64xf32, #tpu.memory_space<vmem>>
      %dma_start3A_858 = tpu.memref_squeeze %dma_start3A_857 : memref<1x64xf32, #tpu.memory_space<vmem>> -> memref<64xf32, #tpu.memory_space<vmem>>
      %dma_start3A_859 = tpu.memref_slice %arg3[%multiple_of3A_851] : memref<6400064xf32, #tpu.memory_space<hbm>> -> memref<64xf32, #tpu.memory_space<hbm>>
      %dma_start3A_860 = arith.constant 0 : i32
      %dma_start3A_861 = tpu.memref_slice %arg10[%add3A_855, %dma_start3A_860] : memref<512x64xf32, #tpu.memory_space<vmem>> -> memref<1x64xf32, #tpu.memory_space<vmem>>
      %dma_start3A_862 = tpu.memref_squeeze %dma_start3A_861 : memref<1x64xf32, #tpu.memory_space<vmem>> -> memref<64xf32, #tpu.memory_space<vmem>>
      %dma_start3A_863 = tpu.memref_slice %arg3[%multiple_of3A_851] : memref<6400064xf32, #tpu.memory_space<hbm>> -> memref<64xf32, #tpu.memory_space<hbm>>
      tpu.enqueue_dma source(%dma_start3A_863 : memref<64xf32, #tpu.memory_space<hbm>>) target(%dma_start3A_862 : memref<64xf32, #tpu.memory_space<vmem>>) target_semaphore(%arg13 : memref<!tpu.dma_semaphore, #tpu.memory_space<semaphore_mem>>)
      %slice3A_864 = vector.extract_strided_slice %get3A_730 {offsets = [8], sizes = [1], strides = [1]} : vector<16xi32> to vector<1xi32>
      %squeeze3A_865 = vector.extract %slice3A_864[0] : i32 from vector<1xi32>
      %mul3A_866 = arith.constant 64 : i32
      %mul3A_867 = arith.muli %squeeze3A_865, %mul3A_866 : i32
      %multiple_of3A_868 = tpu.assume_multiple %mul3A_867, 64 : i32
      %mul3A_869 = arith.constant 16 : i32
      %mul3A_870 = arith.muli %scan3A_726, %mul3A_869 : i32
      %add3A_871 = arith.constant 8 : i32
      %add3A_872 = arith.addi %mul3A_870, %add3A_871 : i32
      %dma_start3A_873 = arith.constant 0 : i32
      %dma_start3A_874 = tpu.memref_slice %arg10[%add3A_872, %dma_start3A_873] : memref<512x64xf32, #tpu.memory_space<vmem>> -> memref<1x64xf32, #tpu.memory_space<vmem>>
      %dma_start3A_875 = tpu.memref_squeeze %dma_start3A_874 : memref<1x64xf32, #tpu.memory_space<vmem>> -> memref<64xf32, #tpu.memory_space<vmem>>
      %dma_start3A_876 = tpu.memref_slice %arg3[%multiple_of3A_868] : memref<6400064xf32, #tpu.memory_space<hbm>> -> memref<64xf32, #tpu.memory_space<hbm>>
      %dma_start3A_877 = arith.constant 0 : i32
      %dma_start3A_878 = tpu.memref_slice %arg10[%add3A_872, %dma_start3A_877] : memref<512x64xf32, #tpu.memory_space<vmem>> -> memref<1x64xf32, #tpu.memory_space<vmem>>
      %dma_start3A_879 = tpu.memref_squeeze %dma_start3A_878 : memref<1x64xf32, #tpu.memory_space<vmem>> -> memref<64xf32, #tpu.memory_space<vmem>>
      %dma_start3A_880 = tpu.memref_slice %arg3[%multiple_of3A_868] : memref<6400064xf32, #tpu.memory_space<hbm>> -> memref<64xf32, #tpu.memory_space<hbm>>
      tpu.enqueue_dma source(%dma_start3A_880 : memref<64xf32, #tpu.memory_space<hbm>>) target(%dma_start3A_879 : memref<64xf32, #tpu.memory_space<vmem>>) target_semaphore(%arg13 : memref<!tpu.dma_semaphore, #tpu.memory_space<semaphore_mem>>)
      %slice3A_881 = vector.extract_strided_slice %get3A_730 {offsets = [9], sizes = [1], strides = [1]} : vector<16xi32> to vector<1xi32>
      %squeeze3A_882 = vector.extract %slice3A_881[0] : i32 from vector<1xi32>
      %mul3A_883 = arith.constant 64 : i32
      %mul3A_884 = arith.muli %squeeze3A_882, %mul3A_883 : i32
      %multiple_of3A_885 = tpu.assume_multiple %mul3A_884, 64 : i32
      %mul3A_886 = arith.constant 16 : i32
      %mul3A_887 = arith.muli %scan3A_726, %mul3A_886 : i32
      %add3A_888 = arith.constant 9 : i32
      %add3A_889 = arith.addi %mul3A_887, %add3A_888 : i32
      %dma_start3A_890 = arith.constant 0 : i32
      %dma_start3A_891 = tpu.memref_slice %arg10[%add3A_889, %dma_start3A_890] : memref<512x64xf32, #tpu.memory_space<vmem>> -> memref<1x64xf32, #tpu.memory_space<vmem>>
      %dma_start3A_892 = tpu.memref_squeeze %dma_start3A_891 : memref<1x64xf32, #tpu.memory_space<vmem>> -> memref<64xf32, #tpu.memory_space<vmem>>
      %dma_start3A_893 = tpu.memref_slice %arg3[%multiple_of3A_885] : memref<6400064xf32, #tpu.memory_space<hbm>> -> memref<64xf32, #tpu.memory_space<hbm>>
      %dma_start3A_894 = arith.constant 0 : i32
      %dma_start3A_895 = tpu.memref_slice %arg10[%add3A_889, %dma_start3A_894] : memref<512x64xf32, #tpu.memory_space<vmem>> -> memref<1x64xf32, #tpu.memory_space<vmem>>
      %dma_start3A_896 = tpu.memref_squeeze %dma_start3A_895 : memref<1x64xf32, #tpu.memory_space<vmem>> -> memref<64xf32, #tpu.memory_space<vmem>>
      %dma_start3A_897 = tpu.memref_slice %arg3[%multiple_of3A_885] : memref<6400064xf32, #tpu.memory_space<hbm>> -> memref<64xf32, #tpu.memory_space<hbm>>
      tpu.enqueue_dma source(%dma_start3A_897 : memref<64xf32, #tpu.memory_space<hbm>>) target(%dma_start3A_896 : memref<64xf32, #tpu.memory_space<vmem>>) target_semaphore(%arg13 : memref<!tpu.dma_semaphore, #tpu.memory_space<semaphore_mem>>)
      %slice3A_898 = vector.extract_strided_slice %get3A_730 {offsets = [10], sizes = [1], strides = [1]} : vector<16xi32> to vector<1xi32>
      %squeeze3A_899 = vector.extract %slice3A_898[0] : i32 from vector<1xi32>
      %mul3A_900 = arith.constant 64 : i32
      %mul3A_901 = arith.muli %squeeze3A_899, %mul3A_900 : i32
      %multiple_of3A_902 = tpu.assume_multiple %mul3A_901, 64 : i32
      %mul3A_903 = arith.constant 16 : i32
      %mul3A_904 = arith.muli %scan3A_726, %mul3A_903 : i32
      %add3A_905 = arith.constant 10 : i32
      %add3A_906 = arith.addi %mul3A_904, %add3A_905 : i32
      %dma_start3A_907 = arith.constant 0 : i32
      %dma_start3A_908 = tpu.memref_slice %arg10[%add3A_906, %dma_start3A_907] : memref<512x64xf32, #tpu.memory_space<vmem>> -> memref<1x64xf32, #tpu.memory_space<vmem>>
      %dma_start3A_909 = tpu.memref_squeeze %dma_start3A_908 : memref<1x64xf32, #tpu.memory_space<vmem>> -> memref<64xf32, #tpu.memory_space<vmem>>
      %dma_start3A_910 = tpu.memref_slice %arg3[%multiple_of3A_902] : memref<6400064xf32, #tpu.memory_space<hbm>> -> memref<64xf32, #tpu.memory_space<hbm>>
      %dma_start3A_911 = arith.constant 0 : i32
      %dma_start3A_912 = tpu.memref_slice %arg10[%add3A_906, %dma_start3A_911] : memref<512x64xf32, #tpu.memory_space<vmem>> -> memref<1x64xf32, #tpu.memory_space<vmem>>
      %dma_start3A_913 = tpu.memref_squeeze %dma_start3A_912 : memref<1x64xf32, #tpu.memory_space<vmem>> -> memref<64xf32, #tpu.memory_space<vmem>>
      %dma_start3A_914 = tpu.memref_slice %arg3[%multiple_of3A_902] : memref<6400064xf32, #tpu.memory_space<hbm>> -> memref<64xf32, #tpu.memory_space<hbm>>
      tpu.enqueue_dma source(%dma_start3A_914 : memref<64xf32, #tpu.memory_space<hbm>>) target(%dma_start3A_913 : memref<64xf32, #tpu.memory_space<vmem>>) target_semaphore(%arg13 : memref<!tpu.dma_semaphore, #tpu.memory_space<semaphore_mem>>)
      %slice3A_915 = vector.extract_strided_slice %get3A_730 {offsets = [11], sizes = [1], strides = [1]} : vector<16xi32> to vector<1xi32>
      %squeeze3A_916 = vector.extract %slice3A_915[0] : i32 from vector<1xi32>
      %mul3A_917 = arith.constant 64 : i32
      %mul3A_918 = arith.muli %squeeze3A_916, %mul3A_917 : i32
      %multiple_of3A_919 = tpu.assume_multiple %mul3A_918, 64 : i32
      %mul3A_920 = arith.constant 16 : i32
      %mul3A_921 = arith.muli %scan3A_726, %mul3A_920 : i32
      %add3A_922 = arith.constant 11 : i32
      %add3A_923 = arith.addi %mul3A_921, %add3A_922 : i32
      %dma_start3A_924 = arith.constant 0 : i32
      %dma_start3A_925 = tpu.memref_slice %arg10[%add3A_923, %dma_start3A_924] : memref<512x64xf32, #tpu.memory_space<vmem>> -> memref<1x64xf32, #tpu.memory_space<vmem>>
      %dma_start3A_926 = tpu.memref_squeeze %dma_start3A_925 : memref<1x64xf32, #tpu.memory_space<vmem>> -> memref<64xf32, #tpu.memory_space<vmem>>
      %dma_start3A_927 = tpu.memref_slice %arg3[%multiple_of3A_919] : memref<6400064xf32, #tpu.memory_space<hbm>> -> memref<64xf32, #tpu.memory_space<hbm>>
      %dma_start3A_928 = arith.constant 0 : i32
      %dma_start3A_929 = tpu.memref_slice %arg10[%add3A_923, %dma_start3A_928] : memref<512x64xf32, #tpu.memory_space<vmem>> -> memref<1x64xf32, #tpu.memory_space<vmem>>
      %dma_start3A_930 = tpu.memref_squeeze %dma_start3A_929 : memref<1x64xf32, #tpu.memory_space<vmem>> -> memref<64xf32, #tpu.memory_space<vmem>>
      %dma_start3A_931 = tpu.memref_slice %arg3[%multiple_of3A_919] : memref<6400064xf32, #tpu.memory_space<hbm>> -> memref<64xf32, #tpu.memory_space<hbm>>
      tpu.enqueue_dma source(%dma_start3A_931 : memref<64xf32, #tpu.memory_space<hbm>>) target(%dma_start3A_930 : memref<64xf32, #tpu.memory_space<vmem>>) target_semaphore(%arg13 : memref<!tpu.dma_semaphore, #tpu.memory_space<semaphore_mem>>)
      %slice3A_932 = vector.extract_strided_slice %get3A_730 {offsets = [12], sizes = [1], strides = [1]} : vector<16xi32> to vector<1xi32>
      %squeeze3A_933 = vector.extract %slice3A_932[0] : i32 from vector<1xi32>
      %mul3A_934 = arith.constant 64 : i32
      %mul3A_935 = arith.muli %squeeze3A_933, %mul3A_934 : i32
      %multiple_of3A_936 = tpu.assume_multiple %mul3A_935, 64 : i32
      %mul3A_937 = arith.constant 16 : i32
      %mul3A_938 = arith.muli %scan3A_726, %mul3A_937 : i32
      %add3A_939 = arith.constant 12 : i32
      %add3A_940 = arith.addi %mul3A_938, %add3A_939 : i32
      %dma_start3A_941 = arith.constant 0 : i32
      %dma_start3A_942 = tpu.memref_slice %arg10[%add3A_940, %dma_start3A_941] : memref<512x64xf32, #tpu.memory_space<vmem>> -> memref<1x64xf32, #tpu.memory_space<vmem>>
      %dma_start3A_943 = tpu.memref_squeeze %dma_start3A_942 : memref<1x64xf32, #tpu.memory_space<vmem>> -> memref<64xf32, #tpu.memory_space<vmem>>
      %dma_start3A_944 = tpu.memref_slice %arg3[%multiple_of3A_936] : memref<6400064xf32, #tpu.memory_space<hbm>> -> memref<64xf32, #tpu.memory_space<hbm>>
      %dma_start3A_945 = arith.constant 0 : i32
      %dma_start3A_946 = tpu.memref_slice %arg10[%add3A_940, %dma_start3A_945] : memref<512x64xf32, #tpu.memory_space<vmem>> -> memref<1x64xf32, #tpu.memory_space<vmem>>
      %dma_start3A_947 = tpu.memref_squeeze %dma_start3A_946 : memref<1x64xf32, #tpu.memory_space<vmem>> -> memref<64xf32, #tpu.memory_space<vmem>>
      %dma_start3A_948 = tpu.memref_slice %arg3[%multiple_of3A_936] : memref<6400064xf32, #tpu.memory_space<hbm>> -> memref<64xf32, #tpu.memory_space<hbm>>
      tpu.enqueue_dma source(%dma_start3A_948 : memref<64xf32, #tpu.memory_space<hbm>>) target(%dma_start3A_947 : memref<64xf32, #tpu.memory_space<vmem>>) target_semaphore(%arg13 : memref<!tpu.dma_semaphore, #tpu.memory_space<semaphore_mem>>)
      %slice3A_949 = vector.extract_strided_slice %get3A_730 {offsets = [13], sizes = [1], strides = [1]} : vector<16xi32> to vector<1xi32>
      %squeeze3A_950 = vector.extract %slice3A_949[0] : i32 from vector<1xi32>
      %mul3A_951 = arith.constant 64 : i32
      %mul3A_952 = arith.muli %squeeze3A_950, %mul3A_951 : i32
      %multiple_of3A_953 = tpu.assume_multiple %mul3A_952, 64 : i32
      %mul3A_954 = arith.constant 16 : i32
      %mul3A_955 = arith.muli %scan3A_726, %mul3A_954 : i32
      %add3A_956 = arith.constant 13 : i32
      %add3A_957 = arith.addi %mul3A_955, %add3A_956 : i32
      %dma_start3A_958 = arith.constant 0 : i32
      %dma_start3A_959 = tpu.memref_slice %arg10[%add3A_957, %dma_start3A_958] : memref<512x64xf32, #tpu.memory_space<vmem>> -> memref<1x64xf32, #tpu.memory_space<vmem>>
      %dma_start3A_960 = tpu.memref_squeeze %dma_start3A_959 : memref<1x64xf32, #tpu.memory_space<vmem>> -> memref<64xf32, #tpu.memory_space<vmem>>
      %dma_start3A_961 = tpu.memref_slice %arg3[%multiple_of3A_953] : memref<6400064xf32, #tpu.memory_space<hbm>> -> memref<64xf32, #tpu.memory_space<hbm>>
      %dma_start3A_962 = arith.constant 0 : i32
      %dma_start3A_963 = tpu.memref_slice %arg10[%add3A_957, %dma_start3A_962] : memref<512x64xf32, #tpu.memory_space<vmem>> -> memref<1x64xf32, #tpu.memory_space<vmem>>
      %dma_start3A_964 = tpu.memref_squeeze %dma_start3A_963 : memref<1x64xf32, #tpu.memory_space<vmem>> -> memref<64xf32, #tpu.memory_space<vmem>>
      %dma_start3A_965 = tpu.memref_slice %arg3[%multiple_of3A_953] : memref<6400064xf32, #tpu.memory_space<hbm>> -> memref<64xf32, #tpu.memory_space<hbm>>
      tpu.enqueue_dma source(%dma_start3A_965 : memref<64xf32, #tpu.memory_space<hbm>>) target(%dma_start3A_964 : memref<64xf32, #tpu.memory_space<vmem>>) target_semaphore(%arg13 : memref<!tpu.dma_semaphore, #tpu.memory_space<semaphore_mem>>)
      %slice3A_966 = vector.extract_strided_slice %get3A_730 {offsets = [14], sizes = [1], strides = [1]} : vector<16xi32> to vector<1xi32>
      %squeeze3A_967 = vector.extract %slice3A_966[0] : i32 from vector<1xi32>
      %mul3A_968 = arith.constant 64 : i32
      %mul3A_969 = arith.muli %squeeze3A_967, %mul3A_968 : i32
      %multiple_of3A_970 = tpu.assume_multiple %mul3A_969, 64 : i32
      %mul3A_971 = arith.constant 16 : i32
      %mul3A_972 = arith.muli %scan3A_726, %mul3A_971 : i32
      %add3A_973 = arith.constant 14 : i32
      %add3A_974 = arith.addi %mul3A_972, %add3A_973 : i32
      %dma_start3A_975 = arith.constant 0 : i32
      %dma_start3A_976 = tpu.memref_slice %arg10[%add3A_974, %dma_start3A_975] : memref<512x64xf32, #tpu.memory_space<vmem>> -> memref<1x64xf32, #tpu.memory_space<vmem>>
      %dma_start3A_977 = tpu.memref_squeeze %dma_start3A_976 : memref<1x64xf32, #tpu.memory_space<vmem>> -> memref<64xf32, #tpu.memory_space<vmem>>
      %dma_start3A_978 = tpu.memref_slice %arg3[%multiple_of3A_970] : memref<6400064xf32, #tpu.memory_space<hbm>> -> memref<64xf32, #tpu.memory_space<hbm>>
      %dma_start3A_979 = arith.constant 0 : i32
      %dma_start3A_980 = tpu.memref_slice %arg10[%add3A_974, %dma_start3A_979] : memref<512x64xf32, #tpu.memory_space<vmem>> -> memref<1x64xf32, #tpu.memory_space<vmem>>
      %dma_start3A_981 = tpu.memref_squeeze %dma_start3A_980 : memref<1x64xf32, #tpu.memory_space<vmem>> -> memref<64xf32, #tpu.memory_space<vmem>>
      %dma_start3A_982 = tpu.memref_slice %arg3[%multiple_of3A_970] : memref<6400064xf32, #tpu.memory_space<hbm>> -> memref<64xf32, #tpu.memory_space<hbm>>
      tpu.enqueue_dma source(%dma_start3A_982 : memref<64xf32, #tpu.memory_space<hbm>>) target(%dma_start3A_981 : memref<64xf32, #tpu.memory_space<vmem>>) target_semaphore(%arg13 : memref<!tpu.dma_semaphore, #tpu.memory_space<semaphore_mem>>)
      %slice3A_983 = vector.extract_strided_slice %get3A_730 {offsets = [15], sizes = [1], strides = [1]} : vector<16xi32> to vector<1xi32>
      %squeeze3A_984 = vector.extract %slice3A_983[0] : i32 from vector<1xi32>
      %mul3A_985 = arith.constant 64 : i32
      %mul3A_986 = arith.muli %squeeze3A_984, %mul3A_985 : i32
      %multiple_of3A_987 = tpu.assume_multiple %mul3A_986, 64 : i32
      %mul3A_988 = arith.constant 16 : i32
      %mul3A_989 = arith.muli %scan3A_726, %mul3A_988 : i32
      %add3A_990 = arith.constant 15 : i32
      %add3A_991 = arith.addi %mul3A_989, %add3A_990 : i32
      %dma_start3A_992 = arith.constant 0 : i32
      %dma_start3A_993 = tpu.memref_slice %arg10[%add3A_991, %dma_start3A_992] : memref<512x64xf32, #tpu.memory_space<vmem>> -> memref<1x64xf32, #tpu.memory_space<vmem>>
      %dma_start3A_994 = tpu.memref_squeeze %dma_start3A_993 : memref<1x64xf32, #tpu.memory_space<vmem>> -> memref<64xf32, #tpu.memory_space<vmem>>
      %dma_start3A_995 = tpu.memref_slice %arg3[%multiple_of3A_987] : memref<6400064xf32, #tpu.memory_space<hbm>> -> memref<64xf32, #tpu.memory_space<hbm>>
      %dma_start3A_996 = arith.constant 0 : i32
      %dma_start3A_997 = tpu.memref_slice %arg10[%add3A_991, %dma_start3A_996] : memref<512x64xf32, #tpu.memory_space<vmem>> -> memref<1x64xf32, #tpu.memory_space<vmem>>
      %dma_start3A_998 = tpu.memref_squeeze %dma_start3A_997 : memref<1x64xf32, #tpu.memory_space<vmem>> -> memref<64xf32, #tpu.memory_space<vmem>>
      %dma_start3A_999 = tpu.memref_slice %arg3[%multiple_of3A_987] : memref<6400064xf32, #tpu.memory_space<hbm>> -> memref<64xf32, #tpu.memory_space<hbm>>
      tpu.enqueue_dma source(%dma_start3A_999 : memref<64xf32, #tpu.memory_space<hbm>>) target(%dma_start3A_998 : memref<64xf32, #tpu.memory_space<vmem>>) target_semaphore(%arg13 : memref<!tpu.dma_semaphore, #tpu.memory_space<semaphore_mem>>)
      %gt3A = arith.constant 2 : i32
      %gt3A_1000 = arith.cmpi sgt, %scan3A_726, %gt3A : i32
      %convert_element_type3A = arith.extui %gt3A_1000 : i1 to i32
      %cond3A = arith.constant 0 : i32
      %cond3A_1001 = arith.cmpi ne, %convert_element_type3A, %cond3A : i32
      scf.if %cond3A_1001 {
        %dma_wait3A_1002 = arith.constant 0 : i32
        %dma_wait3A_1003 = tpu.memref_slice %arg10[%add3A_736, %dma_wait3A_1002] : memref<512x64xf32, #tpu.memory_space<vmem>> -> memref<1x64xf32, #tpu.memory_space<vmem>>
        %dma_wait3A_1004 = tpu.memref_squeeze %dma_wait3A_1003 : memref<1x64xf32, #tpu.memory_space<vmem>> -> memref<64xf32, #tpu.memory_space<vmem>>
        %dma_wait3A_1005 = tpu.memref_slice %arg3[%multiple_of3A] : memref<6400064xf32, #tpu.memory_space<hbm>> -> memref<64xf32, #tpu.memory_space<hbm>>
        %dma_wait3A_1006 = arith.constant 0 : i32
        %dma_wait3A_1007 = tpu.memref_slice %arg10[%add3A_736, %dma_wait3A_1006] : memref<512x64xf32, #tpu.memory_space<vmem>> -> memref<1x64xf32, #tpu.memory_space<vmem>>
        %dma_wait3A_1008 = tpu.memref_squeeze %dma_wait3A_1007 : memref<1x64xf32, #tpu.memory_space<vmem>> -> memref<64xf32, #tpu.memory_space<vmem>>
        %dma_wait3A_1009 = tpu.memref_slice %arg3[%multiple_of3A] : memref<6400064xf32, #tpu.memory_space<hbm>> -> memref<64xf32, #tpu.memory_space<hbm>>
        tpu.wait_dma2 semaphore(%arg13 : memref<!tpu.dma_semaphore, #tpu.memory_space<semaphore_mem>>) src(%dma_wait3A_1009 : memref<64xf32, #tpu.memory_space<hbm>>) dst(%dma_wait3A_1008 : memref<64xf32, #tpu.memory_space<vmem>>)
        %dma_wait3A_1010 = arith.constant 0 : i32
        %dma_wait3A_1011 = tpu.memref_slice %arg10[%add3A_753, %dma_wait3A_1010] : memref<512x64xf32, #tpu.memory_space<vmem>> -> memref<1x64xf32, #tpu.memory_space<vmem>>
        %dma_wait3A_1012 = tpu.memref_squeeze %dma_wait3A_1011 : memref<1x64xf32, #tpu.memory_space<vmem>> -> memref<64xf32, #tpu.memory_space<vmem>>
        %dma_wait3A_1013 = tpu.memref_slice %arg3[%multiple_of3A_749] : memref<6400064xf32, #tpu.memory_space<hbm>> -> memref<64xf32, #tpu.memory_space<hbm>>
        %dma_wait3A_1014 = arith.constant 0 : i32
        %dma_wait3A_1015 = tpu.memref_slice %arg10[%add3A_753, %dma_wait3A_1014] : memref<512x64xf32, #tpu.memory_space<vmem>> -> memref<1x64xf32, #tpu.memory_space<vmem>>
        %dma_wait3A_1016 = tpu.memref_squeeze %dma_wait3A_1015 : memref<1x64xf32, #tpu.memory_space<vmem>> -> memref<64xf32, #tpu.memory_space<vmem>>
        %dma_wait3A_1017 = tpu.memref_slice %arg3[%multiple_of3A_749] : memref<6400064xf32, #tpu.memory_space<hbm>> -> memref<64xf32, #tpu.memory_space<hbm>>
        tpu.wait_dma2 semaphore(%arg13 : memref<!tpu.dma_semaphore, #tpu.memory_space<semaphore_mem>>) src(%dma_wait3A_1017 : memref<64xf32, #tpu.memory_space<hbm>>) dst(%dma_wait3A_1016 : memref<64xf32, #tpu.memory_space<vmem>>)
        %dma_wait3A_1018 = arith.constant 0 : i32
        %dma_wait3A_1019 = tpu.memref_slice %arg10[%add3A_770, %dma_wait3A_1018] : memref<512x64xf32, #tpu.memory_space<vmem>> -> memref<1x64xf32, #tpu.memory_space<vmem>>
        %dma_wait3A_1020 = tpu.memref_squeeze %dma_wait3A_1019 : memref<1x64xf32, #tpu.memory_space<vmem>> -> memref<64xf32, #tpu.memory_space<vmem>>
        %dma_wait3A_1021 = tpu.memref_slice %arg3[%multiple_of3A_766] : memref<6400064xf32, #tpu.memory_space<hbm>> -> memref<64xf32, #tpu.memory_space<hbm>>
        %dma_wait3A_1022 = arith.constant 0 : i32
        %dma_wait3A_1023 = tpu.memref_slice %arg10[%add3A_770, %dma_wait3A_1022] : memref<512x64xf32, #tpu.memory_space<vmem>> -> memref<1x64xf32, #tpu.memory_space<vmem>>
        %dma_wait3A_1024 = tpu.memref_squeeze %dma_wait3A_1023 : memref<1x64xf32, #tpu.memory_space<vmem>> -> memref<64xf32, #tpu.memory_space<vmem>>
        %dma_wait3A_1025 = tpu.memref_slice %arg3[%multiple_of3A_766] : memref<6400064xf32, #tpu.memory_space<hbm>> -> memref<64xf32, #tpu.memory_space<hbm>>
        tpu.wait_dma2 semaphore(%arg13 : memref<!tpu.dma_semaphore, #tpu.memory_space<semaphore_mem>>) src(%dma_wait3A_1025 : memref<64xf32, #tpu.memory_space<hbm>>) dst(%dma_wait3A_1024 : memref<64xf32, #tpu.memory_space<vmem>>)
        %dma_wait3A_1026 = arith.constant 0 : i32
        %dma_wait3A_1027 = tpu.memref_slice %arg10[%add3A_787, %dma_wait3A_1026] : memref<512x64xf32, #tpu.memory_space<vmem>> -> memref<1x64xf32, #tpu.memory_space<vmem>>
        %dma_wait3A_1028 = tpu.memref_squeeze %dma_wait3A_1027 : memref<1x64xf32, #tpu.memory_space<vmem>> -> memref<64xf32, #tpu.memory_space<vmem>>
        %dma_wait3A_1029 = tpu.memref_slice %arg3[%multiple_of3A_783] : memref<6400064xf32, #tpu.memory_space<hbm>> -> memref<64xf32, #tpu.memory_space<hbm>>
        %dma_wait3A_1030 = arith.constant 0 : i32
        %dma_wait3A_1031 = tpu.memref_slice %arg10[%add3A_787, %dma_wait3A_1030] : memref<512x64xf32, #tpu.memory_space<vmem>> -> memref<1x64xf32, #tpu.memory_space<vmem>>
        %dma_wait3A_1032 = tpu.memref_squeeze %dma_wait3A_1031 : memref<1x64xf32, #tpu.memory_space<vmem>> -> memref<64xf32, #tpu.memory_space<vmem>>
        %dma_wait3A_1033 = tpu.memref_slice %arg3[%multiple_of3A_783] : memref<6400064xf32, #tpu.memory_space<hbm>> -> memref<64xf32, #tpu.memory_space<hbm>>
        tpu.wait_dma2 semaphore(%arg13 : memref<!tpu.dma_semaphore, #tpu.memory_space<semaphore_mem>>) src(%dma_wait3A_1033 : memref<64xf32, #tpu.memory_space<hbm>>) dst(%dma_wait3A_1032 : memref<64xf32, #tpu.memory_space<vmem>>)
        %dma_wait3A_1034 = arith.constant 0 : i32
        %dma_wait3A_1035 = tpu.memref_slice %arg10[%add3A_804, %dma_wait3A_1034] : memref<512x64xf32, #tpu.memory_space<vmem>> -> memref<1x64xf32, #tpu.memory_space<vmem>>
        %dma_wait3A_1036 = tpu.memref_squeeze %dma_wait3A_1035 : memref<1x64xf32, #tpu.memory_space<vmem>> -> memref<64xf32, #tpu.memory_space<vmem>>
        %dma_wait3A_1037 = tpu.memref_slice %arg3[%multiple_of3A_800] : memref<6400064xf32, #tpu.memory_space<hbm>> -> memref<64xf32, #tpu.memory_space<hbm>>
        %dma_wait3A_1038 = arith.constant 0 : i32
        %dma_wait3A_1039 = tpu.memref_slice %arg10[%add3A_804, %dma_wait3A_1038] : memref<512x64xf32, #tpu.memory_space<vmem>> -> memref<1x64xf32, #tpu.memory_space<vmem>>
        %dma_wait3A_1040 = tpu.memref_squeeze %dma_wait3A_1039 : memref<1x64xf32, #tpu.memory_space<vmem>> -> memref<64xf32, #tpu.memory_space<vmem>>
        %dma_wait3A_1041 = tpu.memref_slice %arg3[%multiple_of3A_800] : memref<6400064xf32, #tpu.memory_space<hbm>> -> memref<64xf32, #tpu.memory_space<hbm>>
        tpu.wait_dma2 semaphore(%arg13 : memref<!tpu.dma_semaphore, #tpu.memory_space<semaphore_mem>>) src(%dma_wait3A_1041 : memref<64xf32, #tpu.memory_space<hbm>>) dst(%dma_wait3A_1040 : memref<64xf32, #tpu.memory_space<vmem>>)
        %dma_wait3A_1042 = arith.constant 0 : i32
        %dma_wait3A_1043 = tpu.memref_slice %arg10[%add3A_821, %dma_wait3A_1042] : memref<512x64xf32, #tpu.memory_space<vmem>> -> memref<1x64xf32, #tpu.memory_space<vmem>>
        %dma_wait3A_1044 = tpu.memref_squeeze %dma_wait3A_1043 : memref<1x64xf32, #tpu.memory_space<vmem>> -> memref<64xf32, #tpu.memory_space<vmem>>
        %dma_wait3A_1045 = tpu.memref_slice %arg3[%multiple_of3A_817] : memref<6400064xf32, #tpu.memory_space<hbm>> -> memref<64xf32, #tpu.memory_space<hbm>>
        %dma_wait3A_1046 = arith.constant 0 : i32
        %dma_wait3A_1047 = tpu.memref_slice %arg10[%add3A_821, %dma_wait3A_1046] : memref<512x64xf32, #tpu.memory_space<vmem>> -> memref<1x64xf32, #tpu.memory_space<vmem>>
        %dma_wait3A_1048 = tpu.memref_squeeze %dma_wait3A_1047 : memref<1x64xf32, #tpu.memory_space<vmem>> -> memref<64xf32, #tpu.memory_space<vmem>>
        %dma_wait3A_1049 = tpu.memref_slice %arg3[%multiple_of3A_817] : memref<6400064xf32, #tpu.memory_space<hbm>> -> memref<64xf32, #tpu.memory_space<hbm>>
        tpu.wait_dma2 semaphore(%arg13 : memref<!tpu.dma_semaphore, #tpu.memory_space<semaphore_mem>>) src(%dma_wait3A_1049 : memref<64xf32, #tpu.memory_space<hbm>>) dst(%dma_wait3A_1048 : memref<64xf32, #tpu.memory_space<vmem>>)
        %dma_wait3A_1050 = arith.constant 0 : i32
        %dma_wait3A_1051 = tpu.memref_slice %arg10[%add3A_838, %dma_wait3A_1050] : memref<512x64xf32, #tpu.memory_space<vmem>> -> memref<1x64xf32, #tpu.memory_space<vmem>>
        %dma_wait3A_1052 = tpu.memref_squeeze %dma_wait3A_1051 : memref<1x64xf32, #tpu.memory_space<vmem>> -> memref<64xf32, #tpu.memory_space<vmem>>
        %dma_wait3A_1053 = tpu.memref_slice %arg3[%multiple_of3A_834] : memref<6400064xf32, #tpu.memory_space<hbm>> -> memref<64xf32, #tpu.memory_space<hbm>>
        %dma_wait3A_1054 = arith.constant 0 : i32
        %dma_wait3A_1055 = tpu.memref_slice %arg10[%add3A_838, %dma_wait3A_1054] : memref<512x64xf32, #tpu.memory_space<vmem>> -> memref<1x64xf32, #tpu.memory_space<vmem>>
        %dma_wait3A_1056 = tpu.memref_squeeze %dma_wait3A_1055 : memref<1x64xf32, #tpu.memory_space<vmem>> -> memref<64xf32, #tpu.memory_space<vmem>>
        %dma_wait3A_1057 = tpu.memref_slice %arg3[%multiple_of3A_834] : memref<6400064xf32, #tpu.memory_space<hbm>> -> memref<64xf32, #tpu.memory_space<hbm>>
        tpu.wait_dma2 semaphore(%arg13 : memref<!tpu.dma_semaphore, #tpu.memory_space<semaphore_mem>>) src(%dma_wait3A_1057 : memref<64xf32, #tpu.memory_space<hbm>>) dst(%dma_wait3A_1056 : memref<64xf32, #tpu.memory_space<vmem>>)
        %dma_wait3A_1058 = arith.constant 0 : i32
        %dma_wait3A_1059 = tpu.memref_slice %arg10[%add3A_855, %dma_wait3A_1058] : memref<512x64xf32, #tpu.memory_space<vmem>> -> memref<1x64xf32, #tpu.memory_space<vmem>>
        %dma_wait3A_1060 = tpu.memref_squeeze %dma_wait3A_1059 : memref<1x64xf32, #tpu.memory_space<vmem>> -> memref<64xf32, #tpu.memory_space<vmem>>
        %dma_wait3A_1061 = tpu.memref_slice %arg3[%multiple_of3A_851] : memref<6400064xf32, #tpu.memory_space<hbm>> -> memref<64xf32, #tpu.memory_space<hbm>>
        %dma_wait3A_1062 = arith.constant 0 : i32
        %dma_wait3A_1063 = tpu.memref_slice %arg10[%add3A_855, %dma_wait3A_1062] : memref<512x64xf32, #tpu.memory_space<vmem>> -> memref<1x64xf32, #tpu.memory_space<vmem>>
        %dma_wait3A_1064 = tpu.memref_squeeze %dma_wait3A_1063 : memref<1x64xf32, #tpu.memory_space<vmem>> -> memref<64xf32, #tpu.memory_space<vmem>>
        %dma_wait3A_1065 = tpu.memref_slice %arg3[%multiple_of3A_851] : memref<6400064xf32, #tpu.memory_space<hbm>> -> memref<64xf32, #tpu.memory_space<hbm>>
        tpu.wait_dma2 semaphore(%arg13 : memref<!tpu.dma_semaphore, #tpu.memory_space<semaphore_mem>>) src(%dma_wait3A_1065 : memref<64xf32, #tpu.memory_space<hbm>>) dst(%dma_wait3A_1064 : memref<64xf32, #tpu.memory_space<vmem>>)
        %dma_wait3A_1066 = arith.constant 0 : i32
        %dma_wait3A_1067 = tpu.memref_slice %arg10[%add3A_872, %dma_wait3A_1066] : memref<512x64xf32, #tpu.memory_space<vmem>> -> memref<1x64xf32, #tpu.memory_space<vmem>>
        %dma_wait3A_1068 = tpu.memref_squeeze %dma_wait3A_1067 : memref<1x64xf32, #tpu.memory_space<vmem>> -> memref<64xf32, #tpu.memory_space<vmem>>
        %dma_wait3A_1069 = tpu.memref_slice %arg3[%multiple_of3A_868] : memref<6400064xf32, #tpu.memory_space<hbm>> -> memref<64xf32, #tpu.memory_space<hbm>>
        %dma_wait3A_1070 = arith.constant 0 : i32
        %dma_wait3A_1071 = tpu.memref_slice %arg10[%add3A_872, %dma_wait3A_1070] : memref<512x64xf32, #tpu.memory_space<vmem>> -> memref<1x64xf32, #tpu.memory_space<vmem>>
        %dma_wait3A_1072 = tpu.memref_squeeze %dma_wait3A_1071 : memref<1x64xf32, #tpu.memory_space<vmem>> -> memref<64xf32, #tpu.memory_space<vmem>>
        %dma_wait3A_1073 = tpu.memref_slice %arg3[%multiple_of3A_868] : memref<6400064xf32, #tpu.memory_space<hbm>> -> memref<64xf32, #tpu.memory_space<hbm>>
        tpu.wait_dma2 semaphore(%arg13 : memref<!tpu.dma_semaphore, #tpu.memory_space<semaphore_mem>>) src(%dma_wait3A_1073 : memref<64xf32, #tpu.memory_space<hbm>>) dst(%dma_wait3A_1072 : memref<64xf32, #tpu.memory_space<vmem>>)
        %dma_wait3A_1074 = arith.constant 0 : i32
        %dma_wait3A_1075 = tpu.memref_slice %arg10[%add3A_889, %dma_wait3A_1074] : memref<512x64xf32, #tpu.memory_space<vmem>> -> memref<1x64xf32, #tpu.memory_space<vmem>>
        %dma_wait3A_1076 = tpu.memref_squeeze %dma_wait3A_1075 : memref<1x64xf32, #tpu.memory_space<vmem>> -> memref<64xf32, #tpu.memory_space<vmem>>
        %dma_wait3A_1077 = tpu.memref_slice %arg3[%multiple_of3A_885] : memref<6400064xf32, #tpu.memory_space<hbm>> -> memref<64xf32, #tpu.memory_space<hbm>>
        %dma_wait3A_1078 = arith.constant 0 : i32
        %dma_wait3A_1079 = tpu.memref_slice %arg10[%add3A_889, %dma_wait3A_1078] : memref<512x64xf32, #tpu.memory_space<vmem>> -> memref<1x64xf32, #tpu.memory_space<vmem>>
        %dma_wait3A_1080 = tpu.memref_squeeze %dma_wait3A_1079 : memref<1x64xf32, #tpu.memory_space<vmem>> -> memref<64xf32, #tpu.memory_space<vmem>>
        %dma_wait3A_1081 = tpu.memref_slice %arg3[%multiple_of3A_885] : memref<6400064xf32, #tpu.memory_space<hbm>> -> memref<64xf32, #tpu.memory_space<hbm>>
        tpu.wait_dma2 semaphore(%arg13 : memref<!tpu.dma_semaphore, #tpu.memory_space<semaphore_mem>>) src(%dma_wait3A_1081 : memref<64xf32, #tpu.memory_space<hbm>>) dst(%dma_wait3A_1080 : memref<64xf32, #tpu.memory_space<vmem>>)
        %dma_wait3A_1082 = arith.constant 0 : i32
        %dma_wait3A_1083 = tpu.memref_slice %arg10[%add3A_906, %dma_wait3A_1082] : memref<512x64xf32, #tpu.memory_space<vmem>> -> memref<1x64xf32, #tpu.memory_space<vmem>>
        %dma_wait3A_1084 = tpu.memref_squeeze %dma_wait3A_1083 : memref<1x64xf32, #tpu.memory_space<vmem>> -> memref<64xf32, #tpu.memory_space<vmem>>
        %dma_wait3A_1085 = tpu.memref_slice %arg3[%multiple_of3A_902] : memref<6400064xf32, #tpu.memory_space<hbm>> -> memref<64xf32, #tpu.memory_space<hbm>>
        %dma_wait3A_1086 = arith.constant 0 : i32
        %dma_wait3A_1087 = tpu.memref_slice %arg10[%add3A_906, %dma_wait3A_1086] : memref<512x64xf32, #tpu.memory_space<vmem>> -> memref<1x64xf32, #tpu.memory_space<vmem>>
        %dma_wait3A_1088 = tpu.memref_squeeze %dma_wait3A_1087 : memref<1x64xf32, #tpu.memory_space<vmem>> -> memref<64xf32, #tpu.memory_space<vmem>>
        %dma_wait3A_1089 = tpu.memref_slice %arg3[%multiple_of3A_902] : memref<6400064xf32, #tpu.memory_space<hbm>> -> memref<64xf32, #tpu.memory_space<hbm>>
        tpu.wait_dma2 semaphore(%arg13 : memref<!tpu.dma_semaphore, #tpu.memory_space<semaphore_mem>>) src(%dma_wait3A_1089 : memref<64xf32, #tpu.memory_space<hbm>>) dst(%dma_wait3A_1088 : memref<64xf32, #tpu.memory_space<vmem>>)
        %dma_wait3A_1090 = arith.constant 0 : i32
        %dma_wait3A_1091 = tpu.memref_slice %arg10[%add3A_923, %dma_wait3A_1090] : memref<512x64xf32, #tpu.memory_space<vmem>> -> memref<1x64xf32, #tpu.memory_space<vmem>>
        %dma_wait3A_1092 = tpu.memref_squeeze %dma_wait3A_1091 : memref<1x64xf32, #tpu.memory_space<vmem>> -> memref<64xf32, #tpu.memory_space<vmem>>
        %dma_wait3A_1093 = tpu.memref_slice %arg3[%multiple_of3A_919] : memref<6400064xf32, #tpu.memory_space<hbm>> -> memref<64xf32, #tpu.memory_space<hbm>>
        %dma_wait3A_1094 = arith.constant 0 : i32
        %dma_wait3A_1095 = tpu.memref_slice %arg10[%add3A_923, %dma_wait3A_1094] : memref<512x64xf32, #tpu.memory_space<vmem>> -> memref<1x64xf32, #tpu.memory_space<vmem>>
        %dma_wait3A_1096 = tpu.memref_squeeze %dma_wait3A_1095 : memref<1x64xf32, #tpu.memory_space<vmem>> -> memref<64xf32, #tpu.memory_space<vmem>>
        %dma_wait3A_1097 = tpu.memref_slice %arg3[%multiple_of3A_919] : memref<6400064xf32, #tpu.memory_space<hbm>> -> memref<64xf32, #tpu.memory_space<hbm>>
        tpu.wait_dma2 semaphore(%arg13 : memref<!tpu.dma_semaphore, #tpu.memory_space<semaphore_mem>>) src(%dma_wait3A_1097 : memref<64xf32, #tpu.memory_space<hbm>>) dst(%dma_wait3A_1096 : memref<64xf32, #tpu.memory_space<vmem>>)
        %dma_wait3A_1098 = arith.constant 0 : i32
        %dma_wait3A_1099 = tpu.memref_slice %arg10[%add3A_940, %dma_wait3A_1098] : memref<512x64xf32, #tpu.memory_space<vmem>> -> memref<1x64xf32, #tpu.memory_space<vmem>>
        %dma_wait3A_1100 = tpu.memref_squeeze %dma_wait3A_1099 : memref<1x64xf32, #tpu.memory_space<vmem>> -> memref<64xf32, #tpu.memory_space<vmem>>
        %dma_wait3A_1101 = tpu.memref_slice %arg3[%multiple_of3A_936] : memref<6400064xf32, #tpu.memory_space<hbm>> -> memref<64xf32, #tpu.memory_space<hbm>>
        %dma_wait3A_1102 = arith.constant 0 : i32
        %dma_wait3A_1103 = tpu.memref_slice %arg10[%add3A_940, %dma_wait3A_1102] : memref<512x64xf32, #tpu.memory_space<vmem>> -> memref<1x64xf32, #tpu.memory_space<vmem>>
        %dma_wait3A_1104 = tpu.memref_squeeze %dma_wait3A_1103 : memref<1x64xf32, #tpu.memory_space<vmem>> -> memref<64xf32, #tpu.memory_space<vmem>>
        %dma_wait3A_1105 = tpu.memref_slice %arg3[%multiple_of3A_936] : memref<6400064xf32, #tpu.memory_space<hbm>> -> memref<64xf32, #tpu.memory_space<hbm>>
        tpu.wait_dma2 semaphore(%arg13 : memref<!tpu.dma_semaphore, #tpu.memory_space<semaphore_mem>>) src(%dma_wait3A_1105 : memref<64xf32, #tpu.memory_space<hbm>>) dst(%dma_wait3A_1104 : memref<64xf32, #tpu.memory_space<vmem>>)
        %dma_wait3A_1106 = arith.constant 0 : i32
        %dma_wait3A_1107 = tpu.memref_slice %arg10[%add3A_957, %dma_wait3A_1106] : memref<512x64xf32, #tpu.memory_space<vmem>> -> memref<1x64xf32, #tpu.memory_space<vmem>>
        %dma_wait3A_1108 = tpu.memref_squeeze %dma_wait3A_1107 : memref<1x64xf32, #tpu.memory_space<vmem>> -> memref<64xf32, #tpu.memory_space<vmem>>
        %dma_wait3A_1109 = tpu.memref_slice %arg3[%multiple_of3A_953] : memref<6400064xf32, #tpu.memory_space<hbm>> -> memref<64xf32, #tpu.memory_space<hbm>>
        %dma_wait3A_1110 = arith.constant 0 : i32
        %dma_wait3A_1111 = tpu.memref_slice %arg10[%add3A_957, %dma_wait3A_1110] : memref<512x64xf32, #tpu.memory_space<vmem>> -> memref<1x64xf32, #tpu.memory_space<vmem>>
        %dma_wait3A_1112 = tpu.memref_squeeze %dma_wait3A_1111 : memref<1x64xf32, #tpu.memory_space<vmem>> -> memref<64xf32, #tpu.memory_space<vmem>>
        %dma_wait3A_1113 = tpu.memref_slice %arg3[%multiple_of3A_953] : memref<6400064xf32, #tpu.memory_space<hbm>> -> memref<64xf32, #tpu.memory_space<hbm>>
        tpu.wait_dma2 semaphore(%arg13 : memref<!tpu.dma_semaphore, #tpu.memory_space<semaphore_mem>>) src(%dma_wait3A_1113 : memref<64xf32, #tpu.memory_space<hbm>>) dst(%dma_wait3A_1112 : memref<64xf32, #tpu.memory_space<vmem>>)
        %dma_wait3A_1114 = arith.constant 0 : i32
        %dma_wait3A_1115 = tpu.memref_slice %arg10[%add3A_974, %dma_wait3A_1114] : memref<512x64xf32, #tpu.memory_space<vmem>> -> memref<1x64xf32, #tpu.memory_space<vmem>>
        %dma_wait3A_1116 = tpu.memref_squeeze %dma_wait3A_1115 : memref<1x64xf32, #tpu.memory_space<vmem>> -> memref<64xf32, #tpu.memory_space<vmem>>
        %dma_wait3A_1117 = tpu.memref_slice %arg3[%multiple_of3A_970] : memref<6400064xf32, #tpu.memory_space<hbm>> -> memref<64xf32, #tpu.memory_space<hbm>>
        %dma_wait3A_1118 = arith.constant 0 : i32
        %dma_wait3A_1119 = tpu.memref_slice %arg10[%add3A_974, %dma_wait3A_1118] : memref<512x64xf32, #tpu.memory_space<vmem>> -> memref<1x64xf32, #tpu.memory_space<vmem>>
        %dma_wait3A_1120 = tpu.memref_squeeze %dma_wait3A_1119 : memref<1x64xf32, #tpu.memory_space<vmem>> -> memref<64xf32, #tpu.memory_space<vmem>>
        %dma_wait3A_1121 = tpu.memref_slice %arg3[%multiple_of3A_970] : memref<6400064xf32, #tpu.memory_space<hbm>> -> memref<64xf32, #tpu.memory_space<hbm>>
        tpu.wait_dma2 semaphore(%arg13 : memref<!tpu.dma_semaphore, #tpu.memory_space<semaphore_mem>>) src(%dma_wait3A_1121 : memref<64xf32, #tpu.memory_space<hbm>>) dst(%dma_wait3A_1120 : memref<64xf32, #tpu.memory_space<vmem>>)
        %dma_wait3A_1122 = arith.constant 0 : i32
        %dma_wait3A_1123 = tpu.memref_slice %arg10[%add3A_991, %dma_wait3A_1122] : memref<512x64xf32, #tpu.memory_space<vmem>> -> memref<1x64xf32, #tpu.memory_space<vmem>>
        %dma_wait3A_1124 = tpu.memref_squeeze %dma_wait3A_1123 : memref<1x64xf32, #tpu.memory_space<vmem>> -> memref<64xf32, #tpu.memory_space<vmem>>
        %dma_wait3A_1125 = tpu.memref_slice %arg3[%multiple_of3A_987] : memref<6400064xf32, #tpu.memory_space<hbm>> -> memref<64xf32, #tpu.memory_space<hbm>>
        %dma_wait3A_1126 = arith.constant 0 : i32
        %dma_wait3A_1127 = tpu.memref_slice %arg10[%add3A_991, %dma_wait3A_1126] : memref<512x64xf32, #tpu.memory_space<vmem>> -> memref<1x64xf32, #tpu.memory_space<vmem>>
        %dma_wait3A_1128 = tpu.memref_squeeze %dma_wait3A_1127 : memref<1x64xf32, #tpu.memory_space<vmem>> -> memref<64xf32, #tpu.memory_space<vmem>>
        %dma_wait3A_1129 = tpu.memref_slice %arg3[%multiple_of3A_987] : memref<6400064xf32, #tpu.memory_space<hbm>> -> memref<64xf32, #tpu.memory_space<hbm>>
        tpu.wait_dma2 semaphore(%arg13 : memref<!tpu.dma_semaphore, #tpu.memory_space<semaphore_mem>>) src(%dma_wait3A_1129 : memref<64xf32, #tpu.memory_space<hbm>>) dst(%dma_wait3A_1128 : memref<64xf32, #tpu.memory_space<vmem>>)
      } else {
      }
    }
    %scan3A_102 = arith.constant 32 : i32
    %dma_wait3A = arith.constant 0 : i32
    %dma_wait3A_103 = arith.constant 0 : i32
    %dma_wait3A_104 = tpu.memref_slice %arg10[%dma_wait3A, %dma_wait3A_103] : memref<512x64xf32, #tpu.memory_space<vmem>> -> memref<1x64xf32, #tpu.memory_space<vmem>>
    %dma_wait3A_105 = tpu.memref_squeeze %dma_wait3A_104 : memref<1x64xf32, #tpu.memory_space<vmem>> -> memref<64xf32, #tpu.memory_space<vmem>>
    %dma_wait3A_106 = arith.constant 0 : i32
    %dma_wait3A_107 = tpu.memref_slice %arg3[%dma_wait3A_106] : memref<6400064xf32, #tpu.memory_space<hbm>> -> memref<64xf32, #tpu.memory_space<hbm>>
    %dma_wait3A_108 = arith.constant 0 : i32
    %dma_wait3A_109 = tpu.memref_slice %arg10[%dma_wait3A, %dma_wait3A_108] : memref<512x64xf32, #tpu.memory_space<vmem>> -> memref<1x64xf32, #tpu.memory_space<vmem>>
    %dma_wait3A_110 = tpu.memref_squeeze %dma_wait3A_109 : memref<1x64xf32, #tpu.memory_space<vmem>> -> memref<64xf32, #tpu.memory_space<vmem>>
    %dma_wait3A_111 = arith.constant 0 : i32
    %dma_wait3A_112 = tpu.memref_slice %arg3[%dma_wait3A_111] : memref<6400064xf32, #tpu.memory_space<hbm>> -> memref<64xf32, #tpu.memory_space<hbm>>
    tpu.wait_dma2 semaphore(%arg13 : memref<!tpu.dma_semaphore, #tpu.memory_space<semaphore_mem>>) src(%dma_wait3A_112 : memref<64xf32, #tpu.memory_space<hbm>>) dst(%dma_wait3A_110 : memref<64xf32, #tpu.memory_space<vmem>>)
    %dma_wait3A_113 = arith.constant 1 : i32
    %dma_wait3A_114 = arith.constant 0 : i32
    %dma_wait3A_115 = tpu.memref_slice %arg10[%dma_wait3A_113, %dma_wait3A_114] : memref<512x64xf32, #tpu.memory_space<vmem>> -> memref<1x64xf32, #tpu.memory_space<vmem>>
    %dma_wait3A_116 = tpu.memref_squeeze %dma_wait3A_115 : memref<1x64xf32, #tpu.memory_space<vmem>> -> memref<64xf32, #tpu.memory_space<vmem>>
    %dma_wait3A_117 = arith.constant 0 : i32
    %dma_wait3A_118 = tpu.memref_slice %arg3[%dma_wait3A_117] : memref<6400064xf32, #tpu.memory_space<hbm>> -> memref<64xf32, #tpu.memory_space<hbm>>
    %dma_wait3A_119 = arith.constant 0 : i32
    %dma_wait3A_120 = tpu.memref_slice %arg10[%dma_wait3A_113, %dma_wait3A_119] : memref<512x64xf32, #tpu.memory_space<vmem>> -> memref<1x64xf32, #tpu.memory_space<vmem>>
    %dma_wait3A_121 = tpu.memref_squeeze %dma_wait3A_120 : memref<1x64xf32, #tpu.memory_space<vmem>> -> memref<64xf32, #tpu.memory_space<vmem>>
    %dma_wait3A_122 = arith.constant 0 : i32
    %dma_wait3A_123 = tpu.memref_slice %arg3[%dma_wait3A_122] : memref<6400064xf32, #tpu.memory_space<hbm>> -> memref<64xf32, #tpu.memory_space<hbm>>
    tpu.wait_dma2 semaphore(%arg13 : memref<!tpu.dma_semaphore, #tpu.memory_space<semaphore_mem>>) src(%dma_wait3A_123 : memref<64xf32, #tpu.memory_space<hbm>>) dst(%dma_wait3A_121 : memref<64xf32, #tpu.memory_space<vmem>>)
    %dma_wait3A_124 = arith.constant 2 : i32
    %dma_wait3A_125 = arith.constant 0 : i32
    %dma_wait3A_126 = tpu.memref_slice %arg10[%dma_wait3A_124, %dma_wait3A_125] : memref<512x64xf32, #tpu.memory_space<vmem>> -> memref<1x64xf32, #tpu.memory_space<vmem>>
    %dma_wait3A_127 = tpu.memref_squeeze %dma_wait3A_126 : memref<1x64xf32, #tpu.memory_space<vmem>> -> memref<64xf32, #tpu.memory_space<vmem>>
    %dma_wait3A_128 = arith.constant 0 : i32
    %dma_wait3A_129 = tpu.memref_slice %arg3[%dma_wait3A_128] : memref<6400064xf32, #tpu.memory_space<hbm>> -> memref<64xf32, #tpu.memory_space<hbm>>
    %dma_wait3A_130 = arith.constant 0 : i32
    %dma_wait3A_131 = tpu.memref_slice %arg10[%dma_wait3A_124, %dma_wait3A_130] : memref<512x64xf32, #tpu.memory_space<vmem>> -> memref<1x64xf32, #tpu.memory_space<vmem>>
    %dma_wait3A_132 = tpu.memref_squeeze %dma_wait3A_131 : memref<1x64xf32, #tpu.memory_space<vmem>> -> memref<64xf32, #tpu.memory_space<vmem>>
    %dma_wait3A_133 = arith.constant 0 : i32
    %dma_wait3A_134 = tpu.memref_slice %arg3[%dma_wait3A_133] : memref<6400064xf32, #tpu.memory_space<hbm>> -> memref<64xf32, #tpu.memory_space<hbm>>
    tpu.wait_dma2 semaphore(%arg13 : memref<!tpu.dma_semaphore, #tpu.memory_space<semaphore_mem>>) src(%dma_wait3A_134 : memref<64xf32, #tpu.memory_space<hbm>>) dst(%dma_wait3A_132 : memref<64xf32, #tpu.memory_space<vmem>>)
    %dma_wait3A_135 = arith.constant 3 : i32
    %dma_wait3A_136 = arith.constant 0 : i32
    %dma_wait3A_137 = tpu.memref_slice %arg10[%dma_wait3A_135, %dma_wait3A_136] : memref<512x64xf32, #tpu.memory_space<vmem>> -> memref<1x64xf32, #tpu.memory_space<vmem>>
    %dma_wait3A_138 = tpu.memref_squeeze %dma_wait3A_137 : memref<1x64xf32, #tpu.memory_space<vmem>> -> memref<64xf32, #tpu.memory_space<vmem>>
    %dma_wait3A_139 = arith.constant 0 : i32
    %dma_wait3A_140 = tpu.memref_slice %arg3[%dma_wait3A_139] : memref<6400064xf32, #tpu.memory_space<hbm>> -> memref<64xf32, #tpu.memory_space<hbm>>
    %dma_wait3A_141 = arith.constant 0 : i32
    %dma_wait3A_142 = tpu.memref_slice %arg10[%dma_wait3A_135, %dma_wait3A_141] : memref<512x64xf32, #tpu.memory_space<vmem>> -> memref<1x64xf32, #tpu.memory_space<vmem>>
    %dma_wait3A_143 = tpu.memref_squeeze %dma_wait3A_142 : memref<1x64xf32, #tpu.memory_space<vmem>> -> memref<64xf32, #tpu.memory_space<vmem>>
    %dma_wait3A_144 = arith.constant 0 : i32
    %dma_wait3A_145 = tpu.memref_slice %arg3[%dma_wait3A_144] : memref<6400064xf32, #tpu.memory_space<hbm>> -> memref<64xf32, #tpu.memory_space<hbm>>
    tpu.wait_dma2 semaphore(%arg13 : memref<!tpu.dma_semaphore, #tpu.memory_space<semaphore_mem>>) src(%dma_wait3A_145 : memref<64xf32, #tpu.memory_space<hbm>>) dst(%dma_wait3A_143 : memref<64xf32, #tpu.memory_space<vmem>>)
    %dma_wait3A_146 = arith.constant 4 : i32
    %dma_wait3A_147 = arith.constant 0 : i32
    %dma_wait3A_148 = tpu.memref_slice %arg10[%dma_wait3A_146, %dma_wait3A_147] : memref<512x64xf32, #tpu.memory_space<vmem>> -> memref<1x64xf32, #tpu.memory_space<vmem>>
    %dma_wait3A_149 = tpu.memref_squeeze %dma_wait3A_148 : memref<1x64xf32, #tpu.memory_space<vmem>> -> memref<64xf32, #tpu.memory_space<vmem>>
    %dma_wait3A_150 = arith.constant 0 : i32
    %dma_wait3A_151 = tpu.memref_slice %arg3[%dma_wait3A_150] : memref<6400064xf32, #tpu.memory_space<hbm>> -> memref<64xf32, #tpu.memory_space<hbm>>
    %dma_wait3A_152 = arith.constant 0 : i32
    %dma_wait3A_153 = tpu.memref_slice %arg10[%dma_wait3A_146, %dma_wait3A_152] : memref<512x64xf32, #tpu.memory_space<vmem>> -> memref<1x64xf32, #tpu.memory_space<vmem>>
    %dma_wait3A_154 = tpu.memref_squeeze %dma_wait3A_153 : memref<1x64xf32, #tpu.memory_space<vmem>> -> memref<64xf32, #tpu.memory_space<vmem>>
    %dma_wait3A_155 = arith.constant 0 : i32
    %dma_wait3A_156 = tpu.memref_slice %arg3[%dma_wait3A_155] : memref<6400064xf32, #tpu.memory_space<hbm>> -> memref<64xf32, #tpu.memory_space<hbm>>
    tpu.wait_dma2 semaphore(%arg13 : memref<!tpu.dma_semaphore, #tpu.memory_space<semaphore_mem>>) src(%dma_wait3A_156 : memref<64xf32, #tpu.memory_space<hbm>>) dst(%dma_wait3A_154 : memref<64xf32, #tpu.memory_space<vmem>>)
    %dma_wait3A_157 = arith.constant 5 : i32
    %dma_wait3A_158 = arith.constant 0 : i32
    %dma_wait3A_159 = tpu.memref_slice %arg10[%dma_wait3A_157, %dma_wait3A_158] : memref<512x64xf32, #tpu.memory_space<vmem>> -> memref<1x64xf32, #tpu.memory_space<vmem>>
    %dma_wait3A_160 = tpu.memref_squeeze %dma_wait3A_159 : memref<1x64xf32, #tpu.memory_space<vmem>> -> memref<64xf32, #tpu.memory_space<vmem>>
    %dma_wait3A_161 = arith.constant 0 : i32
    %dma_wait3A_162 = tpu.memref_slice %arg3[%dma_wait3A_161] : memref<6400064xf32, #tpu.memory_space<hbm>> -> memref<64xf32, #tpu.memory_space<hbm>>
    %dma_wait3A_163 = arith.constant 0 : i32
    %dma_wait3A_164 = tpu.memref_slice %arg10[%dma_wait3A_157, %dma_wait3A_163] : memref<512x64xf32, #tpu.memory_space<vmem>> -> memref<1x64xf32, #tpu.memory_space<vmem>>
    %dma_wait3A_165 = tpu.memref_squeeze %dma_wait3A_164 : memref<1x64xf32, #tpu.memory_space<vmem>> -> memref<64xf32, #tpu.memory_space<vmem>>
    %dma_wait3A_166 = arith.constant 0 : i32
    %dma_wait3A_167 = tpu.memref_slice %arg3[%dma_wait3A_166] : memref<6400064xf32, #tpu.memory_space<hbm>> -> memref<64xf32, #tpu.memory_space<hbm>>
    tpu.wait_dma2 semaphore(%arg13 : memref<!tpu.dma_semaphore, #tpu.memory_space<semaphore_mem>>) src(%dma_wait3A_167 : memref<64xf32, #tpu.memory_space<hbm>>) dst(%dma_wait3A_165 : memref<64xf32, #tpu.memory_space<vmem>>)
    %dma_wait3A_168 = arith.constant 6 : i32
    %dma_wait3A_169 = arith.constant 0 : i32
    %dma_wait3A_170 = tpu.memref_slice %arg10[%dma_wait3A_168, %dma_wait3A_169] : memref<512x64xf32, #tpu.memory_space<vmem>> -> memref<1x64xf32, #tpu.memory_space<vmem>>
    %dma_wait3A_171 = tpu.memref_squeeze %dma_wait3A_170 : memref<1x64xf32, #tpu.memory_space<vmem>> -> memref<64xf32, #tpu.memory_space<vmem>>
    %dma_wait3A_172 = arith.constant 0 : i32
    %dma_wait3A_173 = tpu.memref_slice %arg3[%dma_wait3A_172] : memref<6400064xf32, #tpu.memory_space<hbm>> -> memref<64xf32, #tpu.memory_space<hbm>>
    %dma_wait3A_174 = arith.constant 0 : i32
    %dma_wait3A_175 = tpu.memref_slice %arg10[%dma_wait3A_168, %dma_wait3A_174] : memref<512x64xf32, #tpu.memory_space<vmem>> -> memref<1x64xf32, #tpu.memory_space<vmem>>
    %dma_wait3A_176 = tpu.memref_squeeze %dma_wait3A_175 : memref<1x64xf32, #tpu.memory_space<vmem>> -> memref<64xf32, #tpu.memory_space<vmem>>
    %dma_wait3A_177 = arith.constant 0 : i32
    %dma_wait3A_178 = tpu.memref_slice %arg3[%dma_wait3A_177] : memref<6400064xf32, #tpu.memory_space<hbm>> -> memref<64xf32, #tpu.memory_space<hbm>>
    tpu.wait_dma2 semaphore(%arg13 : memref<!tpu.dma_semaphore, #tpu.memory_space<semaphore_mem>>) src(%dma_wait3A_178 : memref<64xf32, #tpu.memory_space<hbm>>) dst(%dma_wait3A_176 : memref<64xf32, #tpu.memory_space<vmem>>)
    %dma_wait3A_179 = arith.constant 7 : i32
    %dma_wait3A_180 = arith.constant 0 : i32
    %dma_wait3A_181 = tpu.memref_slice %arg10[%dma_wait3A_179, %dma_wait3A_180] : memref<512x64xf32, #tpu.memory_space<vmem>> -> memref<1x64xf32, #tpu.memory_space<vmem>>
    %dma_wait3A_182 = tpu.memref_squeeze %dma_wait3A_181 : memref<1x64xf32, #tpu.memory_space<vmem>> -> memref<64xf32, #tpu.memory_space<vmem>>
    %dma_wait3A_183 = arith.constant 0 : i32
    %dma_wait3A_184 = tpu.memref_slice %arg3[%dma_wait3A_183] : memref<6400064xf32, #tpu.memory_space<hbm>> -> memref<64xf32, #tpu.memory_space<hbm>>
    %dma_wait3A_185 = arith.constant 0 : i32
    %dma_wait3A_186 = tpu.memref_slice %arg10[%dma_wait3A_179, %dma_wait3A_185] : memref<512x64xf32, #tpu.memory_space<vmem>> -> memref<1x64xf32, #tpu.memory_space<vmem>>
    %dma_wait3A_187 = tpu.memref_squeeze %dma_wait3A_186 : memref<1x64xf32, #tpu.memory_space<vmem>> -> memref<64xf32, #tpu.memory_space<vmem>>
    %dma_wait3A_188 = arith.constant 0 : i32
    %dma_wait3A_189 = tpu.memref_slice %arg3[%dma_wait3A_188] : memref<6400064xf32, #tpu.memory_space<hbm>> -> memref<64xf32, #tpu.memory_space<hbm>>
    tpu.wait_dma2 semaphore(%arg13 : memref<!tpu.dma_semaphore, #tpu.memory_space<semaphore_mem>>) src(%dma_wait3A_189 : memref<64xf32, #tpu.memory_space<hbm>>) dst(%dma_wait3A_187 : memref<64xf32, #tpu.memory_space<vmem>>)
    %dma_wait3A_190 = arith.constant 8 : i32
    %dma_wait3A_191 = arith.constant 0 : i32
    %dma_wait3A_192 = tpu.memref_slice %arg10[%dma_wait3A_190, %dma_wait3A_191] : memref<512x64xf32, #tpu.memory_space<vmem>> -> memref<1x64xf32, #tpu.memory_space<vmem>>
    %dma_wait3A_193 = tpu.memref_squeeze %dma_wait3A_192 : memref<1x64xf32, #tpu.memory_space<vmem>> -> memref<64xf32, #tpu.memory_space<vmem>>
    %dma_wait3A_194 = arith.constant 0 : i32
    %dma_wait3A_195 = tpu.memref_slice %arg3[%dma_wait3A_194] : memref<6400064xf32, #tpu.memory_space<hbm>> -> memref<64xf32, #tpu.memory_space<hbm>>
    %dma_wait3A_196 = arith.constant 0 : i32
    %dma_wait3A_197 = tpu.memref_slice %arg10[%dma_wait3A_190, %dma_wait3A_196] : memref<512x64xf32, #tpu.memory_space<vmem>> -> memref<1x64xf32, #tpu.memory_space<vmem>>
    %dma_wait3A_198 = tpu.memref_squeeze %dma_wait3A_197 : memref<1x64xf32, #tpu.memory_space<vmem>> -> memref<64xf32, #tpu.memory_space<vmem>>
    %dma_wait3A_199 = arith.constant 0 : i32
    %dma_wait3A_200 = tpu.memref_slice %arg3[%dma_wait3A_199] : memref<6400064xf32, #tpu.memory_space<hbm>> -> memref<64xf32, #tpu.memory_space<hbm>>
    tpu.wait_dma2 semaphore(%arg13 : memref<!tpu.dma_semaphore, #tpu.memory_space<semaphore_mem>>) src(%dma_wait3A_200 : memref<64xf32, #tpu.memory_space<hbm>>) dst(%dma_wait3A_198 : memref<64xf32, #tpu.memory_space<vmem>>)
    %dma_wait3A_201 = arith.constant 9 : i32
    %dma_wait3A_202 = arith.constant 0 : i32
    %dma_wait3A_203 = tpu.memref_slice %arg10[%dma_wait3A_201, %dma_wait3A_202] : memref<512x64xf32, #tpu.memory_space<vmem>> -> memref<1x64xf32, #tpu.memory_space<vmem>>
    %dma_wait3A_204 = tpu.memref_squeeze %dma_wait3A_203 : memref<1x64xf32, #tpu.memory_space<vmem>> -> memref<64xf32, #tpu.memory_space<vmem>>
    %dma_wait3A_205 = arith.constant 0 : i32
    %dma_wait3A_206 = tpu.memref_slice %arg3[%dma_wait3A_205] : memref<6400064xf32, #tpu.memory_space<hbm>> -> memref<64xf32, #tpu.memory_space<hbm>>
    %dma_wait3A_207 = arith.constant 0 : i32
    %dma_wait3A_208 = tpu.memref_slice %arg10[%dma_wait3A_201, %dma_wait3A_207] : memref<512x64xf32, #tpu.memory_space<vmem>> -> memref<1x64xf32, #tpu.memory_space<vmem>>
    %dma_wait3A_209 = tpu.memref_squeeze %dma_wait3A_208 : memref<1x64xf32, #tpu.memory_space<vmem>> -> memref<64xf32, #tpu.memory_space<vmem>>
    %dma_wait3A_210 = arith.constant 0 : i32
    %dma_wait3A_211 = tpu.memref_slice %arg3[%dma_wait3A_210] : memref<6400064xf32, #tpu.memory_space<hbm>> -> memref<64xf32, #tpu.memory_space<hbm>>
    tpu.wait_dma2 semaphore(%arg13 : memref<!tpu.dma_semaphore, #tpu.memory_space<semaphore_mem>>) src(%dma_wait3A_211 : memref<64xf32, #tpu.memory_space<hbm>>) dst(%dma_wait3A_209 : memref<64xf32, #tpu.memory_space<vmem>>)
    %dma_wait3A_212 = arith.constant 10 : i32
    %dma_wait3A_213 = arith.constant 0 : i32
    %dma_wait3A_214 = tpu.memref_slice %arg10[%dma_wait3A_212, %dma_wait3A_213] : memref<512x64xf32, #tpu.memory_space<vmem>> -> memref<1x64xf32, #tpu.memory_space<vmem>>
    %dma_wait3A_215 = tpu.memref_squeeze %dma_wait3A_214 : memref<1x64xf32, #tpu.memory_space<vmem>> -> memref<64xf32, #tpu.memory_space<vmem>>
    %dma_wait3A_216 = arith.constant 0 : i32
    %dma_wait3A_217 = tpu.memref_slice %arg3[%dma_wait3A_216] : memref<6400064xf32, #tpu.memory_space<hbm>> -> memref<64xf32, #tpu.memory_space<hbm>>
    %dma_wait3A_218 = arith.constant 0 : i32
    %dma_wait3A_219 = tpu.memref_slice %arg10[%dma_wait3A_212, %dma_wait3A_218] : memref<512x64xf32, #tpu.memory_space<vmem>> -> memref<1x64xf32, #tpu.memory_space<vmem>>
    %dma_wait3A_220 = tpu.memref_squeeze %dma_wait3A_219 : memref<1x64xf32, #tpu.memory_space<vmem>> -> memref<64xf32, #tpu.memory_space<vmem>>
    %dma_wait3A_221 = arith.constant 0 : i32
    %dma_wait3A_222 = tpu.memref_slice %arg3[%dma_wait3A_221] : memref<6400064xf32, #tpu.memory_space<hbm>> -> memref<64xf32, #tpu.memory_space<hbm>>
    tpu.wait_dma2 semaphore(%arg13 : memref<!tpu.dma_semaphore, #tpu.memory_space<semaphore_mem>>) src(%dma_wait3A_222 : memref<64xf32, #tpu.memory_space<hbm>>) dst(%dma_wait3A_220 : memref<64xf32, #tpu.memory_space<vmem>>)
    %dma_wait3A_223 = arith.constant 11 : i32
    %dma_wait3A_224 = arith.constant 0 : i32
    %dma_wait3A_225 = tpu.memref_slice %arg10[%dma_wait3A_223, %dma_wait3A_224] : memref<512x64xf32, #tpu.memory_space<vmem>> -> memref<1x64xf32, #tpu.memory_space<vmem>>
    %dma_wait3A_226 = tpu.memref_squeeze %dma_wait3A_225 : memref<1x64xf32, #tpu.memory_space<vmem>> -> memref<64xf32, #tpu.memory_space<vmem>>
    %dma_wait3A_227 = arith.constant 0 : i32
    %dma_wait3A_228 = tpu.memref_slice %arg3[%dma_wait3A_227] : memref<6400064xf32, #tpu.memory_space<hbm>> -> memref<64xf32, #tpu.memory_space<hbm>>
    %dma_wait3A_229 = arith.constant 0 : i32
    %dma_wait3A_230 = tpu.memref_slice %arg10[%dma_wait3A_223, %dma_wait3A_229] : memref<512x64xf32, #tpu.memory_space<vmem>> -> memref<1x64xf32, #tpu.memory_space<vmem>>
    %dma_wait3A_231 = tpu.memref_squeeze %dma_wait3A_230 : memref<1x64xf32, #tpu.memory_space<vmem>> -> memref<64xf32, #tpu.memory_space<vmem>>
    %dma_wait3A_232 = arith.constant 0 : i32
    %dma_wait3A_233 = tpu.memref_slice %arg3[%dma_wait3A_232] : memref<6400064xf32, #tpu.memory_space<hbm>> -> memref<64xf32, #tpu.memory_space<hbm>>
    tpu.wait_dma2 semaphore(%arg13 : memref<!tpu.dma_semaphore, #tpu.memory_space<semaphore_mem>>) src(%dma_wait3A_233 : memref<64xf32, #tpu.memory_space<hbm>>) dst(%dma_wait3A_231 : memref<64xf32, #tpu.memory_space<vmem>>)
    %dma_wait3A_234 = arith.constant 12 : i32
    %dma_wait3A_235 = arith.constant 0 : i32
    %dma_wait3A_236 = tpu.memref_slice %arg10[%dma_wait3A_234, %dma_wait3A_235] : memref<512x64xf32, #tpu.memory_space<vmem>> -> memref<1x64xf32, #tpu.memory_space<vmem>>
    %dma_wait3A_237 = tpu.memref_squeeze %dma_wait3A_236 : memref<1x64xf32, #tpu.memory_space<vmem>> -> memref<64xf32, #tpu.memory_space<vmem>>
    %dma_wait3A_238 = arith.constant 0 : i32
    %dma_wait3A_239 = tpu.memref_slice %arg3[%dma_wait3A_238] : memref<6400064xf32, #tpu.memory_space<hbm>> -> memref<64xf32, #tpu.memory_space<hbm>>
    %dma_wait3A_240 = arith.constant 0 : i32
    %dma_wait3A_241 = tpu.memref_slice %arg10[%dma_wait3A_234, %dma_wait3A_240] : memref<512x64xf32, #tpu.memory_space<vmem>> -> memref<1x64xf32, #tpu.memory_space<vmem>>
    %dma_wait3A_242 = tpu.memref_squeeze %dma_wait3A_241 : memref<1x64xf32, #tpu.memory_space<vmem>> -> memref<64xf32, #tpu.memory_space<vmem>>
    %dma_wait3A_243 = arith.constant 0 : i32
    %dma_wait3A_244 = tpu.memref_slice %arg3[%dma_wait3A_243] : memref<6400064xf32, #tpu.memory_space<hbm>> -> memref<64xf32, #tpu.memory_space<hbm>>
    tpu.wait_dma2 semaphore(%arg13 : memref<!tpu.dma_semaphore, #tpu.memory_space<semaphore_mem>>) src(%dma_wait3A_244 : memref<64xf32, #tpu.memory_space<hbm>>) dst(%dma_wait3A_242 : memref<64xf32, #tpu.memory_space<vmem>>)
    %dma_wait3A_245 = arith.constant 13 : i32
    %dma_wait3A_246 = arith.constant 0 : i32
    %dma_wait3A_247 = tpu.memref_slice %arg10[%dma_wait3A_245, %dma_wait3A_246] : memref<512x64xf32, #tpu.memory_space<vmem>> -> memref<1x64xf32, #tpu.memory_space<vmem>>
    %dma_wait3A_248 = tpu.memref_squeeze %dma_wait3A_247 : memref<1x64xf32, #tpu.memory_space<vmem>> -> memref<64xf32, #tpu.memory_space<vmem>>
    %dma_wait3A_249 = arith.constant 0 : i32
    %dma_wait3A_250 = tpu.memref_slice %arg3[%dma_wait3A_249] : memref<6400064xf32, #tpu.memory_space<hbm>> -> memref<64xf32, #tpu.memory_space<hbm>>
    %dma_wait3A_251 = arith.constant 0 : i32
    %dma_wait3A_252 = tpu.memref_slice %arg10[%dma_wait3A_245, %dma_wait3A_251] : memref<512x64xf32, #tpu.memory_space<vmem>> -> memref<1x64xf32, #tpu.memory_space<vmem>>
    %dma_wait3A_253 = tpu.memref_squeeze %dma_wait3A_252 : memref<1x64xf32, #tpu.memory_space<vmem>> -> memref<64xf32, #tpu.memory_space<vmem>>
    %dma_wait3A_254 = arith.constant 0 : i32
    %dma_wait3A_255 = tpu.memref_slice %arg3[%dma_wait3A_254] : memref<6400064xf32, #tpu.memory_space<hbm>> -> memref<64xf32, #tpu.memory_space<hbm>>
    tpu.wait_dma2 semaphore(%arg13 : memref<!tpu.dma_semaphore, #tpu.memory_space<semaphore_mem>>) src(%dma_wait3A_255 : memref<64xf32, #tpu.memory_space<hbm>>) dst(%dma_wait3A_253 : memref<64xf32, #tpu.memory_space<vmem>>)
    %dma_wait3A_256 = arith.constant 14 : i32
    %dma_wait3A_257 = arith.constant 0 : i32
    %dma_wait3A_258 = tpu.memref_slice %arg10[%dma_wait3A_256, %dma_wait3A_257] : memref<512x64xf32, #tpu.memory_space<vmem>> -> memref<1x64xf32, #tpu.memory_space<vmem>>
    %dma_wait3A_259 = tpu.memref_squeeze %dma_wait3A_258 : memref<1x64xf32, #tpu.memory_space<vmem>> -> memref<64xf32, #tpu.memory_space<vmem>>
    %dma_wait3A_260 = arith.constant 0 : i32
    %dma_wait3A_261 = tpu.memref_slice %arg3[%dma_wait3A_260] : memref<6400064xf32, #tpu.memory_space<hbm>> -> memref<64xf32, #tpu.memory_space<hbm>>
    %dma_wait3A_262 = arith.constant 0 : i32
    %dma_wait3A_263 = tpu.memref_slice %arg10[%dma_wait3A_256, %dma_wait3A_262] : memref<512x64xf32, #tpu.memory_space<vmem>> -> memref<1x64xf32, #tpu.memory_space<vmem>>
    %dma_wait3A_264 = tpu.memref_squeeze %dma_wait3A_263 : memref<1x64xf32, #tpu.memory_space<vmem>> -> memref<64xf32, #tpu.memory_space<vmem>>
    %dma_wait3A_265 = arith.constant 0 : i32
    %dma_wait3A_266 = tpu.memref_slice %arg3[%dma_wait3A_265] : memref<6400064xf32, #tpu.memory_space<hbm>> -> memref<64xf32, #tpu.memory_space<hbm>>
    tpu.wait_dma2 semaphore(%arg13 : memref<!tpu.dma_semaphore, #tpu.memory_space<semaphore_mem>>) src(%dma_wait3A_266 : memref<64xf32, #tpu.memory_space<hbm>>) dst(%dma_wait3A_264 : memref<64xf32, #tpu.memory_space<vmem>>)
    %dma_wait3A_267 = arith.constant 15 : i32
    %dma_wait3A_268 = arith.constant 0 : i32
    %dma_wait3A_269 = tpu.memref_slice %arg10[%dma_wait3A_267, %dma_wait3A_268] : memref<512x64xf32, #tpu.memory_space<vmem>> -> memref<1x64xf32, #tpu.memory_space<vmem>>
    %dma_wait3A_270 = tpu.memref_squeeze %dma_wait3A_269 : memref<1x64xf32, #tpu.memory_space<vmem>> -> memref<64xf32, #tpu.memory_space<vmem>>
    %dma_wait3A_271 = arith.constant 0 : i32
    %dma_wait3A_272 = tpu.memref_slice %arg3[%dma_wait3A_271] : memref<6400064xf32, #tpu.memory_space<hbm>> -> memref<64xf32, #tpu.memory_space<hbm>>
    %dma_wait3A_273 = arith.constant 0 : i32
    %dma_wait3A_274 = tpu.memref_slice %arg10[%dma_wait3A_267, %dma_wait3A_273] : memref<512x64xf32, #tpu.memory_space<vmem>> -> memref<1x64xf32, #tpu.memory_space<vmem>>
    %dma_wait3A_275 = tpu.memref_squeeze %dma_wait3A_274 : memref<1x64xf32, #tpu.memory_space<vmem>> -> memref<64xf32, #tpu.memory_space<vmem>>
    %dma_wait3A_276 = arith.constant 0 : i32
    %dma_wait3A_277 = tpu.memref_slice %arg3[%dma_wait3A_276] : memref<6400064xf32, #tpu.memory_space<hbm>> -> memref<64xf32, #tpu.memory_space<hbm>>
    tpu.wait_dma2 semaphore(%arg13 : memref<!tpu.dma_semaphore, #tpu.memory_space<semaphore_mem>>) src(%dma_wait3A_277 : memref<64xf32, #tpu.memory_space<hbm>>) dst(%dma_wait3A_275 : memref<64xf32, #tpu.memory_space<vmem>>)
    %dma_wait3A_278 = arith.constant 0 : i32
    %dma_wait3A_279 = arith.constant 0 : i32
    %dma_wait3A_280 = tpu.memref_slice %arg10[%dma_wait3A_278, %dma_wait3A_279] : memref<512x64xf32, #tpu.memory_space<vmem>> -> memref<1x64xf32, #tpu.memory_space<vmem>>
    %dma_wait3A_281 = tpu.memref_squeeze %dma_wait3A_280 : memref<1x64xf32, #tpu.memory_space<vmem>> -> memref<64xf32, #tpu.memory_space<vmem>>
    %dma_wait3A_282 = arith.constant 0 : i32
    %dma_wait3A_283 = tpu.memref_slice %arg3[%dma_wait3A_282] : memref<6400064xf32, #tpu.memory_space<hbm>> -> memref<64xf32, #tpu.memory_space<hbm>>
    %dma_wait3A_284 = arith.constant 0 : i32
    %dma_wait3A_285 = tpu.memref_slice %arg10[%dma_wait3A_278, %dma_wait3A_284] : memref<512x64xf32, #tpu.memory_space<vmem>> -> memref<1x64xf32, #tpu.memory_space<vmem>>
    %dma_wait3A_286 = tpu.memref_squeeze %dma_wait3A_285 : memref<1x64xf32, #tpu.memory_space<vmem>> -> memref<64xf32, #tpu.memory_space<vmem>>
    %dma_wait3A_287 = arith.constant 0 : i32
    %dma_wait3A_288 = tpu.memref_slice %arg3[%dma_wait3A_287] : memref<6400064xf32, #tpu.memory_space<hbm>> -> memref<64xf32, #tpu.memory_space<hbm>>
    tpu.wait_dma2 semaphore(%arg13 : memref<!tpu.dma_semaphore, #tpu.memory_space<semaphore_mem>>) src(%dma_wait3A_288 : memref<64xf32, #tpu.memory_space<hbm>>) dst(%dma_wait3A_286 : memref<64xf32, #tpu.memory_space<vmem>>)
    %dma_wait3A_289 = arith.constant 1 : i32
    %dma_wait3A_290 = arith.constant 0 : i32
    %dma_wait3A_291 = tpu.memref_slice %arg10[%dma_wait3A_289, %dma_wait3A_290] : memref<512x64xf32, #tpu.memory_space<vmem>> -> memref<1x64xf32, #tpu.memory_space<vmem>>
    %dma_wait3A_292 = tpu.memref_squeeze %dma_wait3A_291 : memref<1x64xf32, #tpu.memory_space<vmem>> -> memref<64xf32, #tpu.memory_space<vmem>>
    %dma_wait3A_293 = arith.constant 0 : i32
    %dma_wait3A_294 = tpu.memref_slice %arg3[%dma_wait3A_293] : memref<6400064xf32, #tpu.memory_space<hbm>> -> memref<64xf32, #tpu.memory_space<hbm>>
    %dma_wait3A_295 = arith.constant 0 : i32
    %dma_wait3A_296 = tpu.memref_slice %arg10[%dma_wait3A_289, %dma_wait3A_295] : memref<512x64xf32, #tpu.memory_space<vmem>> -> memref<1x64xf32, #tpu.memory_space<vmem>>
    %dma_wait3A_297 = tpu.memref_squeeze %dma_wait3A_296 : memref<1x64xf32, #tpu.memory_space<vmem>> -> memref<64xf32, #tpu.memory_space<vmem>>
    %dma_wait3A_298 = arith.constant 0 : i32
    %dma_wait3A_299 = tpu.memref_slice %arg3[%dma_wait3A_298] : memref<6400064xf32, #tpu.memory_space<hbm>> -> memref<64xf32, #tpu.memory_space<hbm>>
    tpu.wait_dma2 semaphore(%arg13 : memref<!tpu.dma_semaphore, #tpu.memory_space<semaphore_mem>>) src(%dma_wait3A_299 : memref<64xf32, #tpu.memory_space<hbm>>) dst(%dma_wait3A_297 : memref<64xf32, #tpu.memory_space<vmem>>)
    %dma_wait3A_300 = arith.constant 2 : i32
    %dma_wait3A_301 = arith.constant 0 : i32
    %dma_wait3A_302 = tpu.memref_slice %arg10[%dma_wait3A_300, %dma_wait3A_301] : memref<512x64xf32, #tpu.memory_space<vmem>> -> memref<1x64xf32, #tpu.memory_space<vmem>>
    %dma_wait3A_303 = tpu.memref_squeeze %dma_wait3A_302 : memref<1x64xf32, #tpu.memory_space<vmem>> -> memref<64xf32, #tpu.memory_space<vmem>>
    %dma_wait3A_304 = arith.constant 0 : i32
    %dma_wait3A_305 = tpu.memref_slice %arg3[%dma_wait3A_304] : memref<6400064xf32, #tpu.memory_space<hbm>> -> memref<64xf32, #tpu.memory_space<hbm>>
    %dma_wait3A_306 = arith.constant 0 : i32
    %dma_wait3A_307 = tpu.memref_slice %arg10[%dma_wait3A_300, %dma_wait3A_306] : memref<512x64xf32, #tpu.memory_space<vmem>> -> memref<1x64xf32, #tpu.memory_space<vmem>>
    %dma_wait3A_308 = tpu.memref_squeeze %dma_wait3A_307 : memref<1x64xf32, #tpu.memory_space<vmem>> -> memref<64xf32, #tpu.memory_space<vmem>>
    %dma_wait3A_309 = arith.constant 0 : i32
    %dma_wait3A_310 = tpu.memref_slice %arg3[%dma_wait3A_309] : memref<6400064xf32, #tpu.memory_space<hbm>> -> memref<64xf32, #tpu.memory_space<hbm>>
    tpu.wait_dma2 semaphore(%arg13 : memref<!tpu.dma_semaphore, #tpu.memory_space<semaphore_mem>>) src(%dma_wait3A_310 : memref<64xf32, #tpu.memory_space<hbm>>) dst(%dma_wait3A_308 : memref<64xf32, #tpu.memory_space<vmem>>)
    %dma_wait3A_311 = arith.constant 3 : i32
    %dma_wait3A_312 = arith.constant 0 : i32
    %dma_wait3A_313 = tpu.memref_slice %arg10[%dma_wait3A_311, %dma_wait3A_312] : memref<512x64xf32, #tpu.memory_space<vmem>> -> memref<1x64xf32, #tpu.memory_space<vmem>>
    %dma_wait3A_314 = tpu.memref_squeeze %dma_wait3A_313 : memref<1x64xf32, #tpu.memory_space<vmem>> -> memref<64xf32, #tpu.memory_space<vmem>>
    %dma_wait3A_315 = arith.constant 0 : i32
    %dma_wait3A_316 = tpu.memref_slice %arg3[%dma_wait3A_315] : memref<6400064xf32, #tpu.memory_space<hbm>> -> memref<64xf32, #tpu.memory_space<hbm>>
    %dma_wait3A_317 = arith.constant 0 : i32
    %dma_wait3A_318 = tpu.memref_slice %arg10[%dma_wait3A_311, %dma_wait3A_317] : memref<512x64xf32, #tpu.memory_space<vmem>> -> memref<1x64xf32, #tpu.memory_space<vmem>>
    %dma_wait3A_319 = tpu.memref_squeeze %dma_wait3A_318 : memref<1x64xf32, #tpu.memory_space<vmem>> -> memref<64xf32, #tpu.memory_space<vmem>>
    %dma_wait3A_320 = arith.constant 0 : i32
    %dma_wait3A_321 = tpu.memref_slice %arg3[%dma_wait3A_320] : memref<6400064xf32, #tpu.memory_space<hbm>> -> memref<64xf32, #tpu.memory_space<hbm>>
    tpu.wait_dma2 semaphore(%arg13 : memref<!tpu.dma_semaphore, #tpu.memory_space<semaphore_mem>>) src(%dma_wait3A_321 : memref<64xf32, #tpu.memory_space<hbm>>) dst(%dma_wait3A_319 : memref<64xf32, #tpu.memory_space<vmem>>)
    %dma_wait3A_322 = arith.constant 4 : i32
    %dma_wait3A_323 = arith.constant 0 : i32
    %dma_wait3A_324 = tpu.memref_slice %arg10[%dma_wait3A_322, %dma_wait3A_323] : memref<512x64xf32, #tpu.memory_space<vmem>> -> memref<1x64xf32, #tpu.memory_space<vmem>>
    %dma_wait3A_325 = tpu.memref_squeeze %dma_wait3A_324 : memref<1x64xf32, #tpu.memory_space<vmem>> -> memref<64xf32, #tpu.memory_space<vmem>>
    %dma_wait3A_326 = arith.constant 0 : i32
    %dma_wait3A_327 = tpu.memref_slice %arg3[%dma_wait3A_326] : memref<6400064xf32, #tpu.memory_space<hbm>> -> memref<64xf32, #tpu.memory_space<hbm>>
    %dma_wait3A_328 = arith.constant 0 : i32
    %dma_wait3A_329 = tpu.memref_slice %arg10[%dma_wait3A_322, %dma_wait3A_328] : memref<512x64xf32, #tpu.memory_space<vmem>> -> memref<1x64xf32, #tpu.memory_space<vmem>>
    %dma_wait3A_330 = tpu.memref_squeeze %dma_wait3A_329 : memref<1x64xf32, #tpu.memory_space<vmem>> -> memref<64xf32, #tpu.memory_space<vmem>>
    %dma_wait3A_331 = arith.constant 0 : i32
    %dma_wait3A_332 = tpu.memref_slice %arg3[%dma_wait3A_331] : memref<6400064xf32, #tpu.memory_space<hbm>> -> memref<64xf32, #tpu.memory_space<hbm>>
    tpu.wait_dma2 semaphore(%arg13 : memref<!tpu.dma_semaphore, #tpu.memory_space<semaphore_mem>>) src(%dma_wait3A_332 : memref<64xf32, #tpu.memory_space<hbm>>) dst(%dma_wait3A_330 : memref<64xf32, #tpu.memory_space<vmem>>)
    %dma_wait3A_333 = arith.constant 5 : i32
    %dma_wait3A_334 = arith.constant 0 : i32
    %dma_wait3A_335 = tpu.memref_slice %arg10[%dma_wait3A_333, %dma_wait3A_334] : memref<512x64xf32, #tpu.memory_space<vmem>> -> memref<1x64xf32, #tpu.memory_space<vmem>>
    %dma_wait3A_336 = tpu.memref_squeeze %dma_wait3A_335 : memref<1x64xf32, #tpu.memory_space<vmem>> -> memref<64xf32, #tpu.memory_space<vmem>>
    %dma_wait3A_337 = arith.constant 0 : i32
    %dma_wait3A_338 = tpu.memref_slice %arg3[%dma_wait3A_337] : memref<6400064xf32, #tpu.memory_space<hbm>> -> memref<64xf32, #tpu.memory_space<hbm>>
    %dma_wait3A_339 = arith.constant 0 : i32
    %dma_wait3A_340 = tpu.memref_slice %arg10[%dma_wait3A_333, %dma_wait3A_339] : memref<512x64xf32, #tpu.memory_space<vmem>> -> memref<1x64xf32, #tpu.memory_space<vmem>>
    %dma_wait3A_341 = tpu.memref_squeeze %dma_wait3A_340 : memref<1x64xf32, #tpu.memory_space<vmem>> -> memref<64xf32, #tpu.memory_space<vmem>>
    %dma_wait3A_342 = arith.constant 0 : i32
    %dma_wait3A_343 = tpu.memref_slice %arg3[%dma_wait3A_342] : memref<6400064xf32, #tpu.memory_space<hbm>> -> memref<64xf32, #tpu.memory_space<hbm>>
    tpu.wait_dma2 semaphore(%arg13 : memref<!tpu.dma_semaphore, #tpu.memory_space<semaphore_mem>>) src(%dma_wait3A_343 : memref<64xf32, #tpu.memory_space<hbm>>) dst(%dma_wait3A_341 : memref<64xf32, #tpu.memory_space<vmem>>)
    %dma_wait3A_344 = arith.constant 6 : i32
    %dma_wait3A_345 = arith.constant 0 : i32
    %dma_wait3A_346 = tpu.memref_slice %arg10[%dma_wait3A_344, %dma_wait3A_345] : memref<512x64xf32, #tpu.memory_space<vmem>> -> memref<1x64xf32, #tpu.memory_space<vmem>>
    %dma_wait3A_347 = tpu.memref_squeeze %dma_wait3A_346 : memref<1x64xf32, #tpu.memory_space<vmem>> -> memref<64xf32, #tpu.memory_space<vmem>>
    %dma_wait3A_348 = arith.constant 0 : i32
    %dma_wait3A_349 = tpu.memref_slice %arg3[%dma_wait3A_348] : memref<6400064xf32, #tpu.memory_space<hbm>> -> memref<64xf32, #tpu.memory_space<hbm>>
    %dma_wait3A_350 = arith.constant 0 : i32
    %dma_wait3A_351 = tpu.memref_slice %arg10[%dma_wait3A_344, %dma_wait3A_350] : memref<512x64xf32, #tpu.memory_space<vmem>> -> memref<1x64xf32, #tpu.memory_space<vmem>>
    %dma_wait3A_352 = tpu.memref_squeeze %dma_wait3A_351 : memref<1x64xf32, #tpu.memory_space<vmem>> -> memref<64xf32, #tpu.memory_space<vmem>>
    %dma_wait3A_353 = arith.constant 0 : i32
    %dma_wait3A_354 = tpu.memref_slice %arg3[%dma_wait3A_353] : memref<6400064xf32, #tpu.memory_space<hbm>> -> memref<64xf32, #tpu.memory_space<hbm>>
    tpu.wait_dma2 semaphore(%arg13 : memref<!tpu.dma_semaphore, #tpu.memory_space<semaphore_mem>>) src(%dma_wait3A_354 : memref<64xf32, #tpu.memory_space<hbm>>) dst(%dma_wait3A_352 : memref<64xf32, #tpu.memory_space<vmem>>)
    %dma_wait3A_355 = arith.constant 7 : i32
    %dma_wait3A_356 = arith.constant 0 : i32
    %dma_wait3A_357 = tpu.memref_slice %arg10[%dma_wait3A_355, %dma_wait3A_356] : memref<512x64xf32, #tpu.memory_space<vmem>> -> memref<1x64xf32, #tpu.memory_space<vmem>>
    %dma_wait3A_358 = tpu.memref_squeeze %dma_wait3A_357 : memref<1x64xf32, #tpu.memory_space<vmem>> -> memref<64xf32, #tpu.memory_space<vmem>>
    %dma_wait3A_359 = arith.constant 0 : i32
    %dma_wait3A_360 = tpu.memref_slice %arg3[%dma_wait3A_359] : memref<6400064xf32, #tpu.memory_space<hbm>> -> memref<64xf32, #tpu.memory_space<hbm>>
    %dma_wait3A_361 = arith.constant 0 : i32
    %dma_wait3A_362 = tpu.memref_slice %arg10[%dma_wait3A_355, %dma_wait3A_361] : memref<512x64xf32, #tpu.memory_space<vmem>> -> memref<1x64xf32, #tpu.memory_space<vmem>>
    %dma_wait3A_363 = tpu.memref_squeeze %dma_wait3A_362 : memref<1x64xf32, #tpu.memory_space<vmem>> -> memref<64xf32, #tpu.memory_space<vmem>>
    %dma_wait3A_364 = arith.constant 0 : i32
    %dma_wait3A_365 = tpu.memref_slice %arg3[%dma_wait3A_364] : memref<6400064xf32, #tpu.memory_space<hbm>> -> memref<64xf32, #tpu.memory_space<hbm>>
    tpu.wait_dma2 semaphore(%arg13 : memref<!tpu.dma_semaphore, #tpu.memory_space<semaphore_mem>>) src(%dma_wait3A_365 : memref<64xf32, #tpu.memory_space<hbm>>) dst(%dma_wait3A_363 : memref<64xf32, #tpu.memory_space<vmem>>)
    %dma_wait3A_366 = arith.constant 8 : i32
    %dma_wait3A_367 = arith.constant 0 : i32
    %dma_wait3A_368 = tpu.memref_slice %arg10[%dma_wait3A_366, %dma_wait3A_367] : memref<512x64xf32, #tpu.memory_space<vmem>> -> memref<1x64xf32, #tpu.memory_space<vmem>>
    %dma_wait3A_369 = tpu.memref_squeeze %dma_wait3A_368 : memref<1x64xf32, #tpu.memory_space<vmem>> -> memref<64xf32, #tpu.memory_space<vmem>>
    %dma_wait3A_370 = arith.constant 0 : i32
    %dma_wait3A_371 = tpu.memref_slice %arg3[%dma_wait3A_370] : memref<6400064xf32, #tpu.memory_space<hbm>> -> memref<64xf32, #tpu.memory_space<hbm>>
    %dma_wait3A_372 = arith.constant 0 : i32
    %dma_wait3A_373 = tpu.memref_slice %arg10[%dma_wait3A_366, %dma_wait3A_372] : memref<512x64xf32, #tpu.memory_space<vmem>> -> memref<1x64xf32, #tpu.memory_space<vmem>>
    %dma_wait3A_374 = tpu.memref_squeeze %dma_wait3A_373 : memref<1x64xf32, #tpu.memory_space<vmem>> -> memref<64xf32, #tpu.memory_space<vmem>>
    %dma_wait3A_375 = arith.constant 0 : i32
    %dma_wait3A_376 = tpu.memref_slice %arg3[%dma_wait3A_375] : memref<6400064xf32, #tpu.memory_space<hbm>> -> memref<64xf32, #tpu.memory_space<hbm>>
    tpu.wait_dma2 semaphore(%arg13 : memref<!tpu.dma_semaphore, #tpu.memory_space<semaphore_mem>>) src(%dma_wait3A_376 : memref<64xf32, #tpu.memory_space<hbm>>) dst(%dma_wait3A_374 : memref<64xf32, #tpu.memory_space<vmem>>)
    %dma_wait3A_377 = arith.constant 9 : i32
    %dma_wait3A_378 = arith.constant 0 : i32
    %dma_wait3A_379 = tpu.memref_slice %arg10[%dma_wait3A_377, %dma_wait3A_378] : memref<512x64xf32, #tpu.memory_space<vmem>> -> memref<1x64xf32, #tpu.memory_space<vmem>>
    %dma_wait3A_380 = tpu.memref_squeeze %dma_wait3A_379 : memref<1x64xf32, #tpu.memory_space<vmem>> -> memref<64xf32, #tpu.memory_space<vmem>>
    %dma_wait3A_381 = arith.constant 0 : i32
    %dma_wait3A_382 = tpu.memref_slice %arg3[%dma_wait3A_381] : memref<6400064xf32, #tpu.memory_space<hbm>> -> memref<64xf32, #tpu.memory_space<hbm>>
    %dma_wait3A_383 = arith.constant 0 : i32
    %dma_wait3A_384 = tpu.memref_slice %arg10[%dma_wait3A_377, %dma_wait3A_383] : memref<512x64xf32, #tpu.memory_space<vmem>> -> memref<1x64xf32, #tpu.memory_space<vmem>>
    %dma_wait3A_385 = tpu.memref_squeeze %dma_wait3A_384 : memref<1x64xf32, #tpu.memory_space<vmem>> -> memref<64xf32, #tpu.memory_space<vmem>>
    %dma_wait3A_386 = arith.constant 0 : i32
    %dma_wait3A_387 = tpu.memref_slice %arg3[%dma_wait3A_386] : memref<6400064xf32, #tpu.memory_space<hbm>> -> memref<64xf32, #tpu.memory_space<hbm>>
    tpu.wait_dma2 semaphore(%arg13 : memref<!tpu.dma_semaphore, #tpu.memory_space<semaphore_mem>>) src(%dma_wait3A_387 : memref<64xf32, #tpu.memory_space<hbm>>) dst(%dma_wait3A_385 : memref<64xf32, #tpu.memory_space<vmem>>)
    %dma_wait3A_388 = arith.constant 10 : i32
    %dma_wait3A_389 = arith.constant 0 : i32
    %dma_wait3A_390 = tpu.memref_slice %arg10[%dma_wait3A_388, %dma_wait3A_389] : memref<512x64xf32, #tpu.memory_space<vmem>> -> memref<1x64xf32, #tpu.memory_space<vmem>>
    %dma_wait3A_391 = tpu.memref_squeeze %dma_wait3A_390 : memref<1x64xf32, #tpu.memory_space<vmem>> -> memref<64xf32, #tpu.memory_space<vmem>>
    %dma_wait3A_392 = arith.constant 0 : i32
    %dma_wait3A_393 = tpu.memref_slice %arg3[%dma_wait3A_392] : memref<6400064xf32, #tpu.memory_space<hbm>> -> memref<64xf32, #tpu.memory_space<hbm>>
    %dma_wait3A_394 = arith.constant 0 : i32
    %dma_wait3A_395 = tpu.memref_slice %arg10[%dma_wait3A_388, %dma_wait3A_394] : memref<512x64xf32, #tpu.memory_space<vmem>> -> memref<1x64xf32, #tpu.memory_space<vmem>>
    %dma_wait3A_396 = tpu.memref_squeeze %dma_wait3A_395 : memref<1x64xf32, #tpu.memory_space<vmem>> -> memref<64xf32, #tpu.memory_space<vmem>>
    %dma_wait3A_397 = arith.constant 0 : i32
    %dma_wait3A_398 = tpu.memref_slice %arg3[%dma_wait3A_397] : memref<6400064xf32, #tpu.memory_space<hbm>> -> memref<64xf32, #tpu.memory_space<hbm>>
    tpu.wait_dma2 semaphore(%arg13 : memref<!tpu.dma_semaphore, #tpu.memory_space<semaphore_mem>>) src(%dma_wait3A_398 : memref<64xf32, #tpu.memory_space<hbm>>) dst(%dma_wait3A_396 : memref<64xf32, #tpu.memory_space<vmem>>)
    %dma_wait3A_399 = arith.constant 11 : i32
    %dma_wait3A_400 = arith.constant 0 : i32
    %dma_wait3A_401 = tpu.memref_slice %arg10[%dma_wait3A_399, %dma_wait3A_400] : memref<512x64xf32, #tpu.memory_space<vmem>> -> memref<1x64xf32, #tpu.memory_space<vmem>>
    %dma_wait3A_402 = tpu.memref_squeeze %dma_wait3A_401 : memref<1x64xf32, #tpu.memory_space<vmem>> -> memref<64xf32, #tpu.memory_space<vmem>>
    %dma_wait3A_403 = arith.constant 0 : i32
    %dma_wait3A_404 = tpu.memref_slice %arg3[%dma_wait3A_403] : memref<6400064xf32, #tpu.memory_space<hbm>> -> memref<64xf32, #tpu.memory_space<hbm>>
    %dma_wait3A_405 = arith.constant 0 : i32
    %dma_wait3A_406 = tpu.memref_slice %arg10[%dma_wait3A_399, %dma_wait3A_405] : memref<512x64xf32, #tpu.memory_space<vmem>> -> memref<1x64xf32, #tpu.memory_space<vmem>>
    %dma_wait3A_407 = tpu.memref_squeeze %dma_wait3A_406 : memref<1x64xf32, #tpu.memory_space<vmem>> -> memref<64xf32, #tpu.memory_space<vmem>>
    %dma_wait3A_408 = arith.constant 0 : i32
    %dma_wait3A_409 = tpu.memref_slice %arg3[%dma_wait3A_408] : memref<6400064xf32, #tpu.memory_space<hbm>> -> memref<64xf32, #tpu.memory_space<hbm>>
    tpu.wait_dma2 semaphore(%arg13 : memref<!tpu.dma_semaphore, #tpu.memory_space<semaphore_mem>>) src(%dma_wait3A_409 : memref<64xf32, #tpu.memory_space<hbm>>) dst(%dma_wait3A_407 : memref<64xf32, #tpu.memory_space<vmem>>)
    %dma_wait3A_410 = arith.constant 12 : i32
    %dma_wait3A_411 = arith.constant 0 : i32
    %dma_wait3A_412 = tpu.memref_slice %arg10[%dma_wait3A_410, %dma_wait3A_411] : memref<512x64xf32, #tpu.memory_space<vmem>> -> memref<1x64xf32, #tpu.memory_space<vmem>>
    %dma_wait3A_413 = tpu.memref_squeeze %dma_wait3A_412 : memref<1x64xf32, #tpu.memory_space<vmem>> -> memref<64xf32, #tpu.memory_space<vmem>>
    %dma_wait3A_414 = arith.constant 0 : i32
    %dma_wait3A_415 = tpu.memref_slice %arg3[%dma_wait3A_414] : memref<6400064xf32, #tpu.memory_space<hbm>> -> memref<64xf32, #tpu.memory_space<hbm>>
    %dma_wait3A_416 = arith.constant 0 : i32
    %dma_wait3A_417 = tpu.memref_slice %arg10[%dma_wait3A_410, %dma_wait3A_416] : memref<512x64xf32, #tpu.memory_space<vmem>> -> memref<1x64xf32, #tpu.memory_space<vmem>>
    %dma_wait3A_418 = tpu.memref_squeeze %dma_wait3A_417 : memref<1x64xf32, #tpu.memory_space<vmem>> -> memref<64xf32, #tpu.memory_space<vmem>>
    %dma_wait3A_419 = arith.constant 0 : i32
    %dma_wait3A_420 = tpu.memref_slice %arg3[%dma_wait3A_419] : memref<6400064xf32, #tpu.memory_space<hbm>> -> memref<64xf32, #tpu.memory_space<hbm>>
    tpu.wait_dma2 semaphore(%arg13 : memref<!tpu.dma_semaphore, #tpu.memory_space<semaphore_mem>>) src(%dma_wait3A_420 : memref<64xf32, #tpu.memory_space<hbm>>) dst(%dma_wait3A_418 : memref<64xf32, #tpu.memory_space<vmem>>)
    %dma_wait3A_421 = arith.constant 13 : i32
    %dma_wait3A_422 = arith.constant 0 : i32
    %dma_wait3A_423 = tpu.memref_slice %arg10[%dma_wait3A_421, %dma_wait3A_422] : memref<512x64xf32, #tpu.memory_space<vmem>> -> memref<1x64xf32, #tpu.memory_space<vmem>>
    %dma_wait3A_424 = tpu.memref_squeeze %dma_wait3A_423 : memref<1x64xf32, #tpu.memory_space<vmem>> -> memref<64xf32, #tpu.memory_space<vmem>>
    %dma_wait3A_425 = arith.constant 0 : i32
    %dma_wait3A_426 = tpu.memref_slice %arg3[%dma_wait3A_425] : memref<6400064xf32, #tpu.memory_space<hbm>> -> memref<64xf32, #tpu.memory_space<hbm>>
    %dma_wait3A_427 = arith.constant 0 : i32
    %dma_wait3A_428 = tpu.memref_slice %arg10[%dma_wait3A_421, %dma_wait3A_427] : memref<512x64xf32, #tpu.memory_space<vmem>> -> memref<1x64xf32, #tpu.memory_space<vmem>>
    %dma_wait3A_429 = tpu.memref_squeeze %dma_wait3A_428 : memref<1x64xf32, #tpu.memory_space<vmem>> -> memref<64xf32, #tpu.memory_space<vmem>>
    %dma_wait3A_430 = arith.constant 0 : i32
    %dma_wait3A_431 = tpu.memref_slice %arg3[%dma_wait3A_430] : memref<6400064xf32, #tpu.memory_space<hbm>> -> memref<64xf32, #tpu.memory_space<hbm>>
    tpu.wait_dma2 semaphore(%arg13 : memref<!tpu.dma_semaphore, #tpu.memory_space<semaphore_mem>>) src(%dma_wait3A_431 : memref<64xf32, #tpu.memory_space<hbm>>) dst(%dma_wait3A_429 : memref<64xf32, #tpu.memory_space<vmem>>)
    %dma_wait3A_432 = arith.constant 14 : i32
    %dma_wait3A_433 = arith.constant 0 : i32
    %dma_wait3A_434 = tpu.memref_slice %arg10[%dma_wait3A_432, %dma_wait3A_433] : memref<512x64xf32, #tpu.memory_space<vmem>> -> memref<1x64xf32, #tpu.memory_space<vmem>>
    %dma_wait3A_435 = tpu.memref_squeeze %dma_wait3A_434 : memref<1x64xf32, #tpu.memory_space<vmem>> -> memref<64xf32, #tpu.memory_space<vmem>>
    %dma_wait3A_436 = arith.constant 0 : i32
    %dma_wait3A_437 = tpu.memref_slice %arg3[%dma_wait3A_436] : memref<6400064xf32, #tpu.memory_space<hbm>> -> memref<64xf32, #tpu.memory_space<hbm>>
    %dma_wait3A_438 = arith.constant 0 : i32
    %dma_wait3A_439 = tpu.memref_slice %arg10[%dma_wait3A_432, %dma_wait3A_438] : memref<512x64xf32, #tpu.memory_space<vmem>> -> memref<1x64xf32, #tpu.memory_space<vmem>>
    %dma_wait3A_440 = tpu.memref_squeeze %dma_wait3A_439 : memref<1x64xf32, #tpu.memory_space<vmem>> -> memref<64xf32, #tpu.memory_space<vmem>>
    %dma_wait3A_441 = arith.constant 0 : i32
    %dma_wait3A_442 = tpu.memref_slice %arg3[%dma_wait3A_441] : memref<6400064xf32, #tpu.memory_space<hbm>> -> memref<64xf32, #tpu.memory_space<hbm>>
    tpu.wait_dma2 semaphore(%arg13 : memref<!tpu.dma_semaphore, #tpu.memory_space<semaphore_mem>>) src(%dma_wait3A_442 : memref<64xf32, #tpu.memory_space<hbm>>) dst(%dma_wait3A_440 : memref<64xf32, #tpu.memory_space<vmem>>)
    %dma_wait3A_443 = arith.constant 15 : i32
    %dma_wait3A_444 = arith.constant 0 : i32
    %dma_wait3A_445 = tpu.memref_slice %arg10[%dma_wait3A_443, %dma_wait3A_444] : memref<512x64xf32, #tpu.memory_space<vmem>> -> memref<1x64xf32, #tpu.memory_space<vmem>>
    %dma_wait3A_446 = tpu.memref_squeeze %dma_wait3A_445 : memref<1x64xf32, #tpu.memory_space<vmem>> -> memref<64xf32, #tpu.memory_space<vmem>>
    %dma_wait3A_447 = arith.constant 0 : i32
    %dma_wait3A_448 = tpu.memref_slice %arg3[%dma_wait3A_447] : memref<6400064xf32, #tpu.memory_space<hbm>> -> memref<64xf32, #tpu.memory_space<hbm>>
    %dma_wait3A_449 = arith.constant 0 : i32
    %dma_wait3A_450 = tpu.memref_slice %arg10[%dma_wait3A_443, %dma_wait3A_449] : memref<512x64xf32, #tpu.memory_space<vmem>> -> memref<1x64xf32, #tpu.memory_space<vmem>>
    %dma_wait3A_451 = tpu.memref_squeeze %dma_wait3A_450 : memref<1x64xf32, #tpu.memory_space<vmem>> -> memref<64xf32, #tpu.memory_space<vmem>>
    %dma_wait3A_452 = arith.constant 0 : i32
    %dma_wait3A_453 = tpu.memref_slice %arg3[%dma_wait3A_452] : memref<6400064xf32, #tpu.memory_space<hbm>> -> memref<64xf32, #tpu.memory_space<hbm>>
    tpu.wait_dma2 semaphore(%arg13 : memref<!tpu.dma_semaphore, #tpu.memory_space<semaphore_mem>>) src(%dma_wait3A_453 : memref<64xf32, #tpu.memory_space<hbm>>) dst(%dma_wait3A_451 : memref<64xf32, #tpu.memory_space<vmem>>)
    %dma_wait3A_454 = arith.constant 0 : i32
    %dma_wait3A_455 = arith.constant 0 : i32
    %dma_wait3A_456 = tpu.memref_slice %arg10[%dma_wait3A_454, %dma_wait3A_455] : memref<512x64xf32, #tpu.memory_space<vmem>> -> memref<1x64xf32, #tpu.memory_space<vmem>>
    %dma_wait3A_457 = tpu.memref_squeeze %dma_wait3A_456 : memref<1x64xf32, #tpu.memory_space<vmem>> -> memref<64xf32, #tpu.memory_space<vmem>>
    %dma_wait3A_458 = arith.constant 0 : i32
    %dma_wait3A_459 = tpu.memref_slice %arg3[%dma_wait3A_458] : memref<6400064xf32, #tpu.memory_space<hbm>> -> memref<64xf32, #tpu.memory_space<hbm>>
    %dma_wait3A_460 = arith.constant 0 : i32
    %dma_wait3A_461 = tpu.memref_slice %arg10[%dma_wait3A_454, %dma_wait3A_460] : memref<512x64xf32, #tpu.memory_space<vmem>> -> memref<1x64xf32, #tpu.memory_space<vmem>>
    %dma_wait3A_462 = tpu.memref_squeeze %dma_wait3A_461 : memref<1x64xf32, #tpu.memory_space<vmem>> -> memref<64xf32, #tpu.memory_space<vmem>>
    %dma_wait3A_463 = arith.constant 0 : i32
    %dma_wait3A_464 = tpu.memref_slice %arg3[%dma_wait3A_463] : memref<6400064xf32, #tpu.memory_space<hbm>> -> memref<64xf32, #tpu.memory_space<hbm>>
    tpu.wait_dma2 semaphore(%arg13 : memref<!tpu.dma_semaphore, #tpu.memory_space<semaphore_mem>>) src(%dma_wait3A_464 : memref<64xf32, #tpu.memory_space<hbm>>) dst(%dma_wait3A_462 : memref<64xf32, #tpu.memory_space<vmem>>)
    %dma_wait3A_465 = arith.constant 1 : i32
    %dma_wait3A_466 = arith.constant 0 : i32
    %dma_wait3A_467 = tpu.memref_slice %arg10[%dma_wait3A_465, %dma_wait3A_466] : memref<512x64xf32, #tpu.memory_space<vmem>> -> memref<1x64xf32, #tpu.memory_space<vmem>>
    %dma_wait3A_468 = tpu.memref_squeeze %dma_wait3A_467 : memref<1x64xf32, #tpu.memory_space<vmem>> -> memref<64xf32, #tpu.memory_space<vmem>>
    %dma_wait3A_469 = arith.constant 0 : i32
    %dma_wait3A_470 = tpu.memref_slice %arg3[%dma_wait3A_469] : memref<6400064xf32, #tpu.memory_space<hbm>> -> memref<64xf32, #tpu.memory_space<hbm>>
    %dma_wait3A_471 = arith.constant 0 : i32
    %dma_wait3A_472 = tpu.memref_slice %arg10[%dma_wait3A_465, %dma_wait3A_471] : memref<512x64xf32, #tpu.memory_space<vmem>> -> memref<1x64xf32, #tpu.memory_space<vmem>>
    %dma_wait3A_473 = tpu.memref_squeeze %dma_wait3A_472 : memref<1x64xf32, #tpu.memory_space<vmem>> -> memref<64xf32, #tpu.memory_space<vmem>>
    %dma_wait3A_474 = arith.constant 0 : i32
    %dma_wait3A_475 = tpu.memref_slice %arg3[%dma_wait3A_474] : memref<6400064xf32, #tpu.memory_space<hbm>> -> memref<64xf32, #tpu.memory_space<hbm>>
    tpu.wait_dma2 semaphore(%arg13 : memref<!tpu.dma_semaphore, #tpu.memory_space<semaphore_mem>>) src(%dma_wait3A_475 : memref<64xf32, #tpu.memory_space<hbm>>) dst(%dma_wait3A_473 : memref<64xf32, #tpu.memory_space<vmem>>)
    %dma_wait3A_476 = arith.constant 2 : i32
    %dma_wait3A_477 = arith.constant 0 : i32
    %dma_wait3A_478 = tpu.memref_slice %arg10[%dma_wait3A_476, %dma_wait3A_477] : memref<512x64xf32, #tpu.memory_space<vmem>> -> memref<1x64xf32, #tpu.memory_space<vmem>>
    %dma_wait3A_479 = tpu.memref_squeeze %dma_wait3A_478 : memref<1x64xf32, #tpu.memory_space<vmem>> -> memref<64xf32, #tpu.memory_space<vmem>>
    %dma_wait3A_480 = arith.constant 0 : i32
    %dma_wait3A_481 = tpu.memref_slice %arg3[%dma_wait3A_480] : memref<6400064xf32, #tpu.memory_space<hbm>> -> memref<64xf32, #tpu.memory_space<hbm>>
    %dma_wait3A_482 = arith.constant 0 : i32
    %dma_wait3A_483 = tpu.memref_slice %arg10[%dma_wait3A_476, %dma_wait3A_482] : memref<512x64xf32, #tpu.memory_space<vmem>> -> memref<1x64xf32, #tpu.memory_space<vmem>>
    %dma_wait3A_484 = tpu.memref_squeeze %dma_wait3A_483 : memref<1x64xf32, #tpu.memory_space<vmem>> -> memref<64xf32, #tpu.memory_space<vmem>>
    %dma_wait3A_485 = arith.constant 0 : i32
    %dma_wait3A_486 = tpu.memref_slice %arg3[%dma_wait3A_485] : memref<6400064xf32, #tpu.memory_space<hbm>> -> memref<64xf32, #tpu.memory_space<hbm>>
    tpu.wait_dma2 semaphore(%arg13 : memref<!tpu.dma_semaphore, #tpu.memory_space<semaphore_mem>>) src(%dma_wait3A_486 : memref<64xf32, #tpu.memory_space<hbm>>) dst(%dma_wait3A_484 : memref<64xf32, #tpu.memory_space<vmem>>)
    %dma_wait3A_487 = arith.constant 3 : i32
    %dma_wait3A_488 = arith.constant 0 : i32
    %dma_wait3A_489 = tpu.memref_slice %arg10[%dma_wait3A_487, %dma_wait3A_488] : memref<512x64xf32, #tpu.memory_space<vmem>> -> memref<1x64xf32, #tpu.memory_space<vmem>>
    %dma_wait3A_490 = tpu.memref_squeeze %dma_wait3A_489 : memref<1x64xf32, #tpu.memory_space<vmem>> -> memref<64xf32, #tpu.memory_space<vmem>>
    %dma_wait3A_491 = arith.constant 0 : i32
    %dma_wait3A_492 = tpu.memref_slice %arg3[%dma_wait3A_491] : memref<6400064xf32, #tpu.memory_space<hbm>> -> memref<64xf32, #tpu.memory_space<hbm>>
    %dma_wait3A_493 = arith.constant 0 : i32
    %dma_wait3A_494 = tpu.memref_slice %arg10[%dma_wait3A_487, %dma_wait3A_493] : memref<512x64xf32, #tpu.memory_space<vmem>> -> memref<1x64xf32, #tpu.memory_space<vmem>>
    %dma_wait3A_495 = tpu.memref_squeeze %dma_wait3A_494 : memref<1x64xf32, #tpu.memory_space<vmem>> -> memref<64xf32, #tpu.memory_space<vmem>>
    %dma_wait3A_496 = arith.constant 0 : i32
    %dma_wait3A_497 = tpu.memref_slice %arg3[%dma_wait3A_496] : memref<6400064xf32, #tpu.memory_space<hbm>> -> memref<64xf32, #tpu.memory_space<hbm>>
    tpu.wait_dma2 semaphore(%arg13 : memref<!tpu.dma_semaphore, #tpu.memory_space<semaphore_mem>>) src(%dma_wait3A_497 : memref<64xf32, #tpu.memory_space<hbm>>) dst(%dma_wait3A_495 : memref<64xf32, #tpu.memory_space<vmem>>)
    %dma_wait3A_498 = arith.constant 4 : i32
    %dma_wait3A_499 = arith.constant 0 : i32
    %dma_wait3A_500 = tpu.memref_slice %arg10[%dma_wait3A_498, %dma_wait3A_499] : memref<512x64xf32, #tpu.memory_space<vmem>> -> memref<1x64xf32, #tpu.memory_space<vmem>>
    %dma_wait3A_501 = tpu.memref_squeeze %dma_wait3A_500 : memref<1x64xf32, #tpu.memory_space<vmem>> -> memref<64xf32, #tpu.memory_space<vmem>>
    %dma_wait3A_502 = arith.constant 0 : i32
    %dma_wait3A_503 = tpu.memref_slice %arg3[%dma_wait3A_502] : memref<6400064xf32, #tpu.memory_space<hbm>> -> memref<64xf32, #tpu.memory_space<hbm>>
    %dma_wait3A_504 = arith.constant 0 : i32
    %dma_wait3A_505 = tpu.memref_slice %arg10[%dma_wait3A_498, %dma_wait3A_504] : memref<512x64xf32, #tpu.memory_space<vmem>> -> memref<1x64xf32, #tpu.memory_space<vmem>>
    %dma_wait3A_506 = tpu.memref_squeeze %dma_wait3A_505 : memref<1x64xf32, #tpu.memory_space<vmem>> -> memref<64xf32, #tpu.memory_space<vmem>>
    %dma_wait3A_507 = arith.constant 0 : i32
    %dma_wait3A_508 = tpu.memref_slice %arg3[%dma_wait3A_507] : memref<6400064xf32, #tpu.memory_space<hbm>> -> memref<64xf32, #tpu.memory_space<hbm>>
    tpu.wait_dma2 semaphore(%arg13 : memref<!tpu.dma_semaphore, #tpu.memory_space<semaphore_mem>>) src(%dma_wait3A_508 : memref<64xf32, #tpu.memory_space<hbm>>) dst(%dma_wait3A_506 : memref<64xf32, #tpu.memory_space<vmem>>)
    %dma_wait3A_509 = arith.constant 5 : i32
    %dma_wait3A_510 = arith.constant 0 : i32
    %dma_wait3A_511 = tpu.memref_slice %arg10[%dma_wait3A_509, %dma_wait3A_510] : memref<512x64xf32, #tpu.memory_space<vmem>> -> memref<1x64xf32, #tpu.memory_space<vmem>>
    %dma_wait3A_512 = tpu.memref_squeeze %dma_wait3A_511 : memref<1x64xf32, #tpu.memory_space<vmem>> -> memref<64xf32, #tpu.memory_space<vmem>>
    %dma_wait3A_513 = arith.constant 0 : i32
    %dma_wait3A_514 = tpu.memref_slice %arg3[%dma_wait3A_513] : memref<6400064xf32, #tpu.memory_space<hbm>> -> memref<64xf32, #tpu.memory_space<hbm>>
    %dma_wait3A_515 = arith.constant 0 : i32
    %dma_wait3A_516 = tpu.memref_slice %arg10[%dma_wait3A_509, %dma_wait3A_515] : memref<512x64xf32, #tpu.memory_space<vmem>> -> memref<1x64xf32, #tpu.memory_space<vmem>>
    %dma_wait3A_517 = tpu.memref_squeeze %dma_wait3A_516 : memref<1x64xf32, #tpu.memory_space<vmem>> -> memref<64xf32, #tpu.memory_space<vmem>>
    %dma_wait3A_518 = arith.constant 0 : i32
    %dma_wait3A_519 = tpu.memref_slice %arg3[%dma_wait3A_518] : memref<6400064xf32, #tpu.memory_space<hbm>> -> memref<64xf32, #tpu.memory_space<hbm>>
    tpu.wait_dma2 semaphore(%arg13 : memref<!tpu.dma_semaphore, #tpu.memory_space<semaphore_mem>>) src(%dma_wait3A_519 : memref<64xf32, #tpu.memory_space<hbm>>) dst(%dma_wait3A_517 : memref<64xf32, #tpu.memory_space<vmem>>)
    %dma_wait3A_520 = arith.constant 6 : i32
    %dma_wait3A_521 = arith.constant 0 : i32
    %dma_wait3A_522 = tpu.memref_slice %arg10[%dma_wait3A_520, %dma_wait3A_521] : memref<512x64xf32, #tpu.memory_space<vmem>> -> memref<1x64xf32, #tpu.memory_space<vmem>>
    %dma_wait3A_523 = tpu.memref_squeeze %dma_wait3A_522 : memref<1x64xf32, #tpu.memory_space<vmem>> -> memref<64xf32, #tpu.memory_space<vmem>>
    %dma_wait3A_524 = arith.constant 0 : i32
    %dma_wait3A_525 = tpu.memref_slice %arg3[%dma_wait3A_524] : memref<6400064xf32, #tpu.memory_space<hbm>> -> memref<64xf32, #tpu.memory_space<hbm>>
    %dma_wait3A_526 = arith.constant 0 : i32
    %dma_wait3A_527 = tpu.memref_slice %arg10[%dma_wait3A_520, %dma_wait3A_526] : memref<512x64xf32, #tpu.memory_space<vmem>> -> memref<1x64xf32, #tpu.memory_space<vmem>>
    %dma_wait3A_528 = tpu.memref_squeeze %dma_wait3A_527 : memref<1x64xf32, #tpu.memory_space<vmem>> -> memref<64xf32, #tpu.memory_space<vmem>>
    %dma_wait3A_529 = arith.constant 0 : i32
    %dma_wait3A_530 = tpu.memref_slice %arg3[%dma_wait3A_529] : memref<6400064xf32, #tpu.memory_space<hbm>> -> memref<64xf32, #tpu.memory_space<hbm>>
    tpu.wait_dma2 semaphore(%arg13 : memref<!tpu.dma_semaphore, #tpu.memory_space<semaphore_mem>>) src(%dma_wait3A_530 : memref<64xf32, #tpu.memory_space<hbm>>) dst(%dma_wait3A_528 : memref<64xf32, #tpu.memory_space<vmem>>)
    %dma_wait3A_531 = arith.constant 7 : i32
    %dma_wait3A_532 = arith.constant 0 : i32
    %dma_wait3A_533 = tpu.memref_slice %arg10[%dma_wait3A_531, %dma_wait3A_532] : memref<512x64xf32, #tpu.memory_space<vmem>> -> memref<1x64xf32, #tpu.memory_space<vmem>>
    %dma_wait3A_534 = tpu.memref_squeeze %dma_wait3A_533 : memref<1x64xf32, #tpu.memory_space<vmem>> -> memref<64xf32, #tpu.memory_space<vmem>>
    %dma_wait3A_535 = arith.constant 0 : i32
    %dma_wait3A_536 = tpu.memref_slice %arg3[%dma_wait3A_535] : memref<6400064xf32, #tpu.memory_space<hbm>> -> memref<64xf32, #tpu.memory_space<hbm>>
    %dma_wait3A_537 = arith.constant 0 : i32
    %dma_wait3A_538 = tpu.memref_slice %arg10[%dma_wait3A_531, %dma_wait3A_537] : memref<512x64xf32, #tpu.memory_space<vmem>> -> memref<1x64xf32, #tpu.memory_space<vmem>>
    %dma_wait3A_539 = tpu.memref_squeeze %dma_wait3A_538 : memref<1x64xf32, #tpu.memory_space<vmem>> -> memref<64xf32, #tpu.memory_space<vmem>>
    %dma_wait3A_540 = arith.constant 0 : i32
    %dma_wait3A_541 = tpu.memref_slice %arg3[%dma_wait3A_540] : memref<6400064xf32, #tpu.memory_space<hbm>> -> memref<64xf32, #tpu.memory_space<hbm>>
    tpu.wait_dma2 semaphore(%arg13 : memref<!tpu.dma_semaphore, #tpu.memory_space<semaphore_mem>>) src(%dma_wait3A_541 : memref<64xf32, #tpu.memory_space<hbm>>) dst(%dma_wait3A_539 : memref<64xf32, #tpu.memory_space<vmem>>)
    %dma_wait3A_542 = arith.constant 8 : i32
    %dma_wait3A_543 = arith.constant 0 : i32
    %dma_wait3A_544 = tpu.memref_slice %arg10[%dma_wait3A_542, %dma_wait3A_543] : memref<512x64xf32, #tpu.memory_space<vmem>> -> memref<1x64xf32, #tpu.memory_space<vmem>>
    %dma_wait3A_545 = tpu.memref_squeeze %dma_wait3A_544 : memref<1x64xf32, #tpu.memory_space<vmem>> -> memref<64xf32, #tpu.memory_space<vmem>>
    %dma_wait3A_546 = arith.constant 0 : i32
    %dma_wait3A_547 = tpu.memref_slice %arg3[%dma_wait3A_546] : memref<6400064xf32, #tpu.memory_space<hbm>> -> memref<64xf32, #tpu.memory_space<hbm>>
    %dma_wait3A_548 = arith.constant 0 : i32
    %dma_wait3A_549 = tpu.memref_slice %arg10[%dma_wait3A_542, %dma_wait3A_548] : memref<512x64xf32, #tpu.memory_space<vmem>> -> memref<1x64xf32, #tpu.memory_space<vmem>>
    %dma_wait3A_550 = tpu.memref_squeeze %dma_wait3A_549 : memref<1x64xf32, #tpu.memory_space<vmem>> -> memref<64xf32, #tpu.memory_space<vmem>>
    %dma_wait3A_551 = arith.constant 0 : i32
    %dma_wait3A_552 = tpu.memref_slice %arg3[%dma_wait3A_551] : memref<6400064xf32, #tpu.memory_space<hbm>> -> memref<64xf32, #tpu.memory_space<hbm>>
    tpu.wait_dma2 semaphore(%arg13 : memref<!tpu.dma_semaphore, #tpu.memory_space<semaphore_mem>>) src(%dma_wait3A_552 : memref<64xf32, #tpu.memory_space<hbm>>) dst(%dma_wait3A_550 : memref<64xf32, #tpu.memory_space<vmem>>)
    %dma_wait3A_553 = arith.constant 9 : i32
    %dma_wait3A_554 = arith.constant 0 : i32
    %dma_wait3A_555 = tpu.memref_slice %arg10[%dma_wait3A_553, %dma_wait3A_554] : memref<512x64xf32, #tpu.memory_space<vmem>> -> memref<1x64xf32, #tpu.memory_space<vmem>>
    %dma_wait3A_556 = tpu.memref_squeeze %dma_wait3A_555 : memref<1x64xf32, #tpu.memory_space<vmem>> -> memref<64xf32, #tpu.memory_space<vmem>>
    %dma_wait3A_557 = arith.constant 0 : i32
    %dma_wait3A_558 = tpu.memref_slice %arg3[%dma_wait3A_557] : memref<6400064xf32, #tpu.memory_space<hbm>> -> memref<64xf32, #tpu.memory_space<hbm>>
    %dma_wait3A_559 = arith.constant 0 : i32
    %dma_wait3A_560 = tpu.memref_slice %arg10[%dma_wait3A_553, %dma_wait3A_559] : memref<512x64xf32, #tpu.memory_space<vmem>> -> memref<1x64xf32, #tpu.memory_space<vmem>>
    %dma_wait3A_561 = tpu.memref_squeeze %dma_wait3A_560 : memref<1x64xf32, #tpu.memory_space<vmem>> -> memref<64xf32, #tpu.memory_space<vmem>>
    %dma_wait3A_562 = arith.constant 0 : i32
    %dma_wait3A_563 = tpu.memref_slice %arg3[%dma_wait3A_562] : memref<6400064xf32, #tpu.memory_space<hbm>> -> memref<64xf32, #tpu.memory_space<hbm>>
    tpu.wait_dma2 semaphore(%arg13 : memref<!tpu.dma_semaphore, #tpu.memory_space<semaphore_mem>>) src(%dma_wait3A_563 : memref<64xf32, #tpu.memory_space<hbm>>) dst(%dma_wait3A_561 : memref<64xf32, #tpu.memory_space<vmem>>)
    %dma_wait3A_564 = arith.constant 10 : i32
    %dma_wait3A_565 = arith.constant 0 : i32
    %dma_wait3A_566 = tpu.memref_slice %arg10[%dma_wait3A_564, %dma_wait3A_565] : memref<512x64xf32, #tpu.memory_space<vmem>> -> memref<1x64xf32, #tpu.memory_space<vmem>>
    %dma_wait3A_567 = tpu.memref_squeeze %dma_wait3A_566 : memref<1x64xf32, #tpu.memory_space<vmem>> -> memref<64xf32, #tpu.memory_space<vmem>>
    %dma_wait3A_568 = arith.constant 0 : i32
    %dma_wait3A_569 = tpu.memref_slice %arg3[%dma_wait3A_568] : memref<6400064xf32, #tpu.memory_space<hbm>> -> memref<64xf32, #tpu.memory_space<hbm>>
    %dma_wait3A_570 = arith.constant 0 : i32
    %dma_wait3A_571 = tpu.memref_slice %arg10[%dma_wait3A_564, %dma_wait3A_570] : memref<512x64xf32, #tpu.memory_space<vmem>> -> memref<1x64xf32, #tpu.memory_space<vmem>>
    %dma_wait3A_572 = tpu.memref_squeeze %dma_wait3A_571 : memref<1x64xf32, #tpu.memory_space<vmem>> -> memref<64xf32, #tpu.memory_space<vmem>>
    %dma_wait3A_573 = arith.constant 0 : i32
    %dma_wait3A_574 = tpu.memref_slice %arg3[%dma_wait3A_573] : memref<6400064xf32, #tpu.memory_space<hbm>> -> memref<64xf32, #tpu.memory_space<hbm>>
    tpu.wait_dma2 semaphore(%arg13 : memref<!tpu.dma_semaphore, #tpu.memory_space<semaphore_mem>>) src(%dma_wait3A_574 : memref<64xf32, #tpu.memory_space<hbm>>) dst(%dma_wait3A_572 : memref<64xf32, #tpu.memory_space<vmem>>)
    %dma_wait3A_575 = arith.constant 11 : i32
    %dma_wait3A_576 = arith.constant 0 : i32
    %dma_wait3A_577 = tpu.memref_slice %arg10[%dma_wait3A_575, %dma_wait3A_576] : memref<512x64xf32, #tpu.memory_space<vmem>> -> memref<1x64xf32, #tpu.memory_space<vmem>>
    %dma_wait3A_578 = tpu.memref_squeeze %dma_wait3A_577 : memref<1x64xf32, #tpu.memory_space<vmem>> -> memref<64xf32, #tpu.memory_space<vmem>>
    %dma_wait3A_579 = arith.constant 0 : i32
    %dma_wait3A_580 = tpu.memref_slice %arg3[%dma_wait3A_579] : memref<6400064xf32, #tpu.memory_space<hbm>> -> memref<64xf32, #tpu.memory_space<hbm>>
    %dma_wait3A_581 = arith.constant 0 : i32
    %dma_wait3A_582 = tpu.memref_slice %arg10[%dma_wait3A_575, %dma_wait3A_581] : memref<512x64xf32, #tpu.memory_space<vmem>> -> memref<1x64xf32, #tpu.memory_space<vmem>>
    %dma_wait3A_583 = tpu.memref_squeeze %dma_wait3A_582 : memref<1x64xf32, #tpu.memory_space<vmem>> -> memref<64xf32, #tpu.memory_space<vmem>>
    %dma_wait3A_584 = arith.constant 0 : i32
    %dma_wait3A_585 = tpu.memref_slice %arg3[%dma_wait3A_584] : memref<6400064xf32, #tpu.memory_space<hbm>> -> memref<64xf32, #tpu.memory_space<hbm>>
    tpu.wait_dma2 semaphore(%arg13 : memref<!tpu.dma_semaphore, #tpu.memory_space<semaphore_mem>>) src(%dma_wait3A_585 : memref<64xf32, #tpu.memory_space<hbm>>) dst(%dma_wait3A_583 : memref<64xf32, #tpu.memory_space<vmem>>)
    %dma_wait3A_586 = arith.constant 12 : i32
    %dma_wait3A_587 = arith.constant 0 : i32
    %dma_wait3A_588 = tpu.memref_slice %arg10[%dma_wait3A_586, %dma_wait3A_587] : memref<512x64xf32, #tpu.memory_space<vmem>> -> memref<1x64xf32, #tpu.memory_space<vmem>>
    %dma_wait3A_589 = tpu.memref_squeeze %dma_wait3A_588 : memref<1x64xf32, #tpu.memory_space<vmem>> -> memref<64xf32, #tpu.memory_space<vmem>>
    %dma_wait3A_590 = arith.constant 0 : i32
    %dma_wait3A_591 = tpu.memref_slice %arg3[%dma_wait3A_590] : memref<6400064xf32, #tpu.memory_space<hbm>> -> memref<64xf32, #tpu.memory_space<hbm>>
    %dma_wait3A_592 = arith.constant 0 : i32
    %dma_wait3A_593 = tpu.memref_slice %arg10[%dma_wait3A_586, %dma_wait3A_592] : memref<512x64xf32, #tpu.memory_space<vmem>> -> memref<1x64xf32, #tpu.memory_space<vmem>>
    %dma_wait3A_594 = tpu.memref_squeeze %dma_wait3A_593 : memref<1x64xf32, #tpu.memory_space<vmem>> -> memref<64xf32, #tpu.memory_space<vmem>>
    %dma_wait3A_595 = arith.constant 0 : i32
    %dma_wait3A_596 = tpu.memref_slice %arg3[%dma_wait3A_595] : memref<6400064xf32, #tpu.memory_space<hbm>> -> memref<64xf32, #tpu.memory_space<hbm>>
    tpu.wait_dma2 semaphore(%arg13 : memref<!tpu.dma_semaphore, #tpu.memory_space<semaphore_mem>>) src(%dma_wait3A_596 : memref<64xf32, #tpu.memory_space<hbm>>) dst(%dma_wait3A_594 : memref<64xf32, #tpu.memory_space<vmem>>)
    %dma_wait3A_597 = arith.constant 13 : i32
    %dma_wait3A_598 = arith.constant 0 : i32
    %dma_wait3A_599 = tpu.memref_slice %arg10[%dma_wait3A_597, %dma_wait3A_598] : memref<512x64xf32, #tpu.memory_space<vmem>> -> memref<1x64xf32, #tpu.memory_space<vmem>>
    %dma_wait3A_600 = tpu.memref_squeeze %dma_wait3A_599 : memref<1x64xf32, #tpu.memory_space<vmem>> -> memref<64xf32, #tpu.memory_space<vmem>>
    %dma_wait3A_601 = arith.constant 0 : i32
    %dma_wait3A_602 = tpu.memref_slice %arg3[%dma_wait3A_601] : memref<6400064xf32, #tpu.memory_space<hbm>> -> memref<64xf32, #tpu.memory_space<hbm>>
    %dma_wait3A_603 = arith.constant 0 : i32
    %dma_wait3A_604 = tpu.memref_slice %arg10[%dma_wait3A_597, %dma_wait3A_603] : memref<512x64xf32, #tpu.memory_space<vmem>> -> memref<1x64xf32, #tpu.memory_space<vmem>>
    %dma_wait3A_605 = tpu.memref_squeeze %dma_wait3A_604 : memref<1x64xf32, #tpu.memory_space<vmem>> -> memref<64xf32, #tpu.memory_space<vmem>>
    %dma_wait3A_606 = arith.constant 0 : i32
    %dma_wait3A_607 = tpu.memref_slice %arg3[%dma_wait3A_606] : memref<6400064xf32, #tpu.memory_space<hbm>> -> memref<64xf32, #tpu.memory_space<hbm>>
    tpu.wait_dma2 semaphore(%arg13 : memref<!tpu.dma_semaphore, #tpu.memory_space<semaphore_mem>>) src(%dma_wait3A_607 : memref<64xf32, #tpu.memory_space<hbm>>) dst(%dma_wait3A_605 : memref<64xf32, #tpu.memory_space<vmem>>)
    %dma_wait3A_608 = arith.constant 14 : i32
    %dma_wait3A_609 = arith.constant 0 : i32
    %dma_wait3A_610 = tpu.memref_slice %arg10[%dma_wait3A_608, %dma_wait3A_609] : memref<512x64xf32, #tpu.memory_space<vmem>> -> memref<1x64xf32, #tpu.memory_space<vmem>>
    %dma_wait3A_611 = tpu.memref_squeeze %dma_wait3A_610 : memref<1x64xf32, #tpu.memory_space<vmem>> -> memref<64xf32, #tpu.memory_space<vmem>>
    %dma_wait3A_612 = arith.constant 0 : i32
    %dma_wait3A_613 = tpu.memref_slice %arg3[%dma_wait3A_612] : memref<6400064xf32, #tpu.memory_space<hbm>> -> memref<64xf32, #tpu.memory_space<hbm>>
    %dma_wait3A_614 = arith.constant 0 : i32
    %dma_wait3A_615 = tpu.memref_slice %arg10[%dma_wait3A_608, %dma_wait3A_614] : memref<512x64xf32, #tpu.memory_space<vmem>> -> memref<1x64xf32, #tpu.memory_space<vmem>>
    %dma_wait3A_616 = tpu.memref_squeeze %dma_wait3A_615 : memref<1x64xf32, #tpu.memory_space<vmem>> -> memref<64xf32, #tpu.memory_space<vmem>>
    %dma_wait3A_617 = arith.constant 0 : i32
    %dma_wait3A_618 = tpu.memref_slice %arg3[%dma_wait3A_617] : memref<6400064xf32, #tpu.memory_space<hbm>> -> memref<64xf32, #tpu.memory_space<hbm>>
    tpu.wait_dma2 semaphore(%arg13 : memref<!tpu.dma_semaphore, #tpu.memory_space<semaphore_mem>>) src(%dma_wait3A_618 : memref<64xf32, #tpu.memory_space<hbm>>) dst(%dma_wait3A_616 : memref<64xf32, #tpu.memory_space<vmem>>)
    %dma_wait3A_619 = arith.constant 15 : i32
    %dma_wait3A_620 = arith.constant 0 : i32
    %dma_wait3A_621 = tpu.memref_slice %arg10[%dma_wait3A_619, %dma_wait3A_620] : memref<512x64xf32, #tpu.memory_space<vmem>> -> memref<1x64xf32, #tpu.memory_space<vmem>>
    %dma_wait3A_622 = tpu.memref_squeeze %dma_wait3A_621 : memref<1x64xf32, #tpu.memory_space<vmem>> -> memref<64xf32, #tpu.memory_space<vmem>>
    %dma_wait3A_623 = arith.constant 0 : i32
    %dma_wait3A_624 = tpu.memref_slice %arg3[%dma_wait3A_623] : memref<6400064xf32, #tpu.memory_space<hbm>> -> memref<64xf32, #tpu.memory_space<hbm>>
    %dma_wait3A_625 = arith.constant 0 : i32
    %dma_wait3A_626 = tpu.memref_slice %arg10[%dma_wait3A_619, %dma_wait3A_625] : memref<512x64xf32, #tpu.memory_space<vmem>> -> memref<1x64xf32, #tpu.memory_space<vmem>>
    %dma_wait3A_627 = tpu.memref_squeeze %dma_wait3A_626 : memref<1x64xf32, #tpu.memory_space<vmem>> -> memref<64xf32, #tpu.memory_space<vmem>>
    %dma_wait3A_628 = arith.constant 0 : i32
    %dma_wait3A_629 = tpu.memref_slice %arg3[%dma_wait3A_628] : memref<6400064xf32, #tpu.memory_space<hbm>> -> memref<64xf32, #tpu.memory_space<hbm>>
    tpu.wait_dma2 semaphore(%arg13 : memref<!tpu.dma_semaphore, #tpu.memory_space<semaphore_mem>>) src(%dma_wait3A_629 : memref<64xf32, #tpu.memory_space<hbm>>) dst(%dma_wait3A_627 : memref<64xf32, #tpu.memory_space<vmem>>)
    %dma_wait3A_630 = arith.constant 0 : i32
    %dma_wait3A_631 = arith.constant 0 : i32
    %dma_wait3A_632 = tpu.memref_slice %arg11[%dma_wait3A_630, %dma_wait3A_631] : memref<8x512xi32, #tpu.memory_space<vmem>> -> memref<1x128xi32, #tpu.memory_space<vmem>>
    %dma_wait3A_633 = tpu.memref_squeeze %dma_wait3A_632 : memref<1x128xi32, #tpu.memory_space<vmem>> -> memref<128xi32, #tpu.memory_space<vmem>>
    %dma_wait3A_634 = arith.constant 0 : i32
    %dma_wait3A_635 = tpu.memref_slice %arg9[%dma_wait3A_634] : memref<512xi32, #tpu.memory_space<vmem>> -> memref<128xi32, #tpu.memory_space<vmem>>
    %dma_wait3A_636 = arith.constant 0 : i32
    %dma_wait3A_637 = tpu.memref_slice %arg4[%dma_wait3A_636] : memref<100001xi32, #tpu.memory_space<hbm>> -> memref<100001xi32, #tpu.memory_space<hbm>>
    tpu.wait_indirect_dma semaphore(%arg12 : memref<!tpu.dma_semaphore, #tpu.memory_space<semaphore_mem>>) src(%dma_wait3A_637 : memref<100001xi32, #tpu.memory_space<hbm>>) dst(%dma_wait3A_633 : memref<128xi32, #tpu.memory_space<vmem>>)
    %dma_wait3A_638 = arith.constant 1 : i32
    %dma_wait3A_639 = arith.constant 0 : i32
    %dma_wait3A_640 = tpu.memref_slice %arg11[%dma_wait3A_638, %dma_wait3A_639] : memref<8x512xi32, #tpu.memory_space<vmem>> -> memref<1x128xi32, #tpu.memory_space<vmem>>
    %dma_wait3A_641 = tpu.memref_squeeze %dma_wait3A_640 : memref<1x128xi32, #tpu.memory_space<vmem>> -> memref<128xi32, #tpu.memory_space<vmem>>
    %dma_wait3A_642 = arith.constant 0 : i32
    %dma_wait3A_643 = tpu.memref_slice %arg9[%dma_wait3A_642] : memref<512xi32, #tpu.memory_space<vmem>> -> memref<128xi32, #tpu.memory_space<vmem>>
    %dma_wait3A_644 = arith.constant 0 : i32
    %dma_wait3A_645 = tpu.memref_slice %arg5[%dma_wait3A_644] : memref<100001xi32, #tpu.memory_space<hbm>> -> memref<100001xi32, #tpu.memory_space<hbm>>
    tpu.wait_indirect_dma semaphore(%arg12 : memref<!tpu.dma_semaphore, #tpu.memory_space<semaphore_mem>>) src(%dma_wait3A_645 : memref<100001xi32, #tpu.memory_space<hbm>>) dst(%dma_wait3A_641 : memref<128xi32, #tpu.memory_space<vmem>>)
    %dma_wait3A_646 = arith.constant 2 : i32
    %dma_wait3A_647 = arith.constant 0 : i32
    %dma_wait3A_648 = tpu.memref_slice %arg11[%dma_wait3A_646, %dma_wait3A_647] : memref<8x512xi32, #tpu.memory_space<vmem>> -> memref<1x128xi32, #tpu.memory_space<vmem>>
    %dma_wait3A_649 = tpu.memref_squeeze %dma_wait3A_648 : memref<1x128xi32, #tpu.memory_space<vmem>> -> memref<128xi32, #tpu.memory_space<vmem>>
    %dma_wait3A_650 = arith.constant 0 : i32
    %dma_wait3A_651 = tpu.memref_slice %arg9[%dma_wait3A_650] : memref<512xi32, #tpu.memory_space<vmem>> -> memref<128xi32, #tpu.memory_space<vmem>>
    %dma_wait3A_652 = arith.constant 0 : i32
    %dma_wait3A_653 = tpu.memref_slice %arg6[%dma_wait3A_652] : memref<100001xi32, #tpu.memory_space<hbm>> -> memref<100001xi32, #tpu.memory_space<hbm>>
    tpu.wait_indirect_dma semaphore(%arg12 : memref<!tpu.dma_semaphore, #tpu.memory_space<semaphore_mem>>) src(%dma_wait3A_653 : memref<100001xi32, #tpu.memory_space<hbm>>) dst(%dma_wait3A_649 : memref<128xi32, #tpu.memory_space<vmem>>)
    %dma_wait3A_654 = arith.constant 0 : i32
    %dma_wait3A_655 = arith.constant 128 : i32
    %dma_wait3A_656 = tpu.memref_slice %arg11[%dma_wait3A_654, %dma_wait3A_655] : memref<8x512xi32, #tpu.memory_space<vmem>> -> memref<1x128xi32, #tpu.memory_space<vmem>>
    %dma_wait3A_657 = tpu.memref_squeeze %dma_wait3A_656 : memref<1x128xi32, #tpu.memory_space<vmem>> -> memref<128xi32, #tpu.memory_space<vmem>>
    %dma_wait3A_658 = arith.constant 128 : i32
    %dma_wait3A_659 = tpu.memref_slice %arg9[%dma_wait3A_658] : memref<512xi32, #tpu.memory_space<vmem>> -> memref<128xi32, #tpu.memory_space<vmem>>
    %dma_wait3A_660 = arith.constant 0 : i32
    %dma_wait3A_661 = tpu.memref_slice %arg4[%dma_wait3A_660] : memref<100001xi32, #tpu.memory_space<hbm>> -> memref<100001xi32, #tpu.memory_space<hbm>>
    tpu.wait_indirect_dma semaphore(%arg12 : memref<!tpu.dma_semaphore, #tpu.memory_space<semaphore_mem>>) src(%dma_wait3A_661 : memref<100001xi32, #tpu.memory_space<hbm>>) dst(%dma_wait3A_657 : memref<128xi32, #tpu.memory_space<vmem>>)
    %dma_wait3A_662 = arith.constant 1 : i32
    %dma_wait3A_663 = arith.constant 128 : i32
    %dma_wait3A_664 = tpu.memref_slice %arg11[%dma_wait3A_662, %dma_wait3A_663] : memref<8x512xi32, #tpu.memory_space<vmem>> -> memref<1x128xi32, #tpu.memory_space<vmem>>
    %dma_wait3A_665 = tpu.memref_squeeze %dma_wait3A_664 : memref<1x128xi32, #tpu.memory_space<vmem>> -> memref<128xi32, #tpu.memory_space<vmem>>
    %dma_wait3A_666 = arith.constant 128 : i32
    %dma_wait3A_667 = tpu.memref_slice %arg9[%dma_wait3A_666] : memref<512xi32, #tpu.memory_space<vmem>> -> memref<128xi32, #tpu.memory_space<vmem>>
    %dma_wait3A_668 = arith.constant 0 : i32
    %dma_wait3A_669 = tpu.memref_slice %arg5[%dma_wait3A_668] : memref<100001xi32, #tpu.memory_space<hbm>> -> memref<100001xi32, #tpu.memory_space<hbm>>
    tpu.wait_indirect_dma semaphore(%arg12 : memref<!tpu.dma_semaphore, #tpu.memory_space<semaphore_mem>>) src(%dma_wait3A_669 : memref<100001xi32, #tpu.memory_space<hbm>>) dst(%dma_wait3A_665 : memref<128xi32, #tpu.memory_space<vmem>>)
    %dma_wait3A_670 = arith.constant 2 : i32
    %dma_wait3A_671 = arith.constant 128 : i32
    %dma_wait3A_672 = tpu.memref_slice %arg11[%dma_wait3A_670, %dma_wait3A_671] : memref<8x512xi32, #tpu.memory_space<vmem>> -> memref<1x128xi32, #tpu.memory_space<vmem>>
    %dma_wait3A_673 = tpu.memref_squeeze %dma_wait3A_672 : memref<1x128xi32, #tpu.memory_space<vmem>> -> memref<128xi32, #tpu.memory_space<vmem>>
    %dma_wait3A_674 = arith.constant 128 : i32
    %dma_wait3A_675 = tpu.memref_slice %arg9[%dma_wait3A_674] : memref<512xi32, #tpu.memory_space<vmem>> -> memref<128xi32, #tpu.memory_space<vmem>>
    %dma_wait3A_676 = arith.constant 0 : i32
    %dma_wait3A_677 = tpu.memref_slice %arg6[%dma_wait3A_676] : memref<100001xi32, #tpu.memory_space<hbm>> -> memref<100001xi32, #tpu.memory_space<hbm>>
    tpu.wait_indirect_dma semaphore(%arg12 : memref<!tpu.dma_semaphore, #tpu.memory_space<semaphore_mem>>) src(%dma_wait3A_677 : memref<100001xi32, #tpu.memory_space<hbm>>) dst(%dma_wait3A_673 : memref<128xi32, #tpu.memory_space<vmem>>)
    %dma_wait3A_678 = arith.constant 0 : i32
    %dma_wait3A_679 = arith.constant 256 : i32
    %dma_wait3A_680 = tpu.memref_slice %arg11[%dma_wait3A_678, %dma_wait3A_679] : memref<8x512xi32, #tpu.memory_space<vmem>> -> memref<1x128xi32, #tpu.memory_space<vmem>>
    %dma_wait3A_681 = tpu.memref_squeeze %dma_wait3A_680 : memref<1x128xi32, #tpu.memory_space<vmem>> -> memref<128xi32, #tpu.memory_space<vmem>>
    %dma_wait3A_682 = arith.constant 256 : i32
    %dma_wait3A_683 = tpu.memref_slice %arg9[%dma_wait3A_682] : memref<512xi32, #tpu.memory_space<vmem>> -> memref<128xi32, #tpu.memory_space<vmem>>
    %dma_wait3A_684 = arith.constant 0 : i32
    %dma_wait3A_685 = tpu.memref_slice %arg4[%dma_wait3A_684] : memref<100001xi32, #tpu.memory_space<hbm>> -> memref<100001xi32, #tpu.memory_space<hbm>>
    tpu.wait_indirect_dma semaphore(%arg12 : memref<!tpu.dma_semaphore, #tpu.memory_space<semaphore_mem>>) src(%dma_wait3A_685 : memref<100001xi32, #tpu.memory_space<hbm>>) dst(%dma_wait3A_681 : memref<128xi32, #tpu.memory_space<vmem>>)
    %dma_wait3A_686 = arith.constant 1 : i32
    %dma_wait3A_687 = arith.constant 256 : i32
    %dma_wait3A_688 = tpu.memref_slice %arg11[%dma_wait3A_686, %dma_wait3A_687] : memref<8x512xi32, #tpu.memory_space<vmem>> -> memref<1x128xi32, #tpu.memory_space<vmem>>
    %dma_wait3A_689 = tpu.memref_squeeze %dma_wait3A_688 : memref<1x128xi32, #tpu.memory_space<vmem>> -> memref<128xi32, #tpu.memory_space<vmem>>
    %dma_wait3A_690 = arith.constant 256 : i32
    %dma_wait3A_691 = tpu.memref_slice %arg9[%dma_wait3A_690] : memref<512xi32, #tpu.memory_space<vmem>> -> memref<128xi32, #tpu.memory_space<vmem>>
    %dma_wait3A_692 = arith.constant 0 : i32
    %dma_wait3A_693 = tpu.memref_slice %arg5[%dma_wait3A_692] : memref<100001xi32, #tpu.memory_space<hbm>> -> memref<100001xi32, #tpu.memory_space<hbm>>
    tpu.wait_indirect_dma semaphore(%arg12 : memref<!tpu.dma_semaphore, #tpu.memory_space<semaphore_mem>>) src(%dma_wait3A_693 : memref<100001xi32, #tpu.memory_space<hbm>>) dst(%dma_wait3A_689 : memref<128xi32, #tpu.memory_space<vmem>>)
    %dma_wait3A_694 = arith.constant 2 : i32
    %dma_wait3A_695 = arith.constant 256 : i32
    %dma_wait3A_696 = tpu.memref_slice %arg11[%dma_wait3A_694, %dma_wait3A_695] : memref<8x512xi32, #tpu.memory_space<vmem>> -> memref<1x128xi32, #tpu.memory_space<vmem>>
    %dma_wait3A_697 = tpu.memref_squeeze %dma_wait3A_696 : memref<1x128xi32, #tpu.memory_space<vmem>> -> memref<128xi32, #tpu.memory_space<vmem>>
    %dma_wait3A_698 = arith.constant 256 : i32
    %dma_wait3A_699 = tpu.memref_slice %arg9[%dma_wait3A_698] : memref<512xi32, #tpu.memory_space<vmem>> -> memref<128xi32, #tpu.memory_space<vmem>>
    %dma_wait3A_700 = arith.constant 0 : i32
    %dma_wait3A_701 = tpu.memref_slice %arg6[%dma_wait3A_700] : memref<100001xi32, #tpu.memory_space<hbm>> -> memref<100001xi32, #tpu.memory_space<hbm>>
    tpu.wait_indirect_dma semaphore(%arg12 : memref<!tpu.dma_semaphore, #tpu.memory_space<semaphore_mem>>) src(%dma_wait3A_701 : memref<100001xi32, #tpu.memory_space<hbm>>) dst(%dma_wait3A_697 : memref<128xi32, #tpu.memory_space<vmem>>)
    %dma_wait3A_702 = arith.constant 0 : i32
    %dma_wait3A_703 = arith.constant 384 : i32
    %dma_wait3A_704 = tpu.memref_slice %arg11[%dma_wait3A_702, %dma_wait3A_703] : memref<8x512xi32, #tpu.memory_space<vmem>> -> memref<1x128xi32, #tpu.memory_space<vmem>>
    %dma_wait3A_705 = tpu.memref_squeeze %dma_wait3A_704 : memref<1x128xi32, #tpu.memory_space<vmem>> -> memref<128xi32, #tpu.memory_space<vmem>>
    %dma_wait3A_706 = arith.constant 384 : i32
    %dma_wait3A_707 = tpu.memref_slice %arg9[%dma_wait3A_706] : memref<512xi32, #tpu.memory_space<vmem>> -> memref<128xi32, #tpu.memory_space<vmem>>
    %dma_wait3A_708 = arith.constant 0 : i32
    %dma_wait3A_709 = tpu.memref_slice %arg4[%dma_wait3A_708] : memref<100001xi32, #tpu.memory_space<hbm>> -> memref<100001xi32, #tpu.memory_space<hbm>>
    tpu.wait_indirect_dma semaphore(%arg12 : memref<!tpu.dma_semaphore, #tpu.memory_space<semaphore_mem>>) src(%dma_wait3A_709 : memref<100001xi32, #tpu.memory_space<hbm>>) dst(%dma_wait3A_705 : memref<128xi32, #tpu.memory_space<vmem>>)
    %dma_wait3A_710 = arith.constant 1 : i32
    %dma_wait3A_711 = arith.constant 384 : i32
    %dma_wait3A_712 = tpu.memref_slice %arg11[%dma_wait3A_710, %dma_wait3A_711] : memref<8x512xi32, #tpu.memory_space<vmem>> -> memref<1x128xi32, #tpu.memory_space<vmem>>
    %dma_wait3A_713 = tpu.memref_squeeze %dma_wait3A_712 : memref<1x128xi32, #tpu.memory_space<vmem>> -> memref<128xi32, #tpu.memory_space<vmem>>
    %dma_wait3A_714 = arith.constant 384 : i32
    %dma_wait3A_715 = tpu.memref_slice %arg9[%dma_wait3A_714] : memref<512xi32, #tpu.memory_space<vmem>> -> memref<128xi32, #tpu.memory_space<vmem>>
    %dma_wait3A_716 = arith.constant 0 : i32
    %dma_wait3A_717 = tpu.memref_slice %arg5[%dma_wait3A_716] : memref<100001xi32, #tpu.memory_space<hbm>> -> memref<100001xi32, #tpu.memory_space<hbm>>
    tpu.wait_indirect_dma semaphore(%arg12 : memref<!tpu.dma_semaphore, #tpu.memory_space<semaphore_mem>>) src(%dma_wait3A_717 : memref<100001xi32, #tpu.memory_space<hbm>>) dst(%dma_wait3A_713 : memref<128xi32, #tpu.memory_space<vmem>>)
    %dma_wait3A_718 = arith.constant 2 : i32
    %dma_wait3A_719 = arith.constant 384 : i32
    %dma_wait3A_720 = tpu.memref_slice %arg11[%dma_wait3A_718, %dma_wait3A_719] : memref<8x512xi32, #tpu.memory_space<vmem>> -> memref<1x128xi32, #tpu.memory_space<vmem>>
    %dma_wait3A_721 = tpu.memref_squeeze %dma_wait3A_720 : memref<1x128xi32, #tpu.memory_space<vmem>> -> memref<128xi32, #tpu.memory_space<vmem>>
    %dma_wait3A_722 = arith.constant 384 : i32
    %dma_wait3A_723 = tpu.memref_slice %arg9[%dma_wait3A_722] : memref<512xi32, #tpu.memory_space<vmem>> -> memref<128xi32, #tpu.memory_space<vmem>>
    %dma_wait3A_724 = arith.constant 0 : i32
    %dma_wait3A_725 = tpu.memref_slice %arg6[%dma_wait3A_724] : memref<100001xi32, #tpu.memory_space<hbm>> -> memref<100001xi32, #tpu.memory_space<hbm>>
    tpu.wait_indirect_dma semaphore(%arg12 : memref<!tpu.dma_semaphore, #tpu.memory_space<semaphore_mem>>) src(%dma_wait3A_725 : memref<100001xi32, #tpu.memory_space<hbm>>) dst(%dma_wait3A_721 : memref<128xi32, #tpu.memory_space<vmem>>)
    "tpu.region"() ({
      %run_scoped3A = tpu.sem_alloc : memref<!tpu.dma_semaphore, #tpu.memory_space<semaphore_mem>>
      %dma_start3A_726 = arith.constant 0 : i32
      %dma_start3A_727 = tpu.memref_slice %arg7[%mul3A_2, %dma_start3A_726] : memref<16384x64xf32, #tpu.memory_space<hbm>> -> memref<512x64xf32, #tpu.memory_space<hbm>>
      %dma_start3A_728 = arith.constant 0 : i32
      %dma_start3A_729 = tpu.memref_slice %arg7[%mul3A_2, %dma_start3A_728] : memref<16384x64xf32, #tpu.memory_space<hbm>> -> memref<512x64xf32, #tpu.memory_space<hbm>>
      tpu.enqueue_dma source(%arg10 : memref<512x64xf32, #tpu.memory_space<vmem>>) target(%dma_start3A_729 : memref<512x64xf32, #tpu.memory_space<hbm>>) target_semaphore(%run_scoped3A : memref<!tpu.dma_semaphore, #tpu.memory_space<semaphore_mem>>)
      %dma_wait3A_730 = arith.constant 0 : i32
      %dma_wait3A_731 = tpu.memref_slice %arg7[%mul3A_2, %dma_wait3A_730] : memref<16384x64xf32, #tpu.memory_space<hbm>> -> memref<512x64xf32, #tpu.memory_space<hbm>>
      %dma_wait3A_732 = arith.constant 0 : i32
      %dma_wait3A_733 = tpu.memref_slice %arg7[%mul3A_2, %dma_wait3A_732] : memref<16384x64xf32, #tpu.memory_space<hbm>> -> memref<512x64xf32, #tpu.memory_space<hbm>>
      tpu.wait_dma2 semaphore(%run_scoped3A : memref<!tpu.dma_semaphore, #tpu.memory_space<semaphore_mem>>) src(%arg10 : memref<512x64xf32, #tpu.memory_space<vmem>>) dst(%dma_wait3A_733 : memref<512x64xf32, #tpu.memory_space<hbm>>)
      tpu.yield
    }) : () -> ()
    "tpu.region"() ({
      %run_scoped3A = tpu.sem_alloc : memref<!tpu.dma_semaphore, #tpu.memory_space<semaphore_mem>>
      %dma_start3A_726 = arith.constant 0 : i32
      %dma_start3A_727 = arith.constant 0 : i32
      %dma_start3A_728 = tpu.memref_slice %arg8[%add3A, %dma_start3A_726, %dma_start3A_727] : memref<32x8x512xi32, #tpu.memory_space<hbm>> -> memref<1x8x512xi32, #tpu.memory_space<hbm>>
      %dma_start3A_729 = tpu.memref_squeeze %dma_start3A_728 : memref<1x8x512xi32, #tpu.memory_space<hbm>> -> memref<8x512xi32, #tpu.memory_space<hbm>>
      %dma_start3A_730 = arith.constant 0 : i32
      %dma_start3A_731 = arith.constant 0 : i32
      %dma_start3A_732 = tpu.memref_slice %arg8[%add3A, %dma_start3A_730, %dma_start3A_731] : memref<32x8x512xi32, #tpu.memory_space<hbm>> -> memref<1x8x512xi32, #tpu.memory_space<hbm>>
      %dma_start3A_733 = tpu.memref_squeeze %dma_start3A_732 : memref<1x8x512xi32, #tpu.memory_space<hbm>> -> memref<8x512xi32, #tpu.memory_space<hbm>>
      tpu.enqueue_dma source(%arg11 : memref<8x512xi32, #tpu.memory_space<vmem>>) target(%dma_start3A_733 : memref<8x512xi32, #tpu.memory_space<hbm>>) target_semaphore(%run_scoped3A : memref<!tpu.dma_semaphore, #tpu.memory_space<semaphore_mem>>)
      %dma_wait3A_734 = arith.constant 0 : i32
      %dma_wait3A_735 = arith.constant 0 : i32
      %dma_wait3A_736 = tpu.memref_slice %arg8[%add3A, %dma_wait3A_734, %dma_wait3A_735] : memref<32x8x512xi32, #tpu.memory_space<hbm>> -> memref<1x8x512xi32, #tpu.memory_space<hbm>>
      %dma_wait3A_737 = tpu.memref_squeeze %dma_wait3A_736 : memref<1x8x512xi32, #tpu.memory_space<hbm>> -> memref<8x512xi32, #tpu.memory_space<hbm>>
      %dma_wait3A_738 = arith.constant 0 : i32
      %dma_wait3A_739 = arith.constant 0 : i32
      %dma_wait3A_740 = tpu.memref_slice %arg8[%add3A, %dma_wait3A_738, %dma_wait3A_739] : memref<32x8x512xi32, #tpu.memory_space<hbm>> -> memref<1x8x512xi32, #tpu.memory_space<hbm>>
      %dma_wait3A_741 = tpu.memref_squeeze %dma_wait3A_740 : memref<1x8x512xi32, #tpu.memory_space<hbm>> -> memref<8x512xi32, #tpu.memory_space<hbm>>
      tpu.wait_dma2 semaphore(%run_scoped3A : memref<!tpu.dma_semaphore, #tpu.memory_space<semaphore_mem>>) src(%arg11 : memref<8x512xi32, #tpu.memory_space<vmem>>) dst(%dma_wait3A_741 : memref<8x512xi32, #tpu.memory_space<hbm>>)
      tpu.yield
    }) : () -> ()
    return
  }
}

module attributes {stable_mosaic.version = 14 : i64} {
  func.func @_tc_body(%arg0: i32, %arg1: memref<4x8x512xi32, #tpu.memory_space<vmem>>, %arg2: memref<2048x64xf32, #tpu.memory_space<vmem>>, %arg3: memref<64x128xf32, #tpu.memory_space<vmem>>, %arg4: memref<128x128xf32, #tpu.memory_space<vmem>>, %arg5: memref<1x64xf32, #tpu.memory_space<vmem>>, %arg6: memref<1x64xf32, #tpu.memory_space<vmem>>, %arg7: memref<1x64xf32, #tpu.memory_space<vmem>>, %arg8: memref<1x64xf32, #tpu.memory_space<vmem>>, %arg9: memref<128x1xf32, #tpu.memory_space<vmem>>, %arg10: memref<128x1xf32, #tpu.memory_space<vmem>>, %arg11: memref<128x1xf32, #tpu.memory_space<vmem>>, %arg12: memref<128x1xf32, #tpu.memory_space<vmem>>, %arg13: memref<2048x128xf32, #tpu.memory_space<vmem>>) attributes {dimension_semantics = [#tpu.dimension_semantics<arbitrary>], iteration_bounds = array<i64: 8>, scalar_prefetch = 0 : i64, scratch_operands = 0 : i64, tpu.core_type = #tpu.core_type<tc>, window_params = [{transform_indices = @transform_0, window_bounds = array<i64: 4, 8, 512>}, {transform_indices = @transform_1, window_bounds = array<i64: 2048, 64>}, {pipeline_mode = #tpu.pipeline_mode<synchronous>, transform_indices = @transform_2, window_bounds = array<i64: 64, 128>}, {pipeline_mode = #tpu.pipeline_mode<synchronous>, transform_indices = @transform_3, window_bounds = array<i64: 128, 128>}, {pipeline_mode = #tpu.pipeline_mode<synchronous>, transform_indices = @transform_4, window_bounds = array<i64: 1, 64>}, {pipeline_mode = #tpu.pipeline_mode<synchronous>, transform_indices = @transform_5, window_bounds = array<i64: 1, 64>}, {pipeline_mode = #tpu.pipeline_mode<synchronous>, transform_indices = @transform_6, window_bounds = array<i64: 1, 64>}, {pipeline_mode = #tpu.pipeline_mode<synchronous>, transform_indices = @transform_7, window_bounds = array<i64: 1, 64>}, {pipeline_mode = #tpu.pipeline_mode<synchronous>, transform_indices = @transform_8, window_bounds = array<i64: 128, 1>}, {pipeline_mode = #tpu.pipeline_mode<synchronous>, transform_indices = @transform_9, window_bounds = array<i64: 128, 1>}, {pipeline_mode = #tpu.pipeline_mode<synchronous>, transform_indices = @transform_10, window_bounds = array<i64: 128, 1>}, {pipeline_mode = #tpu.pipeline_mode<synchronous>, transform_indices = @transform_11, window_bounds = array<i64: 128, 1>}, {transform_indices = @transform_12, window_bounds = array<i64: 2048, 128>}]} {
    %get3A = arith.constant 0 : index
    %get3A_0 = arith.constant 0 : index
    %get3A_1 = arith.constant 0 : index
    %get3A_2 = vector.load %arg1[%get3A, %get3A_0, %get3A_1] : memref<4x8x512xi32, #tpu.memory_space<vmem>>, vector<1x1x512xi32>
    %get3A_3 = vector.shape_cast %get3A_2 : vector<1x1x512xi32> to vector<1x512xi32>
    %get3A_4 = arith.constant 1 : index
    %get3A_5 = arith.constant 0 : index
    %get3A_6 = arith.constant 0 : index
    %get3A_7 = vector.load %arg1[%get3A_4, %get3A_5, %get3A_6] : memref<4x8x512xi32, #tpu.memory_space<vmem>>, vector<1x1x512xi32>
    %get3A_8 = vector.shape_cast %get3A_7 : vector<1x1x512xi32> to vector<1x512xi32>
    %get3A_9 = arith.constant 2 : index
    %get3A_10 = arith.constant 0 : index
    %get3A_11 = arith.constant 0 : index
    %get3A_12 = vector.load %arg1[%get3A_9, %get3A_10, %get3A_11] : memref<4x8x512xi32, #tpu.memory_space<vmem>>, vector<1x1x512xi32>
    %get3A_13 = vector.shape_cast %get3A_12 : vector<1x1x512xi32> to vector<1x512xi32>
    %get3A_14 = arith.constant 3 : index
    %get3A_15 = arith.constant 0 : index
    %get3A_16 = arith.constant 0 : index
    %get3A_17 = vector.load %arg1[%get3A_14, %get3A_15, %get3A_16] : memref<4x8x512xi32, #tpu.memory_space<vmem>>, vector<1x1x512xi32>
    %get3A_18 = vector.shape_cast %get3A_17 : vector<1x1x512xi32> to vector<1x512xi32>
    %concatenate3A = tpu.concatenate %get3A_3, %get3A_8, %get3A_13, %get3A_18 in 1 : vector<1x512xi32>, vector<1x512xi32>, vector<1x512xi32>, vector<1x512xi32> -> vector<1x2048xi32>
    %get3A_19 = arith.constant 0 : index
    %get3A_20 = arith.constant 1 : index
    %get3A_21 = arith.constant 0 : index
    %get3A_22 = vector.load %arg1[%get3A_19, %get3A_20, %get3A_21] : memref<4x8x512xi32, #tpu.memory_space<vmem>>, vector<1x1x512xi32>
    %get3A_23 = vector.shape_cast %get3A_22 : vector<1x1x512xi32> to vector<1x512xi32>
    %get3A_24 = arith.constant 1 : index
    %get3A_25 = arith.constant 1 : index
    %get3A_26 = arith.constant 0 : index
    %get3A_27 = vector.load %arg1[%get3A_24, %get3A_25, %get3A_26] : memref<4x8x512xi32, #tpu.memory_space<vmem>>, vector<1x1x512xi32>
    %get3A_28 = vector.shape_cast %get3A_27 : vector<1x1x512xi32> to vector<1x512xi32>
    %get3A_29 = arith.constant 2 : index
    %get3A_30 = arith.constant 1 : index
    %get3A_31 = arith.constant 0 : index
    %get3A_32 = vector.load %arg1[%get3A_29, %get3A_30, %get3A_31] : memref<4x8x512xi32, #tpu.memory_space<vmem>>, vector<1x1x512xi32>
    %get3A_33 = vector.shape_cast %get3A_32 : vector<1x1x512xi32> to vector<1x512xi32>
    %get3A_34 = arith.constant 3 : index
    %get3A_35 = arith.constant 1 : index
    %get3A_36 = arith.constant 0 : index
    %get3A_37 = vector.load %arg1[%get3A_34, %get3A_35, %get3A_36] : memref<4x8x512xi32, #tpu.memory_space<vmem>>, vector<1x1x512xi32>
    %get3A_38 = vector.shape_cast %get3A_37 : vector<1x1x512xi32> to vector<1x512xi32>
    %concatenate3A_39 = tpu.concatenate %get3A_23, %get3A_28, %get3A_33, %get3A_38 in 1 : vector<1x512xi32>, vector<1x512xi32>, vector<1x512xi32>, vector<1x512xi32> -> vector<1x2048xi32>
    %get3A_40 = arith.constant 0 : index
    %get3A_41 = arith.constant 2 : index
    %get3A_42 = arith.constant 0 : index
    %get3A_43 = vector.load %arg1[%get3A_40, %get3A_41, %get3A_42] : memref<4x8x512xi32, #tpu.memory_space<vmem>>, vector<1x1x512xi32>
    %get3A_44 = vector.shape_cast %get3A_43 : vector<1x1x512xi32> to vector<1x512xi32>
    %get3A_45 = arith.constant 1 : index
    %get3A_46 = arith.constant 2 : index
    %get3A_47 = arith.constant 0 : index
    %get3A_48 = vector.load %arg1[%get3A_45, %get3A_46, %get3A_47] : memref<4x8x512xi32, #tpu.memory_space<vmem>>, vector<1x1x512xi32>
    %get3A_49 = vector.shape_cast %get3A_48 : vector<1x1x512xi32> to vector<1x512xi32>
    %get3A_50 = arith.constant 2 : index
    %get3A_51 = arith.constant 2 : index
    %get3A_52 = arith.constant 0 : index
    %get3A_53 = vector.load %arg1[%get3A_50, %get3A_51, %get3A_52] : memref<4x8x512xi32, #tpu.memory_space<vmem>>, vector<1x1x512xi32>
    %get3A_54 = vector.shape_cast %get3A_53 : vector<1x1x512xi32> to vector<1x512xi32>
    %get3A_55 = arith.constant 3 : index
    %get3A_56 = arith.constant 2 : index
    %get3A_57 = arith.constant 0 : index
    %get3A_58 = vector.load %arg1[%get3A_55, %get3A_56, %get3A_57] : memref<4x8x512xi32, #tpu.memory_space<vmem>>, vector<1x1x512xi32>
    %get3A_59 = vector.shape_cast %get3A_58 : vector<1x1x512xi32> to vector<1x512xi32>
    %concatenate3A_60 = tpu.concatenate %get3A_44, %get3A_49, %get3A_54, %get3A_59 in 1 : vector<1x512xi32>, vector<1x512xi32>, vector<1x512xi32>, vector<1x512xi32> -> vector<1x2048xi32>
    %iota3A = tpu.iota {dimensions = array<i32: 0>} : vector<128x2048xi32>
    %eq3A = vector.broadcast %concatenate3A : vector<1x2048xi32> to vector<128x2048xi32>
    %eq3A_61 = arith.cmpi eq, %iota3A, %eq3A : vector<128x2048xi32>
    %add3A = arith.constant 19 : i32
    %add3A_62 = vector.broadcast %add3A : i32 to vector<1x2048xi32>
    %add3A_63 = arith.addi %concatenate3A_39, %add3A_62 : vector<1x2048xi32>
    %eq3A_64 = vector.broadcast %add3A_63 : vector<1x2048xi32> to vector<128x2048xi32>
    %eq3A_65 = arith.cmpi eq, %iota3A, %eq3A_64 : vector<128x2048xi32>
    %or3A = arith.ori %eq3A_61, %eq3A_65 : vector<128x2048xi1>
    %add3A_66 = arith.constant 49 : i32
    %add3A_67 = vector.broadcast %add3A_66 : i32 to vector<1x2048xi32>
    %add3A_68 = arith.addi %concatenate3A_60, %add3A_67 : vector<1x2048xi32>
    %eq3A_69 = vector.broadcast %add3A_68 : vector<1x2048xi32> to vector<128x2048xi32>
    %eq3A_70 = arith.cmpi eq, %iota3A, %eq3A_69 : vector<128x2048xi32>
    %or3A_71 = arith.ori %or3A, %eq3A_70 : vector<128x2048xi1>
    %get3A_72 = arith.constant 0 : index
    %get3A_73 = arith.constant 0 : index
    %get3A_74 = vector.load %arg9[%get3A_72, %get3A_73] : memref<128x1xf32, #tpu.memory_space<vmem>>, vector<128x1xf32>
    %get3A_75 = arith.constant 0 : index
    %get3A_76 = arith.constant 0 : index
    %get3A_77 = vector.load %arg12[%get3A_75, %get3A_76] : memref<128x1xf32, #tpu.memory_space<vmem>>, vector<128x1xf32>
    %add3A_78 = arith.constant 1.000000e-03 : f32
    %add3A_79 = vector.broadcast %add3A_78 : f32 to vector<128x1xf32>
    %add3A_80 = arith.addf %get3A_77, %add3A_79 : vector<128x1xf32>
    %rsqrt3A = math.rsqrt %add3A_80 : vector<128x1xf32>
    %mul3A = arith.mulf %get3A_74, %rsqrt3A : vector<128x1xf32>
    %get3A_81 = arith.constant 0 : index
    %get3A_82 = arith.constant 0 : index
    %get3A_83 = vector.load %arg10[%get3A_81, %get3A_82] : memref<128x1xf32, #tpu.memory_space<vmem>>, vector<128x1xf32>
    %get3A_84 = arith.constant 0 : index
    %get3A_85 = arith.constant 0 : index
    %get3A_86 = vector.load %arg11[%get3A_84, %get3A_85] : memref<128x1xf32, #tpu.memory_space<vmem>>, vector<128x1xf32>
    %mul3A_87 = arith.mulf %get3A_86, %mul3A : vector<128x1xf32>
    %sub3A = arith.subf %get3A_83, %mul3A_87 : vector<128x1xf32>
    %add3A_88 = arith.addf %mul3A, %sub3A : vector<128x1xf32>
    %broadcast_in_dim3A = vector.shape_cast %add3A_88 : vector<128x1xf32> to vector<128x1xf32>
    %broadcast_in_dim3A_89 = vector.broadcast %broadcast_in_dim3A : vector<128x1xf32> to vector<128x2048xf32>
    %broadcast_in_dim3A_90 = vector.shape_cast %sub3A : vector<128x1xf32> to vector<128x1xf32>
    %broadcast_in_dim3A_91 = vector.broadcast %broadcast_in_dim3A_90 : vector<128x1xf32> to vector<128x2048xf32>
    %select_n3A = arith.select %or3A_71, %broadcast_in_dim3A_89, %broadcast_in_dim3A_91 : vector<128x2048xi1>, vector<128x2048xf32>
    %get3A_92 = arith.constant 0 : index
    %get3A_93 = arith.constant 0 : index
    %get3A_94 = vector.load %arg5[%get3A_92, %get3A_93] : memref<1x64xf32, #tpu.memory_space<vmem>>, vector<1x64xf32>
    %get3A_95 = arith.constant 0 : index
    %get3A_96 = arith.constant 0 : index
    %get3A_97 = vector.load %arg8[%get3A_95, %get3A_96] : memref<1x64xf32, #tpu.memory_space<vmem>>, vector<1x64xf32>
    %add3A_98 = arith.constant 1.000000e-03 : f32
    %add3A_99 = vector.broadcast %add3A_98 : f32 to vector<1x64xf32>
    %add3A_100 = arith.addf %get3A_97, %add3A_99 : vector<1x64xf32>
    %rsqrt3A_101 = math.rsqrt %add3A_100 : vector<1x64xf32>
    %mul3A_102 = arith.mulf %get3A_94, %rsqrt3A_101 : vector<1x64xf32>
    %get3A_103 = arith.constant 0 : index
    %get3A_104 = arith.constant 0 : index
    %get3A_105 = vector.load %arg6[%get3A_103, %get3A_104] : memref<1x64xf32, #tpu.memory_space<vmem>>, vector<1x64xf32>
    %get3A_106 = arith.constant 0 : index
    %get3A_107 = arith.constant 0 : index
    %get3A_108 = vector.load %arg7[%get3A_106, %get3A_107] : memref<1x64xf32, #tpu.memory_space<vmem>>, vector<1x64xf32>
    %mul3A_109 = arith.mulf %get3A_108, %mul3A_102 : vector<1x64xf32>
    %sub3A_110 = arith.subf %get3A_105, %mul3A_109 : vector<1x64xf32>
    %get3A_111 = arith.constant 0 : index
    %get3A_112 = arith.constant 0 : index
    %get3A_113 = vector.load %arg2[%get3A_111, %get3A_112] : memref<2048x64xf32, #tpu.memory_space<vmem>>, vector<2048x64xf32>
    %mul3A_114 = vector.broadcast %mul3A_102 : vector<1x64xf32> to vector<2048x64xf32>
    %mul3A_115 = arith.mulf %get3A_113, %mul3A_114 : vector<2048x64xf32>
    %add3A_116 = vector.broadcast %sub3A_110 : vector<1x64xf32> to vector<2048x64xf32>
    %add3A_117 = arith.addf %mul3A_115, %add3A_116 : vector<2048x64xf32>
    %get3A_118 = arith.constant 0 : index
    %get3A_119 = arith.constant 0 : index
    %get3A_120 = vector.load %arg3[%get3A_118, %get3A_119] : memref<64x128xf32, #tpu.memory_space<vmem>>, vector<64x128xf32>
    %dot_general3A = arith.constant dense<0.000000e+00> : vector<2048x128xf32>
    %dot_general3A_121 = tpu.matmul %add3A_117, %get3A_120, %dot_general3A {dimension_numbers = #tpu.dot_dimension_numbers<[1], [0], [0], [1], [0, 0, 1, 1], [], []>, transpose_lhs_hint = false} : vector<2048x64xf32>, vector<64x128xf32>, vector<2048x128xf32> -> vector<2048x128xf32>
    %get3A_122 = arith.constant 0 : index
    %get3A_123 = arith.constant 0 : index
    %get3A_124 = vector.load %arg4[%get3A_122, %get3A_123] : memref<128x128xf32, #tpu.memory_space<vmem>>, vector<128x128xf32>
    %dot_general3A_125 = arith.constant dense<0.000000e+00> : vector<2048x128xf32>
    %dot_general3A_126 = tpu.matmul %select_n3A, %get3A_124, %dot_general3A_125 {dimension_numbers = #tpu.dot_dimension_numbers<[0], [0], [1], [1], [0, 1, 1, 1], [], []>, transpose_lhs_hint = false} : vector<128x2048xf32>, vector<128x128xf32>, vector<2048x128xf32> -> vector<2048x128xf32>
    %add3A_127 = arith.addf %dot_general3A_121, %dot_general3A_126 : vector<2048x128xf32>
    %swap3A = arith.constant 0 : index
    %swap3A_128 = arith.constant 0 : index
    %swap3A_129 = vector.load %arg13[%swap3A, %swap3A_128] : memref<2048x128xf32, #tpu.memory_space<vmem>>, vector<2048x128xf32>
    tpu.vector_store %arg13[%swap3A, %swap3A_128], %add3A_127 {strides = array<i32>} : memref<2048x128xf32, #tpu.memory_space<vmem>>, vector<2048x128xf32>,
    return
  }
  func.func @transform_0(%arg0: i32) -> (i32, i32, i32) {
    %c0_i32 = arith.constant 0 : i32
    %c0_i32_0 = arith.constant 0 : i32
    %c0_i32_1 = arith.constant 0 : i32
    return %arg0, %c0_i32, %c0_i32_0 : i32, i32, i32
  }
  func.func @transform_1(%arg0: i32) -> (i32, i32) {
    %c0_i32 = arith.constant 0 : i32
    %c0_i32_0 = arith.constant 0 : i32
    return %arg0, %c0_i32 : i32, i32
  }
  func.func @transform_2(%arg0: i32) -> (i32, i32) {
    %c0_i32 = arith.constant 0 : i32
    %c0_i32_0 = arith.constant 0 : i32
    %c0_i32_1 = arith.constant 0 : i32
    return %c0_i32, %c0_i32_0 : i32, i32
  }
  func.func @transform_3(%arg0: i32) -> (i32, i32) {
    %c0_i32 = arith.constant 0 : i32
    %c0_i32_0 = arith.constant 0 : i32
    %c0_i32_1 = arith.constant 0 : i32
    return %c0_i32, %c0_i32_0 : i32, i32
  }
  func.func @transform_4(%arg0: i32) -> (i32, i32) {
    %c0_i32 = arith.constant 0 : i32
    %c0_i32_0 = arith.constant 0 : i32
    %c0_i32_1 = arith.constant 0 : i32
    return %c0_i32, %c0_i32_0 : i32, i32
  }
  func.func @transform_5(%arg0: i32) -> (i32, i32) {
    %c0_i32 = arith.constant 0 : i32
    %c0_i32_0 = arith.constant 0 : i32
    %c0_i32_1 = arith.constant 0 : i32
    return %c0_i32, %c0_i32_0 : i32, i32
  }
  func.func @transform_6(%arg0: i32) -> (i32, i32) {
    %c0_i32 = arith.constant 0 : i32
    %c0_i32_0 = arith.constant 0 : i32
    %c0_i32_1 = arith.constant 0 : i32
    return %c0_i32, %c0_i32_0 : i32, i32
  }
  func.func @transform_7(%arg0: i32) -> (i32, i32) {
    %c0_i32 = arith.constant 0 : i32
    %c0_i32_0 = arith.constant 0 : i32
    %c0_i32_1 = arith.constant 0 : i32
    return %c0_i32, %c0_i32_0 : i32, i32
  }
  func.func @transform_8(%arg0: i32) -> (i32, i32) {
    %c0_i32 = arith.constant 0 : i32
    %c0_i32_0 = arith.constant 0 : i32
    %c0_i32_1 = arith.constant 0 : i32
    return %c0_i32, %c0_i32_0 : i32, i32
  }
  func.func @transform_9(%arg0: i32) -> (i32, i32) {
    %c0_i32 = arith.constant 0 : i32
    %c0_i32_0 = arith.constant 0 : i32
    %c0_i32_1 = arith.constant 0 : i32
    return %c0_i32, %c0_i32_0 : i32, i32
  }
  func.func @transform_10(%arg0: i32) -> (i32, i32) {
    %c0_i32 = arith.constant 0 : i32
    %c0_i32_0 = arith.constant 0 : i32
    %c0_i32_1 = arith.constant 0 : i32
    return %c0_i32, %c0_i32_0 : i32, i32
  }
  func.func @transform_11(%arg0: i32) -> (i32, i32) {
    %c0_i32 = arith.constant 0 : i32
    %c0_i32_0 = arith.constant 0 : i32
    %c0_i32_1 = arith.constant 0 : i32
    return %c0_i32, %c0_i32_0 : i32, i32
  }
  func.func @transform_12(%arg0: i32) -> (i32, i32) {
    %c0_i32 = arith.constant 0 : i32
    %c0_i32_0 = arith.constant 0 : i32
    return %arg0, %c0_i32 : i32, i32
  }
}

</mosaic_0001>

<sc_bundles>
// kernel: kernel.4.cloned.1.call-start
scs
__scs_entry_jumppad:
0x0: {  	(pc) =	sbr.rel $0x88, $3  }
0x1: {  	(tag) =	ssettag $0x0;
	lr =	simm.s32 $0x1  }
0x2: {  	[smem:$0x3F97] =	sst lr;
	_ =	strace $0xD0000000  }
0x3: {  	_ = 	snop  }
0x4: {  	_ = 	snop  }
0x5: {  	_ = 	snop  }
0x6: {  	_ = 	snop  }
0x7: {  	_ = 	snop  }
__scs_overlays_trampoline_lowered:
0x8: {  	[smem:$0x3FA6] =	sst s0  }
0x9: {  	[smem:$0x3FA7] =	sst s1  }
0xa: {  	[smem:$0x3FA8] =	sst s2  }
0xb: {  	[smem:$0x3FA9] =	sst s3  }
0xc: {  	[smem:$0x3FAA] =	sst s4  }
0xd: {  	[smem:$0x3FAB] =	sst s5  }
0xe: {  	[smem:$0x3FAC] =	sst s6  }
0xf: {  	[smem:$0x3FAD] =	sst s7  }
0x10: {  	[smem:$0x3FAE] =	sst s8  }
0x11: {  	[smem:$0x3FAF] =	sst s9;
	s0 =	simm.s32 @!p0 $0x0  }
0x12: {  	s1 =	sld [smem:$0x3F95];
	s0 =	simm.s32 @p0 $0x1  }
0x13: {  	[smem:$0x3FB0] =	sst s0;
	s0 =	simm.s32 @!p1 $0x0  }
0x14: {  	s2 =	sld [smem:$0x3F94];
	s0 =	simm.s32 @p1 $0x1  }
0x15: {  	[smem:$0x3FB1] =	sst s0;
	s0 =	simm.s32 @!p2 $0x0  }
0x16: {  	s3 =	sld [smem:$0x3FDB];
	s0 =	simm.s32 @p2 $0x1  }
0x17: {  	s4 =	simm.s32 $0x1BF5;
	[smem:$0x3FB3] =	sst s0  }
0x18: {  	s0 =	sld [smem:$0x3F96];
	_ =	swait.ge [sflag:s4], $0x0  }
0x19: {  	s7 =	sld [smem:$0x3F97]  }
0x1a: {  	s8 =	sadd.s32 $0xFFFFE003, lr  }
0x1b: {  	s9 =	sadd.s32 $0xFFFFFEF7, lr;
	s5 =	simm.s32 $0xFFFFFFFF;
	p2 =	slt.u32 s8, $0xFFFFF086  }
0x1c: {  	p1 =	slt.u32 s9, $0xF7A;
	s5 =	simm.s32 @!p2 $0x0  }
0x1d: {  	s5 =	simm.s32 @p1 $0x1;
	p0 =	seq.s32 s7, s2  }
0x1e: {  	s7 =	smul.u32 @!p0 $0xF7A, s2;
	p2 =	seq.s32 @!p0 s5, $0x0  }
0x1f: {  	s9 =	smul.u32 $0xF7A, s1;
	s8 =	simm.s32 @!p0 $0x1BF5;
	p2 =	por !p2, p0  }
0x20: {  	[sflag:s8] =	ssyncset.s32 @!p0 $0xFFFFF086;
	s6 =	sadd.s32 @!p0 s3, s7;
	s7 =	simm.s32 @!p0 $0x108  }
0x21: {  	s3 =	sadd.s32 s3, s9;
	s6 =	sadd.s32 @!p0 $0x88, s6;
	s7 =	simm.s32 @p2 $0x1082  }
0x22: {  	[simem:s7], [sflag:s8] =	dma.local @!p0 [hbm:s6], $0xF7A  }
0x23: {  	s9 =	sor.u32 $0xD0000000, s2;
	s6 =	simm.s32 $0x108;
	_ =	swait.ge @!p0 [sflag:s8], $0x0  }
0x24: {  	s3 =	sadd.s32 $0x88, s3;
	s6 =	simm.s32 @!p1 $0x1082;
	[sflag:s4] =	ssyncset.s32 $0xFFFFF086  }
0x25: {  	[simem:s6], [sflag:s4] =	dma.local [hbm:s3], $0xF7A  }
0x26: {  	[smem:$0x3F97] =	sst s1;
	(tag) =	ssettag s2;
	_ =	strace s9  }
0x27: {  	s1 =	sld [smem:$0x3FA7]  }
0x28: {  	s2 =	sld [smem:$0x3FA8]  }
0x29: {  	s4 =	sld [smem:$0x3FAA]  }
0x2a: {  	p0 =	seq.s32 s5, $0x0;
	s5 =	sld [smem:$0x3FAB]  }
0x2b: {  	s6 =	sld [smem:$0x3FAC]  }
0x2c: {  	s7 =	sld [smem:$0x3FAD]  }
0x2d: {  	s3 =	simm.s32 $0x108;
	s8 =	sld [smem:$0x3FAE]  }
0x2e: {  	s3 =	simm.s32 @!p0 $0x1082;
	s9 =	sld [smem:$0x3FAF]  }
0x2f: {  	lr =	sadd.s32 s0, s3;
	s0 =	sld [smem:$0x3FA6]  }
0x30: {  	s3 =	sld [smem:$0x3FA9]  }
0x31: {  	[smem:$0x3FB2] =	sst s10  }
0x32: {  	s10 =	sld [smem:$0x3FB0];
	_ =	sdelay $0x3  }
0x33: {  	p0 =	seq.s32 s10, $0x1;
	s10 =	sld [smem:$0x3FB2];
	_ =	sdelay $0x3  }
0x34: {  	[smem:$0x3FB2] =	sst s10  }
0x35: {  	s10 =	sld [smem:$0x3FB1];
	_ =	sdelay $0x3  }
0x36: {  	p1 =	seq.s32 s10, $0x1;
	s10 =	sld [smem:$0x3FB2];
	_ =	sdelay $0x3  }
0x37: {  	[smem:$0x3FB2] =	sst s10  }
0x38: {  	s10 =	sld [smem:$0x3FB3]  }
0x39: {  	_ = 	snop;
	(pc) =	sbr.ind lr, $3  }
0x3a: {  	_ = 	snop  }
0x3b: {  	_ = 	snop  }
0x3c: {  	p2 =	seq.s32 s10, $0x1;
	s10 =	sld [smem:$0x3FB2]  }
0x3d: {  	_ =	shalt  }
0x3e: {  	_ =	shalt  }
0x3f: {  	_ =	shalt  }
0x40: {  	_ =	shalt  }
0x41: {  	_ =	shalt  }
0x42: {  	_ =	shalt  }
0x43: {  	_ =	shalt  }
0x44: {  	_ =	shalt  }
0x45: {  	_ =	shalt  }
0x46: {  	_ =	shalt  }
0x47: {  	_ =	shalt  }
0x48: {  	_ =	shalt  }
0x49: {  	_ =	shalt  }
0x4a: {  	_ =	shalt  }
0x4b: {  	_ =	shalt  }
0x4c: {  	_ =	shalt  }
0x4d: {  	_ =	shalt  }
0x4e: {  	_ =	shalt  }
0x4f: {  	_ =	shalt  }
0x50: {  	_ =	shalt  }
0x51: {  	_ =	shalt  }
0x52: {  	_ =	shalt  }
0x53: {  	_ =	shalt  }
0x54: {  	_ =	shalt  }
0x55: {  	_ =	shalt  }
0x56: {  	_ =	shalt  }
0x57: {  	_ =	shalt  }
0x58: {  	_ =	shalt  }
0x59: {  	_ =	shalt  }
0x5a: {  	_ =	shalt  }
0x5b: {  	_ =	shalt  }
0x5c: {  	_ =	shalt  }
0x5d: {  	_ =	shalt  }
0x5e: {  	_ =	shalt  }
0x5f: {  	_ =	shalt  }
0x60: {  	_ =	shalt  }
0x61: {  	_ =	shalt  }
0x62: {  	_ =	shalt  }
0x63: {  	_ =	shalt  }
0x64: {  	_ =	shalt  }
0x65: {  	_ =	shalt  }
0x66: {  	_ =	shalt  }
0x67: {  	_ =	shalt  }
0x68: {  	_ =	shalt  }
0x69: {  	_ =	shalt  }
0x6a: {  	_ =	shalt  }
0x6b: {  	_ =	shalt  }
0x6c: {  	_ =	shalt  }
0x6d: {  	_ =	shalt  }
0x6e: {  	_ =	shalt  }
0x6f: {  	_ =	shalt  }
0x70: {  	_ =	shalt  }
0x71: {  	_ =	shalt  }
0x72: {  	_ =	shalt  }
0x73: {  	_ =	shalt  }
0x74: {  	_ =	shalt  }
0x75: {  	_ =	shalt  }
0x76: {  	_ =	shalt  }
0x77: {  	_ =	shalt  }
0x78: {  	_ =	shalt  }
0x79: {  	_ =	shalt  }
0x7a: {  	_ =	shalt  }
0x7b: {  	_ =	shalt  }
0x7c: {  	_ =	shalt  }
0x7d: {  	_ =	shalt  }
0x7e: {  	_ =	shalt  }
0x7f: {  	_ =	shalt  }
0x80: {  	_ =	shalt  }
0x81: {  	_ =	shalt  }
0x82: {  	_ =	shalt  }
0x83: {  	_ =	shalt  }
0x84: {  	_ =	shalt  }
0x85: {  	_ =	shalt  }
0x86: {  	_ =	shalt  }
0x87: {  	_ =	shalt  }
.Lfunc_end0:
.L_simem_size_0:
called_computation_lowered:
.L_overlay_start_0:
0x88: {  	s2 =	sld [smem:$0x3FD9]  }
0x89: {  	s3 =	sld [smem:$0x3FFE];
	_ =	sdelay $0x1  }
0x8a: {  	s1 =	srdreg.scid  }
0x8b: {  	s0 =	sand.u32 $0x1, s1  }
0x8c: {  	s17 =	sshll.u32 s0, $0xA;
	s2 =	sadd.s32 s3, s2  }
0x8d: {  	s2 =	sadd.s32 s2, s17  }
0x8e: {  	[smem:$0x3FBE] =	sst s2  }
0x8f: {  	_ = 	snop  }
0x90: {  	s2 =	sld [smem:$0x3FC9]  }
0x91: {  	s18 =	sld [smem:$0x3FC7]  }
0x92: {  	s4 =	sld [smem:$0x3FC6]  }
0x93: {  	s5 =	sld [smem:$0x3FC5]  }
0x94: {  	s6 =	sld [smem:$0x3FD0];
	(tm) =	ssettm $0x1  }
0x95: {  	s7 =	sld [smem:$0x3FFB];
	_ =	sdelay $0x3  }
0x96: {  	_ =	strace s7  }
0x97: {  	s7 =	sld [smem:$0x3FFC];
	_ =	sdelay $0x3  }
0x98: {  	_ =	strace s7  }
0x99: {  	s7 =	sld [smem:$0x3FFD];
	_ =	sdelay $0x3  }
0x9a: {  	_ =	strace s7  }
0x9b: {  	_ =	strace $0x8FFFFFFF  }
0x9c: {  	s19 =	sld [smem:$0x3FDB];
	_ =	sdelay $0x1  }
0x9d: {  	s8 =	simm.s32 $_scs_section_size  }
0x9e: {  	s9 =	simm.s32 $_size__tile_overlayer_lowered;
	s10 =	simm.s32 $_tile_overlayer_lowered  }
0x9f: {  	s22 =	simm.s32 $0x1BFF;
	s21 =	sshll.u32 s10, $0x1;
	s7 =	sadd.s32 s8, s19  }
0xa0: {  	s11 =	simm.s32 $0x0;
	s20 =	sshll.u32 s9, $0x1;
	s9 =	sadd.s32 s21, s7  }
0xa1: {  	[timem:s11], [sflag:s22] =	dma.local [hbm:s9], s20  }
0xa2: {  	_ =	swait.ge [sflag:s22], s20  }
0xa3: {  	s8 =	ssub.s32 $0x0, s20;
	[sflag:s22] =	ssyncset.done $0x0  }
0xa4: {  	[sflag:s22] =	ssyncadd.s32 s8;
	_ =	sdelay $0x1  }
0xa5: {  	s23 =	simm.s32 $0x1B8B  }
0xa6: {  	_ =	swait.ge [sflag:s23], $0x1  }
0xa7: {  	[sflag:s23] =	ssyncset.done $0x0  }
0xa8: {  	s25 =	simm.s32 $0x1B8E;
	s24 =	sld [smem:$0x3FFE];
	[sflag:s23] =	ssyncadd.s32 $0xFFFFFFFF  }
0xa9: {  	s26 =	simm.s32 $execute0_lowered;
	[smem:$0x3FD2] =	sst s25  }
0xaa: {  	s9 =	sshll.u32 s26, $0x1;
	_ =	strace $0x80000046;
	[dreg:$0x1] =	wrdreg $0xFFFFFFFF  }
0xab: {  	s28 =	simm.s32 $_size_execute0_lowered;
	s7 =	sadd.s32 s7, s9;
	[dreg:$0x0] =	wrdreg $0x0  }
0xac: {  	s9 =	sshll.u32 s28, $0x1;
	[dreg:$0x2] =	wrdreg s7  }
0xad: {  	[dreg:$0x3] =	wrdreg s9  }
0xae: {  	[dreg:$0x4] =	wrdreg $0xC0  }
0xaf: {  	_ =	task [dreg:s11], $0x5FFFF  }
0xb0: {  	[dreg:$0x1] =	wrdreg $0xFFFFFFFF  }
0xb1: {  	[dreg:$0x0] =	wrdreg $0x60  }
0xb2: {  	[dreg:$0x2] =	wrdreg s2  }
0xb3: {  	[dreg:$0x3] =	wrdreg s24  }
0xb4: {  	[dreg:$0x4] =	wrdreg s18  }
0xb5: {  	[dreg:$0x5] =	wrdreg s4  }
0xb6: {  	[dreg:$0x6] =	wrdreg s5  }
0xb7: {  	[dreg:$0x7] =	wrdreg s6  }
0xb8: {  	[dreg:$0x8] =	wrdreg $0x9  }
0xb9: {  	_ =	task.clear_ibuf [dreg:s11], $0x9FFFF;
	_ =	strace $0x90000046  }
0xba: {  	s29 =	simm.s32 $0x9;
	_ =	strace $0x80000048  }
0xbb: {  	_ =	swait.ge [sflag:s29], $0x1  }
0xbc: {  	[sflag:s29] =	ssyncadd.s32 $0xFFFFFFFF  }
0xbd: {  	_ =	strace $0x90000048  }
0xbe: {  	_ =	sfence  }
0xbf: {  	s30 =	sld [smem:$0x0];
	_ =	sdelay $0x2  }
0xc0: {  	s31 =	sshll.u32 s1, $0xD;
	s1 =	sshrl.u32 s1, $0x2  }
0xc1: {  	s3 =	sand.u32 $0x4000, s31;
	s1 =	sadd.s32 s1, s30  }
0xc2: {  	s0 =	sor.u32 s3, s0;
	s1 =	sshll.u32 s1, $0x11  }
0xc3: {  	s0 =	sor.u32 s1, s0  }
0xc4: {  	s0 =	sadd.s32 $0x8F2B, s0  }
0xc5: {  	[sflag:s0] =	ssyncadd.remote.s32 $0x1  }
0xc6: {  	_ =	sfence.sel $0xFFFF  }
0xc7: {  	[dreg:$0x0] =	wrdreg $0xFFFFFFFF;
	(pc) =	sbr.abs _section_cstart, $3  }
0xc8: {  	[dreg:$0x1] =	wrdreg $0xFFFFFFFF  }
0xc9: {  	_ =	task.clear_ibuf [dreg:s11], $0x2FFFF;
	_ =	strace $0x9FFFFFFF  }
0xca: {  	(tm) =	ssettm $0x7FFFFFFF  }
0xcb: {  	_ =	shalt  }
tec
execute0_lowered:
.L_overlay_start_1:
0x0: {  	(tag) =	ssettag $0x1  }
0x1: {  	s0 =	rddreg [dreg:$0x0]  }
0x2: {  	s3 =	rddreg [dreg:$0x1]  }
0x3: {  	s2 =	rddreg [dreg:$0x3]  }
0x4: {  	s4 =	rddreg [dreg:$0x4]  }
0x5: {  	s8 =	rddreg [dreg:$0x5]  }
0x6: {  	s6 =	srdreg.scid;
	s1 =	stileid.u32;
	s5 =	simm.s32 $0x0  }
0x7: {  	s12 =	simm.s32 $0x80;
	s28 =	simm.s32 $0x2;
	s29 =	simm.s32 $0x1  }
0x8: {  	s6 =	sand.u32 $0x1, s6;
	s7 =	sshll.u32 s1, $0x1;
	[smem:$0x7FF] =	sst s5  }
0x9: {  	s7 =	sor.u32 s6, s7;
	_ =	strace $0x80000047;
	s10 =	ssub.s32 $0x2, s6  }
0xa: {  	s6 =	sadd.s32 $0x188A00, s3;
	s9 =	sshll.u32 s7, $0x9;
	s24 =	sshll.u32 s7, $0x6  }
0xb: {  	s23 =	sshrl.u32 s10, $0x1;
	s11 =	sshll.u32 s7, $0xD;
	s0 =	sadd.s32 s0, s24  }
0xc: {  	s3 =	sadd.s32 s9, s3;
	s25 =	sadd.s32 s8, s11;
	[dreg:$0x7] =	wrdreg s0  }
0xd: {  	s10 =	ssub.s32 s10, s23;
	[dreg:$0x8] =	wrdreg s25;
	s26 =	sadd.s32 $0x1E00, s3  }
0xe: {  	s31 =	simm.s32 $0x0;
	s30 =	smax.u32 s10, $0x1;
	[dreg:$0x9] =	wrdreg s26  }
0xf: {  	s1 =	simm.s32 $0x10200;
	s11 =	simm.s32 $0x3;
	[dreg:$0xa] =	wrdreg s30  }
.LBB2_1:
0x10: {  	s0 =	rddreg [dreg:$0x7]  }
0x11: {  	[tilespmem:s5], [sflag:$0x3] =	stream.linear.gather [hbm4b:s0+s5], $0x200, $0x38;
	[tilespmem:$0x11200] =	vst v63  }
0x12: {  	_ =	swait.ge [sflag:s11], $0x200  }
0x13: {  	[sflag:s11] =	ssyncset.done $0x0  }
0x14: {  	[sflag:s11] =	ssyncadd.s32 $0xFFFFFE00  }
0x15: {  	s13 =	rddreg [dreg:$0x2]  }
0x16: {  	[tilespmem:s1], [sflag:$0x1] =	stream.indirect.gather [hbm4b:s13+s12], $0x1, s5, s12, $0xb8;
	[tilespmem:$0x11200] =	vst v63  }
0x17: {  	s14 =	simm.s32 $0x10280  }
0x18: {  	[tilespmem:s14], [sflag:$0x1] =	stream.indirect.gather [hbm4b:s2+s12], $0x1, s5, s12, $0xb8;
	[tilespmem:$0x11200] =	vst v63  }
0x19: {  	s15 =	simm.s32 $0x10300  }
0x1a: {  	[tilespmem:s15], [sflag:$0x1] =	stream.indirect.gather [hbm4b:s4+s12], $0x1, s5, s12, $0xb8;
	[tilespmem:$0x11200] =	vst v63  }
0x1b: {  	s16 =	simm.s32 $0x10600  }
0x1c: {  	[tilespmem:s16], [sflag:$0x1] =	stream.indirect.gather [hbm4b:s13+s12], $0x1, s12, s12, $0xb8;
	[tilespmem:$0x11200] =	vst v63  }
0x1d: {  	s17 =	simm.s32 $0x10680  }
0x1e: {  	[tilespmem:s17], [sflag:$0x1] =	stream.indirect.gather [hbm4b:s2+s12], $0x1, s12, s12, $0xb8;
	[tilespmem:$0x11200] =	vst v63  }
0x1f: {  	s18 =	simm.s32 $0x10700  }
0x20: {  	[tilespmem:s18], [sflag:$0x1] =	stream.indirect.gather [hbm4b:s4+s12], $0x1, s12, s12, $0xb8;
	[tilespmem:$0x11200] =	vst v63  }
0x21: {  	s19 =	simm.s32 $0x100;
	s3 =	simm.s32 $0x10A00  }
0x22: {  	[tilespmem:s3], [sflag:$0x1] =	stream.indirect.gather [hbm4b:s13+s12], $0x1, s19, s12, $0xb8;
	[tilespmem:$0x11200] =	vst v63  }
0x23: {  	s20 =	simm.s32 $0x10A80  }
0x24: {  	[tilespmem:s20], [sflag:$0x1] =	stream.indirect.gather [hbm4b:s2+s12], $0x1, s19, s12, $0xb8;
	[tilespmem:$0x11200] =	vst v63  }
0x25: {  	s21 =	simm.s32 $0x10B00  }
0x26: {  	[tilespmem:s21], [sflag:$0x1] =	stream.indirect.gather [hbm4b:s4+s12], $0x1, s19, s12, $0xb8;
	[tilespmem:$0x11200] =	vst v63  }
0x27: {  	s22 =	simm.s32 $0x180;
	s23 =	simm.s32 $0x10E00  }
0x28: {  	[tilespmem:s23], [sflag:$0x1] =	stream.indirect.gather [hbm4b:s13+s12], $0x1, s22, s12, $0xb8;
	[tilespmem:$0x11200] =	vst v63  }
0x29: {  	s24 =	simm.s32 $0x10E80  }
0x2a: {  	[tilespmem:s24], [sflag:$0x1] =	stream.indirect.gather [hbm4b:s2+s12], $0x1, s22, s12, $0xb8;
	[tilespmem:$0x11200] =	vst v63  }
0x2b: {  	s25 =	simm.s32 $0x10F00  }
0x2c: {  	[tilespmem:s25], [sflag:$0x1] =	stream.indirect.gather [hbm4b:s4+s12], $0x1, s22, s12, $0xb8;
	[tilespmem:$0x11200] =	vst v63  }
0x2d: {  	v0 =	vld [tilespmem:s5+$0x0];
	_ =	sdelay $0x4  }
0x2e: {  	v0 =	vshll.u32 v0, $0x3  }
0x2f: {  	(v2sf) =	vpush v0, $0x0;
	_ =	sdelay $0x1  }
0x30: {  	(v2sf) =	vpush v0, $0x1  }
0x31: {  	(v2sf) =	vpush v0, $0x2;
	_ =	sdelay $0x1  }
0x32: {  	(v2sf) =	vpush v0, $0x3;
	_ =	sdelay $0x1  }
0x33: {  	(v2sf) =	vpush v0, $0x4;
	_ =	sdelay $0x1  }
0x34: {  	(v2sf) =	vpush v0, $0x5;
	_ =	sdelay $0x1  }
0x35: {  	(v2sf) =	vpush v0, $0x6;
	_ =	sdelay $0x3  }
0x36: {  	s8 =	simm.s32 $0x300;
	s1 =	simm.s32 $0x280;
	s26 =	spop (v2sf);
	(v2sf) =	vpush v0, $0x7  }
0x37: {  	s14 =	simm.s32 $0x200;
	s17 =	simm.s32 $0x400;
	s19 =	simm.s32 $0x480  }
0x38: {  	s13 =	simm.s32 $0x380;
	s0 =	sand.u32 $0x1FFFFFF8, s26;
	s30 =	spop (v2sf);
	(v2sf) =	vpush v0, $0x8  }
0x39: {  	s0 =	sadd.s32 s6, s0;
	s3 =	sand.u32 $0x1FFFFFF8, s30;
	(v2sf) =	vpush v0, $0x9;
	s7 =	spop (v2sf)  }
0x3a: {  	[tilespmem:s14], [sflag:$0x2] =	stream.linear.gather [hbm4b:s0+s5], $0x40, $0x38;
	[tilespmem:$0x11200] =	vst v63  }
0x3b: {  	s3 =	sadd.s32 s6, s3;
	s9 =	sand.u32 $0x1FFFFFF8, s7;
	s10 =	spop (v2sf)  }
0x3c: {  	[tilespmem:s1], [sflag:$0x2] =	stream.linear.gather [hbm4b:s3+s5], $0x40, $0x38;
	[tilespmem:$0x11200] =	vst v63  }
0x3d: {  	(v2sf) =	vpush v0, $0xA;
	s14 =	sand.u32 $0x1FFFFFF8, s10;
	s15 =	spop (v2sf);
	s3 =	sadd.s32 s6, s9  }
0x3e: {  	[tilespmem:s8], [sflag:$0x2] =	stream.linear.gather [hbm4b:s3+s5], $0x40, $0x38;
	[tilespmem:$0x11200] =	vst v63  }
0x3f: {  	(v2sf) =	vpush v0, $0xB;
	s14 =	sadd.s32 s6, s14;
	s16 =	sand.u32 $0x1FFFFFF8, s15;
	s18 =	spop (v2sf)  }
0x40: {  	(v2sf) =	vpush v0, $0xC;
	[tilespmem:s13], [sflag:$0x2] =	stream.linear.gather [hbm4b:s14+s5], $0x40, $0x38;
	[tilespmem:$0x11200] =	vst v63  }
0x41: {  	s20 =	spop (v2sf);
	s3 =	sand.u32 $0x1FFFFFF8, s18;
	s14 =	sadd.s32 s6, s16  }
0x42: {  	(v2sf) =	vpush v0, $0xD;
	[tilespmem:s17], [sflag:$0x2] =	stream.linear.gather [hbm4b:s14+s5], $0x40, $0x38;
	[tilespmem:$0x11200] =	vst v63  }
0x43: {  	s21 =	simm.s32 $0x500;
	s3 =	sadd.s32 s6, s3;
	s14 =	sand.u32 $0x1FFFFFF8, s20  }
0x44: {  	[tilespmem:s19], [sflag:$0x2] =	stream.linear.gather [hbm4b:s3+s5], $0x40, $0x38;
	[tilespmem:$0x11200] =	vst v63  }
0x45: {  	s23 =	simm.s32 $0x580;
	s14 =	sadd.s32 s6, s14;
	s22 =	spop (v2sf)  }
0x46: {  	(v2sf) =	vpush v0, $0xE;
	[tilespmem:s21], [sflag:$0x2] =	stream.linear.gather [hbm4b:s14+s5], $0x40, $0x38;
	[tilespmem:$0x11200] =	vst v63  }
0x47: {  	s26 =	simm.s32 $0x600;
	s3 =	sand.u32 $0x1FFFFFF8, s22;
	s24 =	spop (v2sf)  }
0x48: {  	(v2sf) =	vpush v0, $0xF;
	s3 =	sadd.s32 s6, s3;
	s14 =	sand.u32 $0x1FFFFFF8, s24;
	s25 =	spop (v2sf)  }
0x49: {  	[tilespmem:s23], [sflag:$0x2] =	stream.linear.gather [hbm4b:s3+s5], $0x40, $0x38;
	[tilespmem:$0x11200] =	vst v63  }
0x4a: {  	s8 =	simm.s32 $0x700;
	s30 =	sadd.s32 s6, s14;
	s1 =	sand.u32 $0x1FFFFFF8, s25  }
0x4b: {  	[tilespmem:s26], [sflag:$0x2] =	stream.linear.gather [hbm4b:s30+s5], $0x40, $0x38;
	[tilespmem:$0x11200] =	vst v63  }
0x4c: {  	s3 =	simm.s32 $0x680;
	s7 =	spop (v2sf);
	s14 =	sadd.s32 s6, s1  }
0x4d: {  	[tilespmem:s3], [sflag:$0x2] =	stream.linear.gather [hbm4b:s14+s5], $0x40, $0x38;
	[tilespmem:$0x11200] =	vst v63  }
0x4e: {  	s13 =	simm.s32 $0x780;
	s9 =	spop (v2sf);
	s3 =	sand.u32 $0x1FFFFFF8, s7  }
0x4f: {  	s10 =	spop (v2sf);
	s14 =	sand.u32 $0x1FFFFFF8, s9;
	s3 =	sadd.s32 s6, s3  }
0x50: {  	[tilespmem:s8], [sflag:$0x2] =	stream.linear.gather [hbm4b:s3+s5], $0x40, $0x38;
	[tilespmem:$0x11200] =	vst v63  }
0x51: {  	s17 =	sand.u32 $0x1FFFFFF8, s10;
	s19 =	spop (v2sf);
	s16 =	sadd.s32 s6, s14  }
0x52: {  	[tilespmem:s13], [sflag:$0x2] =	stream.linear.gather [hbm4b:s16+s5], $0x40, $0x38;
	[tilespmem:$0x11200] =	vst v63  }
0x53: {  	s18 =	simm.s32 $0x800;
	s14 =	sadd.s32 s6, s17;
	s3 =	sand.u32 $0x1FFFFFF8, s19  }
0x54: {  	[tilespmem:s18], [sflag:$0x2] =	stream.linear.gather [hbm4b:s14+s5], $0x40, $0x38;
	[tilespmem:$0x11200] =	vst v63  }
0x55: {  	s20 =	simm.s32 $0x880;
	s3 =	sadd.s32 s6, s3;
	s21 =	spop (v2sf)  }
0x56: {  	[tilespmem:s20], [sflag:$0x2] =	stream.linear.gather [hbm4b:s3+s5], $0x40, $0x38;
	[tilespmem:$0x11200] =	vst v63  }
0x57: {  	p0 =	por $0x1, $0x1;
	s14 =	sand.u32 $0x1FFFFFF8, s21;
	s22 =	spop (v2sf)  }
0x58: {  	s23 =	simm.s32 $0x900;
	s24 =	sadd.s32 s6, s14;
	s25 =	sand.u32 $0x1FFFFFF8, s22  }
0x59: {  	[tilespmem:s23], [sflag:$0x2] =	stream.linear.gather [hbm4b:s24+s5], $0x40, $0x38;
	[tilespmem:$0x11200] =	vst v63  }
0x5a: {  	s15 =	simm.s32 @!p0 $0x2;
	s26 =	simm.s32 $0x980;
	s30 =	sadd.s32 s6, s25  }
0x5b: {  	[tilespmem:s26], [sflag:$0x2] =	stream.linear.gather [hbm4b:s30+s5], $0x40, $0x38;
	[tilespmem:$0x11200] =	vst v63  }
0x5c: {  	_ =	swait.ge @!p0 [sflag:s15], $0x40  }
0x5d: {  	[sflag:s15] =	ssyncset.done @!p0 $0x0  }
0x5e: {  	[sflag:s15] =	ssyncadd.s32 @!p0 $0xFFFFFFC0  }
0x5f: {  	_ =	swait.ge @!p0 [sflag:s15], $0x40  }
0x60: {  	[sflag:s15] =	ssyncset.done @!p0 $0x0  }
0x61: {  	[sflag:s15] =	ssyncadd.s32 @!p0 $0xFFFFFFC0  }
0x62: {  	_ =	swait.ge @!p0 [sflag:s15], $0x40  }
0x63: {  	[sflag:s15] =	ssyncset.done @!p0 $0x0  }
0x64: {  	[sflag:s15] =	ssyncadd.s32 @!p0 $0xFFFFFFC0  }
0x65: {  	_ =	swait.ge @!p0 [sflag:s15], $0x40  }
0x66: {  	[sflag:s15] =	ssyncset.done @!p0 $0x0  }
0x67: {  	[sflag:s15] =	ssyncadd.s32 @!p0 $0xFFFFFFC0  }
0x68: {  	_ =	swait.ge @!p0 [sflag:s15], $0x40  }
0x69: {  	[sflag:s15] =	ssyncset.done @!p0 $0x0  }
0x6a: {  	[sflag:s15] =	ssyncadd.s32 @!p0 $0xFFFFFFC0  }
0x6b: {  	_ =	swait.ge @!p0 [sflag:s15], $0x40  }
0x6c: {  	[sflag:s15] =	ssyncset.done @!p0 $0x0  }
0x6d: {  	[sflag:s15] =	ssyncadd.s32 @!p0 $0xFFFFFFC0  }
0x6e: {  	_ =	swait.ge @!p0 [sflag:s15], $0x40  }
0x6f: {  	[sflag:s15] =	ssyncset.done @!p0 $0x0  }
0x70: {  	[sflag:s15] =	ssyncadd.s32 @!p0 $0xFFFFFFC0  }
0x71: {  	_ =	swait.ge @!p0 [sflag:s15], $0x40  }
0x72: {  	[sflag:s15] =	ssyncset.done @!p0 $0x0  }
0x73: {  	[sflag:s15] =	ssyncadd.s32 @!p0 $0xFFFFFFC0  }
0x74: {  	_ =	swait.ge @!p0 [sflag:s15], $0x40  }
0x75: {  	[sflag:s15] =	ssyncset.done @!p0 $0x0  }
0x76: {  	[sflag:s15] =	ssyncadd.s32 @!p0 $0xFFFFFFC0  }
0x77: {  	_ =	swait.ge @!p0 [sflag:s15], $0x40  }
0x78: {  	[sflag:s15] =	ssyncset.done @!p0 $0x0  }
0x79: {  	[sflag:s15] =	ssyncadd.s32 @!p0 $0xFFFFFFC0  }
0x7a: {  	_ =	swait.ge @!p0 [sflag:s15], $0x40  }
0x7b: {  	[sflag:s15] =	ssyncset.done @!p0 $0x0  }
0x7c: {  	[sflag:s15] =	ssyncadd.s32 @!p0 $0xFFFFFFC0  }
0x7d: {  	_ =	swait.ge @!p0 [sflag:s15], $0x40  }
0x7e: {  	[sflag:s15] =	ssyncset.done @!p0 $0x0  }
0x7f: {  	[sflag:s15] =	ssyncadd.s32 @!p0 $0xFFFFFFC0  }
0x80: {  	_ =	swait.ge @!p0 [sflag:s15], $0x40  }
0x81: {  	[sflag:s15] =	ssyncset.done @!p0 $0x0  }
0x82: {  	s0 =	simm.s32 $0x2000;
	[sflag:s15] =	ssyncadd.s32 @!p0 $0xFFFFFFC0  }
0x83: {  	s3 =	simm.s32 $0x10;
	s14 =	simm.s32 $0x0;
	_ =	swait.ge @!p0 [sflag:s15], $0x40  }
.LBB2_2:
0x84: {  	[sflag:s15] =	ssyncset.done @!p0 $0x0  }
0x85: {  	s14 =	sadd.s32 $0x1, s14;
	s16 =	smov.u32 s0;
	s0 =	sadd.s32 $0x2000, s0  }
0x86: {  	p1 =	sne.s32 s0, $0x40000;
	[sflag:s15] =	ssyncadd.s32 @!p0 $0xFFFFFFC0  }
0x87: {  	_ =	swait.ge @!p0 [sflag:s15], $0x40  }
0x88: {  	[sflag:s15] =	ssyncset.done @!p0 $0x0  }
0x89: {  	[sflag:s15] =	ssyncadd.s32 @!p0 $0xFFFFFFC0  }
0x8a: {  	_ =	swait.ge @!p0 [sflag:s15], $0x40  }
0x8b: {  	[sflag:s15] =	ssyncset.done @!p0 $0x0  }
0x8c: {  	[sflag:s15] =	ssyncadd.s32 @!p0 $0xFFFFFFC0  }
0x8d: {  	v0 =	vld [tilespmem:s3+$0x0];
	_ =	sdelay $0x4  }
0x8e: {  	v0 =	vshll.u32 v0, $0x3  }
0x8f: {  	(v2sf) =	vpush v0, $0x0  }
0x90: {  	(v2sf) =	vpush v0, $0x1  }
0x91: {  	(v2sf) =	vpush v0, $0x2;
	_ =	sdelay $0x1  }
0x92: {  	(v2sf) =	vpush v0, $0x3;
	_ =	sdelay $0x1  }
0x93: {  	(v2sf) =	vpush v0, $0x4;
	_ =	sdelay $0x1  }
0x94: {  	(v2sf) =	vpush v0, $0x5  }
0x95: {  	s15 =	sshra.s32 s16, $0x2  }
0x96: {  	s25 =	sadd.s32 $0x280, s15;
	s26 =	sadd.s32 $0x380, s15;
	s30 =	sadd.s32 $0x400, s15;
	(v2sf) =	vpush v0, $0x6  }
0x97: {  	s13 =	sadd.s32 $0x200, s15;
	s7 =	sadd.s32 $0x300, s15  }
0x98: {  	p0 =	slt.u32 s14, $0x3;
	s8 =	sadd.s32 $0x480, s15;
	(v2sf) =	vpush v0, $0x7  }
0x99: {  	s21 =	sadd.s32 $0x680, s15;
	s17 =	sadd.s32 $0x880, s15;
	s16 =	sadd.s32 $0x980, s15  }
0x9a: {  	s9 =	sadd.s32 $0x500, s15;
	s24 =	sadd.s32 $0x600, s15;
	s18 =	sadd.s32 $0x800, s15;
	(v2sf) =	vpush v0, $0x8  }
0x9b: {  	s10 =	sadd.s32 $0x580, s15;
	s20 =	sadd.s32 $0x780, s15;
	s22 =	spop (v2sf)  }
0x9c: {  	s19 =	sand.u32 $0x1FFFFFF8, s22;
	s22 =	sadd.s32 $0x700, s15;
	s23 =	spop (v2sf);
	(v2sf) =	vpush v0, $0x9  }
0x9d: {  	s19 =	sadd.s32 s6, s19;
	s23 =	sand.u32 $0x1FFFFFF8, s23;
	s1 =	spop (v2sf)  }
0x9e: {  	[tilespmem:s13], [sflag:$0x2] =	stream.linear.gather [hbm4b:s19+s5], $0x40, $0x38;
	(v2sf) =	vpush v0, $0xA;
	[tilespmem:$0x11200] =	vst v63  }
0x9f: {  	s13 =	sadd.s32 s6, s23;
	s1 =	sand.u32 $0x1FFFFFF8, s1;
	s19 =	spop (v2sf)  }
0xa0: {  	[tilespmem:s25], [sflag:$0x2] =	stream.linear.gather [hbm4b:s13+s5], $0x40, $0x38;
	(v2sf) =	vpush v0, $0xB;
	[tilespmem:$0x11200] =	vst v63  }
0xa1: {  	s1 =	sadd.s32 s6, s1;
	s13 =	sand.u32 $0x1FFFFFF8, s19;
	s19 =	spop (v2sf)  }
0xa2: {  	[tilespmem:s7], [sflag:$0x2] =	stream.linear.gather [hbm4b:s1+s5], $0x40, $0x38;
	(v2sf) =	vpush v0, $0xC;
	[tilespmem:$0x11200] =	vst v63  }
0xa3: {  	s1 =	sadd.s32 s6, s13;
	s7 =	sand.u32 $0x1FFFFFF8, s19;
	s13 =	spop (v2sf)  }
0xa4: {  	[tilespmem:s26], [sflag:$0x2] =	stream.linear.gather [hbm4b:s1+s5], $0x40, $0x38;
	(v2sf) =	vpush v0, $0xD;
	[tilespmem:$0x11200] =	vst v63  }
0xa5: {  	s1 =	sadd.s32 s6, s7;
	s7 =	sand.u32 $0x1FFFFFF8, s13;
	s13 =	spop (v2sf)  }
0xa6: {  	[tilespmem:s30], [sflag:$0x2] =	stream.linear.gather [hbm4b:s1+s5], $0x40, $0x38;
	(v2sf) =	vpush v0, $0xE;
	[tilespmem:$0x11200] =	vst v63  }
0xa7: {  	s1 =	sadd.s32 s6, s7;
	s7 =	sand.u32 $0x1FFFFFF8, s13;
	s13 =	spop (v2sf)  }
0xa8: {  	[tilespmem:s8], [sflag:$0x2] =	stream.linear.gather [hbm4b:s1+s5], $0x40, $0x38;
	(v2sf) =	vpush v0, $0xF;
	[tilespmem:$0x11200] =	vst v63  }
0xa9: {  	s1 =	sadd.s32 s6, s7;
	s7 =	sand.u32 $0x1FFFFFF8, s13;
	s8 =	spop (v2sf)  }
0xaa: {  	[tilespmem:s9], [sflag:$0x2] =	stream.linear.gather [hbm4b:s1+s5], $0x40, $0x38;
	[tilespmem:$0x11200] =	vst v63  }
0xab: {  	s1 =	sadd.s32 s6, s7;
	s7 =	sand.u32 $0x1FFFFFF8, s8;
	s8 =	spop (v2sf)  }
0xac: {  	[tilespmem:s10], [sflag:$0x2] =	stream.linear.gather [hbm4b:s1+s5], $0x40, $0x38;
	[tilespmem:$0x11200] =	vst v63  }
0xad: {  	s1 =	sadd.s32 s6, s7;
	s7 =	sand.u32 $0x1FFFFFF8, s8;
	s8 =	spop (v2sf)  }
0xae: {  	[tilespmem:s24], [sflag:$0x2] =	stream.linear.gather [hbm4b:s1+s5], $0x40, $0x38;
	[tilespmem:$0x11200] =	vst v63  }
0xaf: {  	s1 =	sadd.s32 s6, s7;
	s7 =	sand.u32 $0x1FFFFFF8, s8;
	s8 =	spop (v2sf)  }
0xb0: {  	[tilespmem:s21], [sflag:$0x2] =	stream.linear.gather [hbm4b:s1+s5], $0x40, $0x38;
	[tilespmem:$0x11200] =	vst v63  }
0xb1: {  	s1 =	sadd.s32 s6, s7;
	s7 =	sand.u32 $0x1FFFFFF8, s8;
	s8 =	spop (v2sf)  }
0xb2: {  	[tilespmem:s22], [sflag:$0x2] =	stream.linear.gather [hbm4b:s1+s5], $0x40, $0x38;
	[tilespmem:$0x11200] =	vst v63  }
0xb3: {  	s1 =	sadd.s32 s6, s7;
	s7 =	sand.u32 $0x1FFFFFF8, s8;
	s8 =	spop (v2sf)  }
0xb4: {  	[tilespmem:s20], [sflag:$0x2] =	stream.linear.gather [hbm4b:s1+s5], $0x40, $0x38;
	[tilespmem:$0x11200] =	vst v63  }
0xb5: {  	s1 =	sadd.s32 s6, s7;
	s7 =	sand.u32 $0x1FFFFFF8, s8;
	s8 =	spop (v2sf)  }
0xb6: {  	[tilespmem:s18], [sflag:$0x2] =	stream.linear.gather [hbm4b:s1+s5], $0x40, $0x38;
	[tilespmem:$0x11200] =	vst v63  }
0xb7: {  	s1 =	sadd.s32 s6, s7;
	s7 =	sand.u32 $0x1FFFFFF8, s8;
	s8 =	spop (v2sf)  }
0xb8: {  	[tilespmem:s17], [sflag:$0x2] =	stream.linear.gather [hbm4b:s1+s5], $0x40, $0x38;
	[tilespmem:$0x11200] =	vst v63  }
0xb9: {  	s7 =	sadd.s32 s6, s7;
	s1 =	sadd.s32 $0x900, s15;
	s8 =	sand.u32 $0x1FFFFFF8, s8  }
0xba: {  	[tilespmem:s1], [sflag:$0x2] =	stream.linear.gather [hbm4b:s7+s5], $0x40, $0x38;
	[tilespmem:$0x11200] =	vst v63  }
0xbb: {  	s15 =	simm.s32 @!p0 $0x2;
	s1 =	sadd.s32 s6, s8  }
0xbc: {  	[tilespmem:s16], [sflag:$0x2] =	stream.linear.gather [hbm4b:s1+s5], $0x40, $0x38;
	[tilespmem:$0x11200] =	vst v63  }
0xbd: {  	_ =	swait.ge @!p0 [sflag:s15], $0x40  }
0xbe: {  	[sflag:s15] =	ssyncset.done @!p0 $0x0  }
0xbf: {  	[sflag:s15] =	ssyncadd.s32 @!p0 $0xFFFFFFC0  }
0xc0: {  	_ =	swait.ge @!p0 [sflag:s15], $0x40  }
0xc1: {  	[sflag:s15] =	ssyncset.done @!p0 $0x0  }
0xc2: {  	[sflag:s15] =	ssyncadd.s32 @!p0 $0xFFFFFFC0  }
0xc3: {  	_ =	swait.ge @!p0 [sflag:s15], $0x40  }
0xc4: {  	[sflag:s15] =	ssyncset.done @!p0 $0x0  }
0xc5: {  	[sflag:s15] =	ssyncadd.s32 @!p0 $0xFFFFFFC0  }
0xc6: {  	_ =	swait.ge @!p0 [sflag:s15], $0x40  }
0xc7: {  	[sflag:s15] =	ssyncset.done @!p0 $0x0  }
0xc8: {  	[sflag:s15] =	ssyncadd.s32 @!p0 $0xFFFFFFC0  }
0xc9: {  	_ =	swait.ge @!p0 [sflag:s15], $0x40  }
0xca: {  	[sflag:s15] =	ssyncset.done @!p0 $0x0  }
0xcb: {  	[sflag:s15] =	ssyncadd.s32 @!p0 $0xFFFFFFC0  }
0xcc: {  	_ =	swait.ge @!p0 [sflag:s15], $0x40  }
0xcd: {  	[sflag:s15] =	ssyncset.done @!p0 $0x0  }
0xce: {  	[sflag:s15] =	ssyncadd.s32 @!p0 $0xFFFFFFC0  }
0xcf: {  	_ =	swait.ge @!p0 [sflag:s15], $0x40  }
0xd0: {  	[sflag:s15] =	ssyncset.done @!p0 $0x0  }
0xd1: {  	[sflag:s15] =	ssyncadd.s32 @!p0 $0xFFFFFFC0  }
0xd2: {  	_ =	swait.ge @!p0 [sflag:s15], $0x40  }
0xd3: {  	[sflag:s15] =	ssyncset.done @!p0 $0x0  }
0xd4: {  	[sflag:s15] =	ssyncadd.s32 @!p0 $0xFFFFFFC0  }
0xd5: {  	_ =	swait.ge @!p0 [sflag:s15], $0x40  }
0xd6: {  	[sflag:s15] =	ssyncset.done @!p0 $0x0  }
0xd7: {  	[sflag:s15] =	ssyncadd.s32 @!p0 $0xFFFFFFC0  }
0xd8: {  	_ =	swait.ge @!p0 [sflag:s15], $0x40  }
0xd9: {  	[sflag:s15] =	ssyncset.done @!p0 $0x0  }
0xda: {  	[sflag:s15] =	ssyncadd.s32 @!p0 $0xFFFFFFC0  }
0xdb: {  	_ =	swait.ge @!p0 [sflag:s15], $0x40  }
0xdc: {  	[sflag:s15] =	ssyncset.done @!p0 $0x0  }
0xdd: {  	[sflag:s15] =	ssyncadd.s32 @!p0 $0xFFFFFFC0  }
0xde: {  	_ =	swait.ge @!p0 [sflag:s15], $0x40  }
0xdf: {  	[sflag:s15] =	ssyncset.done @!p0 $0x0  }
.Ltmp0:
0xe0: {  	[sflag:s15] =	ssyncadd.s32 @!p0 $0xFFFFFFC0;
	(pc) =	sbr.rel @p1 .LBB2_2-.Ltmp0, $4  }
0xe1: {  	_ =	swait.ge @!p0 [sflag:s15], $0x40  }
0xe2: {  	[sflag:s15] =	ssyncset.done @!p0 $0x0  }
0xe3: {  	[sflag:s15] =	ssyncadd.s32 @!p0 $0xFFFFFFC0  }
0xe4: {  	s3 =	sadd.s32 $0x10, s3;
	_ =	swait.ge @!p0 [sflag:s15], $0x40  }
0xe5: {  	[sflag:s15] =	ssyncset.done @!p0 $0x0  }
0xe6: {  	[sflag:s15] =	ssyncadd.s32 @!p0 $0xFFFFFFC0  }
0xe7: {  	_ =	swait.ge @!p0 [sflag:s15], $0x40  }
0xe8: {  	[sflag:s15] =	ssyncset.done @!p0 $0x0  }
0xe9: {  	[sflag:s15] =	ssyncadd.s32 @!p0 $0xFFFFFFC0  }
0xea: {  	_ =	swait.ge @!p0 [sflag:s15], $0x40  }
0xeb: {  	[sflag:s15] =	ssyncset.done @!p0 $0x0  }
0xec: {  	[sflag:s15] =	ssyncadd.s32 @!p0 $0xFFFFFFC0  }
0xed: {  	_ =	swait.ge [sflag:s28], $0x40  }
0xee: {  	[sflag:s28] =	ssyncset.done $0x0  }
0xef: {  	[sflag:s28] =	ssyncadd.s32 $0xFFFFFFC0  }
0xf0: {  	_ =	swait.ge [sflag:s28], $0x40  }
0xf1: {  	[sflag:s28] =	ssyncset.done $0x0  }
0xf2: {  	[sflag:s28] =	ssyncadd.s32 $0xFFFFFFC0  }
0xf3: {  	_ =	swait.ge [sflag:s28], $0x40  }
0xf4: {  	[sflag:s28] =	ssyncset.done $0x0  }
0xf5: {  	[sflag:s28] =	ssyncadd.s32 $0xFFFFFFC0  }
0xf6: {  	_ =	swait.ge [sflag:s28], $0x40  }
0xf7: {  	[sflag:s28] =	ssyncset.done $0x0  }
0xf8: {  	[sflag:s28] =	ssyncadd.s32 $0xFFFFFFC0  }
0xf9: {  	_ =	swait.ge [sflag:s28], $0x40  }
0xfa: {  	[sflag:s28] =	ssyncset.done $0x0  }
0xfb: {  	[sflag:s28] =	ssyncadd.s32 $0xFFFFFFC0  }
0xfc: {  	_ =	swait.ge [sflag:s28], $0x40  }
0xfd: {  	[sflag:s28] =	ssyncset.done $0x0  }
0xfe: {  	[sflag:s28] =	ssyncadd.s32 $0xFFFFFFC0  }
0xff: {  	_ =	swait.ge [sflag:s28], $0x40  }
0x100: {  	[sflag:s28] =	ssyncset.done $0x0  }
0x101: {  	[sflag:s28] =	ssyncadd.s32 $0xFFFFFFC0  }
0x102: {  	_ =	swait.ge [sflag:s28], $0x40  }
0x103: {  	[sflag:s28] =	ssyncset.done $0x0  }
0x104: {  	[sflag:s28] =	ssyncadd.s32 $0xFFFFFFC0  }
0x105: {  	_ =	swait.ge [sflag:s28], $0x40  }
0x106: {  	[sflag:s28] =	ssyncset.done $0x0  }
0x107: {  	[sflag:s28] =	ssyncadd.s32 $0xFFFFFFC0  }
0x108: {  	_ =	swait.ge [sflag:s28], $0x40  }
0x109: {  	[sflag:s28] =	ssyncset.done $0x0  }
0x10a: {  	[sflag:s28] =	ssyncadd.s32 $0xFFFFFFC0  }
0x10b: {  	_ =	swait.ge [sflag:s28], $0x40  }
0x10c: {  	[sflag:s28] =	ssyncset.done $0x0  }
0x10d: {  	[sflag:s28] =	ssyncadd.s32 $0xFFFFFFC0  }
0x10e: {  	_ =	swait.ge [sflag:s28], $0x40  }
0x10f: {  	[sflag:s28] =	ssyncset.done $0x0  }
0x110: {  	[sflag:s28] =	ssyncadd.s32 $0xFFFFFFC0  }
0x111: {  	_ =	swait.ge [sflag:s28], $0x40  }
0x112: {  	[sflag:s28] =	ssyncset.done $0x0  }
0x113: {  	[sflag:s28] =	ssyncadd.s32 $0xFFFFFFC0  }
0x114: {  	_ =	swait.ge [sflag:s28], $0x40  }
0x115: {  	[sflag:s28] =	ssyncset.done $0x0  }
0x116: {  	[sflag:s28] =	ssyncadd.s32 $0xFFFFFFC0  }
0x117: {  	_ =	swait.ge [sflag:s28], $0x40  }
0x118: {  	[sflag:s28] =	ssyncset.done $0x0  }
0x119: {  	[sflag:s28] =	ssyncadd.s32 $0xFFFFFFC0  }
0x11a: {  	_ =	swait.ge [sflag:s28], $0x40  }
0x11b: {  	[sflag:s28] =	ssyncset.done $0x0  }
0x11c: {  	[sflag:s28] =	ssyncadd.s32 $0xFFFFFFC0  }
0x11d: {  	_ =	swait.ge [sflag:s28], $0x40  }
0x11e: {  	[sflag:s28] =	ssyncset.done $0x0  }
0x11f: {  	[sflag:s28] =	ssyncadd.s32 $0xFFFFFFC0  }
0x120: {  	_ =	swait.ge [sflag:s28], $0x40  }
0x121: {  	[sflag:s28] =	ssyncset.done $0x0  }
0x122: {  	[sflag:s28] =	ssyncadd.s32 $0xFFFFFFC0  }
0x123: {  	_ =	swait.ge [sflag:s28], $0x40  }
0x124: {  	[sflag:s28] =	ssyncset.done $0x0  }
0x125: {  	[sflag:s28] =	ssyncadd.s32 $0xFFFFFFC0  }
0x126: {  	_ =	swait.ge [sflag:s28], $0x40  }
0x127: {  	[sflag:s28] =	ssyncset.done $0x0  }
0x128: {  	[sflag:s28] =	ssyncadd.s32 $0xFFFFFFC0  }
0x129: {  	_ =	swait.ge [sflag:s28], $0x40  }
0x12a: {  	[sflag:s28] =	ssyncset.done $0x0  }
0x12b: {  	[sflag:s28] =	ssyncadd.s32 $0xFFFFFFC0  }
0x12c: {  	_ =	swait.ge [sflag:s28], $0x40  }
0x12d: {  	[sflag:s28] =	ssyncset.done $0x0  }
0x12e: {  	[sflag:s28] =	ssyncadd.s32 $0xFFFFFFC0  }
0x12f: {  	_ =	swait.ge [sflag:s28], $0x40  }
0x130: {  	[sflag:s28] =	ssyncset.done $0x0  }
0x131: {  	[sflag:s28] =	ssyncadd.s32 $0xFFFFFFC0  }
0x132: {  	_ =	swait.ge [sflag:s28], $0x40  }
0x133: {  	[sflag:s28] =	ssyncset.done $0x0  }
0x134: {  	[sflag:s28] =	ssyncadd.s32 $0xFFFFFFC0  }
0x135: {  	_ =	swait.ge [sflag:s28], $0x40  }
0x136: {  	[sflag:s28] =	ssyncset.done $0x0  }
0x137: {  	[sflag:s28] =	ssyncadd.s32 $0xFFFFFFC0  }
0x138: {  	_ =	swait.ge [sflag:s28], $0x40  }
0x139: {  	[sflag:s28] =	ssyncset.done $0x0  }
0x13a: {  	[sflag:s28] =	ssyncadd.s32 $0xFFFFFFC0  }
0x13b: {  	_ =	swait.ge [sflag:s28], $0x40  }
0x13c: {  	[sflag:s28] =	ssyncset.done $0x0  }
0x13d: {  	[sflag:s28] =	ssyncadd.s32 $0xFFFFFFC0  }
0x13e: {  	_ =	swait.ge [sflag:s28], $0x40  }
0x13f: {  	[sflag:s28] =	ssyncset.done $0x0  }
0x140: {  	[sflag:s28] =	ssyncadd.s32 $0xFFFFFFC0  }
0x141: {  	_ =	swait.ge [sflag:s28], $0x40  }
0x142: {  	[sflag:s28] =	ssyncset.done $0x0  }
0x143: {  	[sflag:s28] =	ssyncadd.s32 $0xFFFFFFC0  }
0x144: {  	_ =	swait.ge [sflag:s28], $0x40  }
0x145: {  	[sflag:s28] =	ssyncset.done $0x0  }
0x146: {  	[sflag:s28] =	ssyncadd.s32 $0xFFFFFFC0  }
0x147: {  	_ =	swait.ge [sflag:s28], $0x40  }
0x148: {  	[sflag:s28] =	ssyncset.done $0x0  }
0x149: {  	[sflag:s28] =	ssyncadd.s32 $0xFFFFFFC0  }
0x14a: {  	_ =	swait.ge [sflag:s28], $0x40  }
0x14b: {  	[sflag:s28] =	ssyncset.done $0x0  }
0x14c: {  	[sflag:s28] =	ssyncadd.s32 $0xFFFFFFC0  }
0x14d: {  	_ =	swait.ge [sflag:s28], $0x40  }
0x14e: {  	[sflag:s28] =	ssyncset.done $0x0  }
0x14f: {  	[sflag:s28] =	ssyncadd.s32 $0xFFFFFFC0  }
0x150: {  	_ =	swait.ge [sflag:s28], $0x40  }
0x151: {  	[sflag:s28] =	ssyncset.done $0x0  }
0x152: {  	[sflag:s28] =	ssyncadd.s32 $0xFFFFFFC0  }
0x153: {  	_ =	swait.ge [sflag:s28], $0x40  }
0x154: {  	[sflag:s28] =	ssyncset.done $0x0  }
0x155: {  	[sflag:s28] =	ssyncadd.s32 $0xFFFFFFC0  }
0x156: {  	_ =	swait.ge [sflag:s28], $0x40  }
0x157: {  	[sflag:s28] =	ssyncset.done $0x0  }
0x158: {  	[sflag:s28] =	ssyncadd.s32 $0xFFFFFFC0  }
0x159: {  	_ =	swait.ge [sflag:s28], $0x40  }
0x15a: {  	[sflag:s28] =	ssyncset.done $0x0  }
0x15b: {  	[sflag:s28] =	ssyncadd.s32 $0xFFFFFFC0  }
0x15c: {  	_ =	swait.ge [sflag:s28], $0x40  }
0x15d: {  	[sflag:s28] =	ssyncset.done $0x0  }
0x15e: {  	[sflag:s28] =	ssyncadd.s32 $0xFFFFFFC0  }
0x15f: {  	_ =	swait.ge [sflag:s28], $0x40  }
0x160: {  	[sflag:s28] =	ssyncset.done $0x0  }
0x161: {  	[sflag:s28] =	ssyncadd.s32 $0xFFFFFFC0  }
0x162: {  	_ =	swait.ge [sflag:s28], $0x40  }
0x163: {  	[sflag:s28] =	ssyncset.done $0x0  }
0x164: {  	[sflag:s28] =	ssyncadd.s32 $0xFFFFFFC0  }
0x165: {  	_ =	swait.ge [sflag:s28], $0x40  }
0x166: {  	[sflag:s28] =	ssyncset.done $0x0  }
0x167: {  	[sflag:s28] =	ssyncadd.s32 $0xFFFFFFC0  }
0x168: {  	_ =	swait.ge [sflag:s28], $0x40  }
0x169: {  	[sflag:s28] =	ssyncset.done $0x0  }
0x16a: {  	[sflag:s28] =	ssyncadd.s32 $0xFFFFFFC0  }
0x16b: {  	_ =	swait.ge [sflag:s28], $0x40  }
0x16c: {  	[sflag:s28] =	ssyncset.done $0x0  }
0x16d: {  	[sflag:s28] =	ssyncadd.s32 $0xFFFFFFC0  }
0x16e: {  	_ =	swait.ge [sflag:s28], $0x40  }
0x16f: {  	[sflag:s28] =	ssyncset.done $0x0  }
0x170: {  	[sflag:s28] =	ssyncadd.s32 $0xFFFFFFC0  }
0x171: {  	_ =	swait.ge [sflag:s28], $0x40  }
0x172: {  	[sflag:s28] =	ssyncset.done $0x0  }
0x173: {  	[sflag:s28] =	ssyncadd.s32 $0xFFFFFFC0  }
0x174: {  	_ =	swait.ge [sflag:s28], $0x40  }
0x175: {  	[sflag:s28] =	ssyncset.done $0x0  }
0x176: {  	[sflag:s28] =	ssyncadd.s32 $0xFFFFFFC0  }
0x177: {  	_ =	swait.ge [sflag:s28], $0x40  }
0x178: {  	[sflag:s28] =	ssyncset.done $0x0  }
0x179: {  	[sflag:s28] =	ssyncadd.s32 $0xFFFFFFC0  }
0x17a: {  	_ =	swait.ge [sflag:s28], $0x40  }
0x17b: {  	[sflag:s28] =	ssyncset.done $0x0  }
0x17c: {  	[sflag:s28] =	ssyncadd.s32 $0xFFFFFFC0  }
0x17d: {  	_ =	swait.ge [sflag:s29], $0x80  }
0x17e: {  	[sflag:s29] =	ssyncset.done $0x0  }
0x17f: {  	[sflag:s29] =	ssyncadd.s32 $0xFFFFFF80  }
0x180: {  	_ =	swait.ge [sflag:s29], $0x80  }
0x181: {  	[sflag:s29] =	ssyncset.done $0x0  }
0x182: {  	[sflag:s29] =	ssyncadd.s32 $0xFFFFFF80  }
0x183: {  	_ =	swait.ge [sflag:s29], $0x80  }
0x184: {  	[sflag:s29] =	ssyncset.done $0x0  }
0x185: {  	[sflag:s29] =	ssyncadd.s32 $0xFFFFFF80  }
0x186: {  	_ =	swait.ge [sflag:s29], $0x80  }
0x187: {  	[sflag:s29] =	ssyncset.done $0x0  }
0x188: {  	[sflag:s29] =	ssyncadd.s32 $0xFFFFFF80  }
0x189: {  	_ =	swait.ge [sflag:s29], $0x80  }
0x18a: {  	[sflag:s29] =	ssyncset.done $0x0  }
0x18b: {  	[sflag:s29] =	ssyncadd.s32 $0xFFFFFF80  }
0x18c: {  	_ =	swait.ge [sflag:s29], $0x80  }
0x18d: {  	[sflag:s29] =	ssyncset.done $0x0  }
0x18e: {  	[sflag:s29] =	ssyncadd.s32 $0xFFFFFF80  }
0x18f: {  	_ =	swait.ge [sflag:s29], $0x80  }
0x190: {  	[sflag:s29] =	ssyncset.done $0x0  }
0x191: {  	[sflag:s29] =	ssyncadd.s32 $0xFFFFFF80  }
0x192: {  	_ =	swait.ge [sflag:s29], $0x80  }
0x193: {  	[sflag:s29] =	ssyncset.done $0x0  }
0x194: {  	[sflag:s29] =	ssyncadd.s32 $0xFFFFFF80  }
0x195: {  	_ =	swait.ge [sflag:s29], $0x80  }
0x196: {  	[sflag:s29] =	ssyncset.done $0x0  }
0x197: {  	[sflag:s29] =	ssyncadd.s32 $0xFFFFFF80  }
0x198: {  	_ =	swait.ge [sflag:s29], $0x80  }
0x199: {  	[sflag:s29] =	ssyncset.done $0x0  }
0x19a: {  	[sflag:s29] =	ssyncadd.s32 $0xFFFFFF80  }
0x19b: {  	_ =	swait.ge [sflag:s29], $0x80  }
0x19c: {  	[sflag:s29] =	ssyncset.done $0x0  }
0x19d: {  	[sflag:s29] =	ssyncadd.s32 $0xFFFFFF80  }
0x19e: {  	_ =	swait.ge [sflag:s29], $0x80  }
0x19f: {  	[sflag:s29] =	ssyncset.done $0x0  }
0x1a0: {  	s1 =	simm.s32 $0x200;
	s0 =	rddreg [dreg:$0x8];
	[sflag:s29] =	ssyncadd.s32 $0xFFFFFF80  }
0x1a1: {  	[hbm4b:s0+s5] =	stream.linear.scatter [tilespmem:s1], [sflag:$0x3], $0x10000, $0x38;
	[tilespmem:$0x11200] =	vst v63  }
0x1a2: {  	_ =	swait.ge [sflag:s11], $0x10000  }
0x1a3: {  	[sflag:s11] =	ssyncset.done $0x0  }
0x1a4: {  	s1 =	simm.s32 $0x10200;
	s26 =	rddreg [dreg:$0x9];
	[sflag:s11] =	ssyncadd.s32 $0xFFFF0000  }
0x1a5: {  	[hbm4b:s26+s5] =	stream.linear.scatter [tilespmem:s1], [sflag:$0x3], $0x1000, $0x38;
	[tilespmem:$0x11200] =	vst v63  }
0x1a6: {  	_ =	swait.ge [sflag:s11], $0x1000  }
0x1a7: {  	s31 =	sadd.s32 $0x1, s31;
	s30 =	rddreg [dreg:$0xa]  }
0x1a8: {  	p0 =	sne.s32 s31, s30  }
.Ltmp1:
0x1a9: {  	_ = 	snop;
	(pc) =	sbr.rel @p0 .LBB2_1-.Ltmp1, $3  }
0x1aa: {  	_ =	sdelay $0x1  }
0x1ab: {  	[sflag:s11] =	ssyncset.done $0x0  }
0x1ac: {  	[sflag:s11] =	ssyncadd.s32 $0xFFFFF000  }
0x1ad: {  	_ =	sfence.sel $0x180000  }
0x1ae: {  	[bflag:$0x0] =	sbarrier.arrive $0xFFFF  }
0x1af: {  	_ =	strace $0x90000047  }
0x1b0: {  	s0 =	stileid.u32;
	[bflag:$0x2] =	sbarrier.arrive $0xFFFF  }
0x1b1: {  	p0 =	sne.s32 s0, $0x0;
	s0 =	rddreg [dreg:$0x6]  }
0x1b2: {  	s0 =	sadd.s32 @!p0 $0x100000, s0  }
0x1b3: {  	[sflag:s0] =	ssyncadd.tile.s32 @!p0 $0x1;
	_ =	shalt  }
.Lfunc_end2:
_tile_overlayer_lowered:
.L_overlay_start_2:
0x1b4: {  	(tag) =	ssettag $0x2  }
0x1b5: {  	s0 =	rddreg [dreg:$0x0];
	s2 =	stileid.u32  }
0x1b6: {  	s1 =	rddreg [dreg:$0x1];
	p0 =	sne.s32 s2, $0x0  }
0x1b7: {  	s3 =	rddreg [dreg:$0x2];
	[bflag:$0x3] =	sbarrier.arrive $0xFFFF;
	s2 =	simm.s32 @!p0 $0x1C03  }
0x1b8: {  	[timem:s3], [sflag:s2] =	dma.local @!p0 [hbm:s0], s1  }
0x1b9: {  	s0 =	simm.s32 @!p0 $0x3  }
0x1ba: {  	_ =	swait.ge @!p0 [sflag:s0], s1  }
0x1bb: {  	s1 =	ssub.s32 @!p0 $0x0, s1;
	[sflag:s0] =	ssyncset.done @!p0 $0x0  }
0x1bc: {  	[sflag:s0] =	ssyncadd.s32 @!p0 s1  }
0x1bd: {  	[bflag:$0x3] =	sbarrier.arrive $0xFFFF  }
0x1be: {  	_ =	shalt  }

</sc_bundles>
